<compile_context>
chip_gen: v7x
topology: tpu7x:2x2x1
jax: 0.10.2.dev20260603
libtpu: 0.0.44.dev20260713+nightly
codegen_flags: <defaults>
</compile_context>

<pallas_src>
import functools

import jax
import jax.numpy as jnp
from jax import lax
from jax.experimental import pallas as pl
from jax.experimental.pallas import tpu as pltpu
from jax.experimental.pallas import tpu_sc as plsc

N = 10000
E = 320000
D = 128
DE = 16

NC = 2
NS = 16
NW = NC * NS
EW = E // NW
GCH = 125
GNB = 2
GNCH = EW // GCH
CHUNK = 80
NCHUNK = EW // CHUNK
NBUF = 2
N_SH = 10080
ZCH = 80
NZ = N_SH // ZCH
OUT_CHUNK = 80
NOUT = N // OUT_CHUNK

_vector_mesh = plsc.VectorSubcoreMesh(core_axis_name="c", subcore_axis_name="s")


def _zero_rows(ref):
    zv = jnp.zeros((16,), jnp.float32)

    @pl.loop(0, ref.shape[0])
    def _(i):
        @pl.loop(0, D, step=16)
        def _(j):
            ref[i, pl.ds(j, 16)] = zv


def _zero_accum(zb, sh_ref, s):
    @pl.loop(0, pl.cdiv(NZ, NS))
    def _(k):
        ci = k * NS + s

        @pl.when(ci < NZ)
        def _():
            pltpu.sync_copy(zb, sh_ref.at[pl.ds(ci * ZCH, ZCH)])


def _copy_out(sh_ref, out_ref, c, s):
    @pl.loop(0, pl.cdiv(NOUT, NS))
    def _(k):
        ci = k * NS + s

        @pl.when(ci < NOUT)
        def _():
            row = ci * OUT_CHUNK
            pltpu.sync_copy(sh_ref.at[pl.ds(row, OUT_CHUNK)],
                            out_ref.at[c, pl.ds(row, OUT_CHUNK)])


def _edge_pipeline(nchunk, nbuf, idx_issue, idx_wait, load_issue, load_wait,
                   rows_v, dsts, g_sh, ssems):

    def s_issue(kk, b):
        pltpu.async_copy(rows_v.at[b], g_sh.at[dsts[b]], ssems[b], add=True)

    def s_wait(kk, b):
        pltpu.make_async_copy(rows_v.at[b], g_sh.at[dsts[b]], ssems[b]).wait()

    for b in range(nbuf):
        idx_issue(b, b)

    @pl.loop(0, pl.cdiv(nchunk, nbuf))
    def _(g):
        for b in range(nbuf):
            kk = g * nbuf + b

            @pl.when(kk < nchunk)
            def _():
                idx_wait(kk, b)
                load_issue(kk, b)

        for b in range(nbuf):
            kk = g * nbuf + b

            @pl.when(kk < nchunk)
            def _():
                load_wait(kk, b)
                s_issue(kk, b)

        for b in range(nbuf):
            kk = g * nbuf + b
            nxt = kk + nbuf

            @pl.when(kk < nchunk)
            def _():
                s_wait(kk, b)

                @pl.when(nxt < nchunk)
                def _():
                    idx_issue(nxt, b)


@functools.partial(
    pl.kernel,
    out_type=jax.ShapeDtypeStruct((NC, N, D), jnp.float32),
    mesh=_vector_mesh,
    scratch_types=[
        pltpu.VMEM((GCH,), jnp.int32),
        pltpu.VMEM((GCH,), jnp.int32),
        pltpu.VMEM((GCH,), jnp.int32),
        pltpu.VMEM((GCH,), jnp.int32),
        pltpu.VMEM((GNB, GCH, D), jnp.float32),
        pltpu.VMEM_SHARED((N_SH, D), jnp.float32),
        pltpu.SemaphoreType.DMA,
        pltpu.SemaphoreType.DMA,
        pltpu.SemaphoreType.DMA,
        pltpu.SemaphoreType.DMA,
        pltpu.SemaphoreType.DMA,
        pltpu.SemaphoreType.DMA,
    ],
)
def _sc_gather_segsum(x_hbm, ei_hbm, g_out,
                      s0, s1, d0, d1, rows_v, g_sh,
                      is0, is1, gs0, gs1, ss0, ss1):
    c = lax.axis_index("c")
    s = lax.axis_index("s")
    wid = c * NS + s
    srcs = (s0, s1)
    dsts = (d0, d1)
    isems = (is0, is1)
    gsems = (gs0, gs1)
    ssems = (ss0, ss1)

    _zero_rows(rows_v.at[0])
    _zero_accum(rows_v.at[0].at[pl.ds(0, ZCH)], g_sh, s)
    plsc.subcore_barrier()

    def i_issue(kk, b):
        pltpu.async_copy(ei_hbm.at[0, wid, kk], srcs[b], isems[b])
        pltpu.async_copy(ei_hbm.at[1, wid, kk], dsts[b], isems[b])

    def i_wait(kk, b):
        pltpu.make_async_copy(ei_hbm.at[0, wid, kk], srcs[b], isems[b]).wait()
        pltpu.make_async_copy(ei_hbm.at[1, wid, kk], dsts[b], isems[b]).wait()

    def g_issue(kk, b):
        pltpu.async_copy(x_hbm.at[srcs[b]], rows_v.at[b], gsems[b])

    def g_wait(kk, b):
        pltpu.make_async_copy(x_hbm.at[srcs[b]], rows_v.at[b],
                              gsems[b]).wait()

    _edge_pipeline(GNCH, GNB, i_issue, i_wait, g_issue, g_wait, rows_v,
                   dsts, g_sh, ssems)

    plsc.subcore_barrier()
    _copy_out(g_sh, g_out, c, s)


@functools.partial(
    pl.kernel,
    out_type=jax.ShapeDtypeStruct((NC, N, D), jnp.float32),
    mesh=_vector_mesh,
    scratch_types=[
        pltpu.VMEM((CHUNK,), jnp.int32),
        pltpu.VMEM((CHUNK,), jnp.int32),
        pltpu.VMEM((NBUF, CHUNK, D), jnp.float32),
        pltpu.VMEM_SHARED((N_SH, D), jnp.float32),
        pltpu.SemaphoreType.DMA,
        pltpu.SemaphoreType.DMA,
        pltpu.SemaphoreType.DMA,
        pltpu.SemaphoreType.DMA,
        pltpu.SemaphoreType.DMA,
        pltpu.SemaphoreType.DMA,
    ],
)
def _sc_secnt(ea_hbm, ei_hbm, se_out,
              d0, d1, rows_v, se_sh,
              is0, is1, gs0, gs1, ss0, ss1):
    c = lax.axis_index("c")
    s = lax.axis_index("s")
    wid = c * NS + s
    dsts = (d0, d1)
    isems = (is0, is1)
    gsems = (gs0, gs1)
    ssems = (ss0, ss1)

    _zero_rows(rows_v.at[0])
    _zero_accum(rows_v.at[0], se_sh, s)
    plsc.subcore_barrier()

    def i_issue(kk, b):
        pltpu.async_copy(ei_hbm.at[1, wid, kk], dsts[b], isems[b])

    def i_wait(kk, b):
        pltpu.make_async_copy(ei_hbm.at[1, wid, kk], dsts[b], isems[b]).wait()

    def l_issue(kk, b):
        base = wid * EW + kk * CHUNK
        pltpu.async_copy(ea_hbm.at[pl.ds(base, CHUNK)], rows_v.at[b],
                         gsems[b])

    def l_wait(kk, b):
        base = wid * EW + kk * CHUNK
        pltpu.make_async_copy(ea_hbm.at[pl.ds(base, CHUNK)], rows_v.at[b],
                              gsems[b]).wait()

    _edge_pipeline(NCHUNK, NBUF, i_issue, i_wait, l_issue, l_wait, rows_v,
                   dsts, se_sh, ssems)

    plsc.subcore_barrier()
    _copy_out(se_sh, se_out, c, s)


ROWS_BLK = 1000


def _tc_layer_body(x_ref, gp_ref, sep_ref, wmx_ref, wme_ref, bm_ref,
                   wax_ref, waa_ref, ba_ref, o_ref):
    g = gp_ref[0] + gp_ref[1]
    sec = sep_ref[0] + sep_ref[1]
    se = sec[:, :DE]
    cnt = sec[:, DE:DE + 1]
    msum = jnp.dot(g, wmx_ref[...], preferred_element_type=jnp.float32)
    msum += jnp.dot(se, wme_ref[...], preferred_element_type=jnp.float32)
    msum += cnt * bm_ref[...]
    aggr = msum / jnp.maximum(cnt, 1.0)
    h = jnp.dot(x_ref[...], wax_ref[...], preferred_element_type=jnp.float32)
    h += jnp.dot(aggr, waa_ref[...], preferred_element_type=jnp.float32)
    h += ba_ref[...]
    o_ref[...] = jnp.maximum(h, 0.0)


_tc_layer = pl.pallas_call(
    _tc_layer_body,
    grid=(N // ROWS_BLK,),
    in_specs=[
        pl.BlockSpec((ROWS_BLK, D), lambda i: (i, 0)),
        pl.BlockSpec((NC, ROWS_BLK, D), lambda i: (0, i, 0)),
        pl.BlockSpec((NC, ROWS_BLK, D), lambda i: (0, i, 0)),
        pl.BlockSpec((D, D), lambda i: (0, 0)),
        pl.BlockSpec((DE, D), lambda i: (0, 0)),
        pl.BlockSpec((1, D), lambda i: (0, 0)),
        pl.BlockSpec((D, D), lambda i: (0, 0)),
        pl.BlockSpec((D, D), lambda i: (0, 0)),
        pl.BlockSpec((1, D), lambda i: (0, 0)),
    ],
    out_specs=pl.BlockSpec((ROWS_BLK, D), lambda i: (i, 0)),
    out_shape=jax.ShapeDtypeStruct((N, D), jnp.float32),
)


def kernel(x, edge_index, edge_attr, W_msg1, b_msg1, W_apply1, b_apply1,
           W_msg2, b_msg2, W_apply2, b_apply2):
    ei_g = edge_index.reshape(2, NW, GNCH, GCH)
    ei_s = edge_index.reshape(2, NW, NCHUNK, CHUNK)
    ea_aug = jnp.concatenate(
        [edge_attr, jnp.ones((E, 1), jnp.float32),
         jnp.zeros((E, D - DE - 1), jnp.float32)], axis=1)

    g1p = _sc_gather_segsum(x, ei_g)
    sep = _sc_secnt(ea_aug, ei_s)
    h1 = _tc_layer(x, g1p, sep,
                   W_msg1[:D], W_msg1[D:], b_msg1.reshape(1, D),
                   W_apply1[:D], W_apply1[D:], b_apply1.reshape(1, D))
    g2p = _sc_gather_segsum(h1, ei_g)
    out = _tc_layer(h1, g2p, sep,
                    W_msg2[:D], W_msg2[D:], b_msg2.reshape(1, D),
                    W_apply2[:D], W_apply2[D:], b_apply2.reshape(1, D))
    return out

# --- scband reference (transcript-rebuilt; emitter-appended) ---
"""Pipeline reference for scband-sage-82540681494777 (READ-ONLY COPY).

The authoritative reference and input builder live on the scoring server;
editing this copy changes nothing except your own understanding.
"""

import jax, jax.numpy as jnp
import numpy as np

N = 10000
E = 320000
D_IN = 128
D_EDGE = 16
D_HID = 128
D_OUT = 128


def _glorot(key, shape):
    fan_in = shape[0]
    return jax.random.normal(key, shape, dtype=jnp.float32) * (1.0 / np.sqrt(fan_in))


def setup_inputs(seed: int = 0) -> dict:
    key = jax.random.key(seed)
    ks = jax.random.split(key, 12)
    x = jax.random.normal(ks[0], (N, D_IN), dtype=jnp.float32)
    edge_index = jax.random.randint(ks[1], (2, E), 0, N).astype(jnp.int32)
    edge_attr = jax.random.normal(ks[2], (E, D_EDGE), dtype=jnp.float32)
    # Layer 1 params: W_msg: Linear(ndim_in + edims -> 128); W_apply: Linear(ndim_in + 128 -> 128)
    W_msg1 = _glorot(ks[3], (D_IN + D_EDGE, D_HID))
    b_msg1 = jnp.zeros((D_HID,), dtype=jnp.float32)
    W_apply1 = _glorot(ks[4], (D_IN + D_HID, D_HID))
    b_apply1 = jnp.zeros((D_HID,), dtype=jnp.float32)
    # Layer 2 params: W_msg: Linear(128 + edims -> ndim_out); W_apply: Linear(128 + ndim_out -> ndim_out)
    W_msg2 = _glorot(ks[5], (D_HID + D_EDGE, D_OUT))
    b_msg2 = jnp.zeros((D_OUT,), dtype=jnp.float32)
    W_apply2 = _glorot(ks[6], (D_HID + D_OUT, D_OUT))
    b_apply2 = jnp.zeros((D_OUT,), dtype=jnp.float32)
    return {
        "x": x,
        "edge_index": edge_index,
        "edge_attr": edge_attr,
        "W_msg1": W_msg1, "b_msg1": b_msg1,
        "W_apply1": W_apply1, "b_apply1": b_apply1,
        "W_msg2": W_msg2, "b_msg2": b_msg2,
        "W_apply2": W_apply2, "b_apply2": b_apply2,
    }


def _sage_layer(x, edge_index, edge_attr, W_msg, b_msg, W_apply, b_apply):
    src = edge_index[0]
    dst = edge_index[1]
    n = x.shape[0]
    # message: W_msg(cat([x_j, edge_attr]))
    x_j = jnp.take(x, src, axis=0)
    msg = jnp.concatenate([x_j, edge_attr], axis=-1) @ W_msg + b_msg
    # aggr='mean' over destination nodes
    s = jax.ops.segment_sum(msg, dst, num_segments=n)
    cnt = jax.ops.segment_sum(jnp.ones((msg.shape[0], 1), dtype=x.dtype), dst, num_segments=n)
    aggr = s / jnp.maximum(cnt, 1.0)
    # update: activation(W_apply(cat([x, aggr])))
    h = jnp.concatenate([x, aggr], axis=-1) @ W_apply + b_apply
    return jax.nn.relu(h)


def reference(x, edge_index, edge_attr, W_msg1, b_msg1, W_apply1, b_apply1, W_msg2, b_msg2, W_apply2, b_apply2):
    # dropout is identity in eval mode
    h = _sage_layer(x, edge_index, edge_attr, W_msg1, b_msg1, W_apply1, b_apply1)
    h = _sage_layer(h, edge_index, edge_attr, W_msg2, b_msg2, W_apply2, b_apply2)
    return h

if __name__ == "__main__":
    import jax
    _d = setup_inputs()
    print(jax.jit(kernel)(*tuple(_d.values())))

</pallas_src>

<mosaic_0001>
#map = affine_map<(d0, d1) -> (0, 0)>
#map1 = affine_map<(d0, d1) -> (0, 0, 0, 0)>
#map2 = affine_map<(d0, d1) -> (0, 0, 0)>
module attributes {stable_mosaic.version = 14 : i64} {
  func.func @_sc_gather_segsum(%arg0: i32, %arg1: i32, %arg2: memref<10000x128xf32, #tpu.memory_space<hbm>>, %arg3: memref<2x32x80x125xi32, #tpu.memory_space<hbm>>, %arg4: memref<2x10000x128xf32, #tpu.memory_space<hbm>>, %arg5: memref<125xi32, #tpu.memory_space<vmem>>, %arg6: memref<125xi32, #tpu.memory_space<vmem>>, %arg7: memref<125xi32, #tpu.memory_space<vmem>>, %arg8: memref<125xi32, #tpu.memory_space<vmem>>, %arg9: memref<2x125x128xf32, #tpu.memory_space<vmem>>, %arg10: memref<10080x128xf32, #tpu.memory_space<vmem_shared>>, %arg11: memref<!tpu.dma_semaphore, #tpu.memory_space<semaphore_mem>>, %arg12: memref<!tpu.dma_semaphore, #tpu.memory_space<semaphore_mem>>, %arg13: memref<!tpu.dma_semaphore, #tpu.memory_space<semaphore_mem>>, %arg14: memref<!tpu.dma_semaphore, #tpu.memory_space<semaphore_mem>>, %arg15: memref<!tpu.dma_semaphore, #tpu.memory_space<semaphore_mem>>, %arg16: memref<!tpu.dma_semaphore, #tpu.memory_space<semaphore_mem>>) attributes {dimension_semantics = [#tpu.dimension_semantics<core_parallel>, #tpu.dimension_semantics<subcore_parallel>], iteration_bounds = array<i64: 2, 16>, scalar_prefetch = 0 : i64, scratch_operands = 12 : i64, tpu.core_type = #tpu.core_type<sc_vector_subcore>, window_params = [{transform_indices = #map}, {transform_indices = #map1}, {transform_indices = #map2}]} {
    %mul3A = arith.constant 16 : i32
    %mul3A_0 = arith.muli %arg0, %mul3A : i32
    %add3A = arith.addi %mul3A_0, %arg1 : i32
    %broadcast_in_dim3A = arith.constant 0.000000e+00 : f32
    %broadcast_in_dim3A_1 = vector.broadcast %broadcast_in_dim3A : f32 to vector<16xf32>
    %scan3A = arith.constant 0 : i32
    %scan3A_2 = arith.constant 0 : i32
    %scan3A_3 = arith.constant 125 : i32
    %scan3A_4 = arith.addi %scan3A_2, %scan3A_3 : i32
    %scan3A_5 = arith.constant 1 : i32
    scf.for %scan3A_55 = %scan3A_2 to %scan3A_4 step %scan3A_5  : i32 {
      %mul3A_56 = arith.constant 1 : i32
      %mul3A_57 = arith.muli %scan3A_55, %mul3A_56 : i32
      %add3A_58 = arith.constant 0 : i32
      %add3A_59 = arith.addi %add3A_58, %mul3A_57 : i32
      %scan3A_60 = arith.constant 0 : i32
      %scan3A_61 = arith.constant 8 : i32
      %scan3A_62 = arith.addi %scan3A_60, %scan3A_61 : i32
      %scan3A_63 = arith.constant 1 : i32
      scf.for %scan3A_65 = %scan3A_60 to %scan3A_62 step %scan3A_63  : i32 {
        %mul3A_66 = arith.constant 16 : i32
        %mul3A_67 = arith.muli %scan3A_65, %mul3A_66 : i32
        %add3A_68 = arith.constant 0 : i32
        %add3A_69 = arith.addi %add3A_68, %mul3A_67 : i32
        %swap3A = arith.constant 0 : i32
        %swap3A_70 = arith.constant 0 : i32
        %swap3A_71 = tpu.memref_slice %arg9[%scan3A, %swap3A, %swap3A_70] : memref<2x125x128xf32, #tpu.memory_space<vmem>> -> memref<1x125x128xf32, #tpu.memory_space<vmem>>
        %swap3A_72 = tpu.memref_squeeze %swap3A_71 : memref<1x125x128xf32, #tpu.memory_space<vmem>> -> memref<125x128xf32, #tpu.memory_space<vmem>>
        %swap3A_73 = arith.index_cast %add3A_59 : i32 to index
        %swap3A_74 = arith.index_cast %add3A_69 : i32 to index
        %swap3A_75 = tpu.vector_load %swap3A_72[%swap3A_73, %swap3A_74] {strides = array<i32>} : memref<125x128xf32, #tpu.memory_space<vmem>>, vector<1x16xf32>,
        %swap3A_76 = vector.shape_cast %swap3A_75 : vector<1x16xf32> to vector<16xf32>
        %swap3A_77 = vector.shape_cast %broadcast_in_dim3A_1 : vector<16xf32> to vector<1x16xf32>
        tpu.vector_store %swap3A_72[%swap3A_73, %swap3A_74], %swap3A_77 {strides = array<i32>} : memref<125x128xf32, #tpu.memory_space<vmem>>, vector<1x16xf32>,
      }
      %scan3A_64 = arith.constant 8 : i32
    }
    %scan3A_6 = arith.constant 125 : i32
    %scan3A_7 = arith.constant 0 : i32
    %scan3A_8 = arith.constant 0 : i32
    %scan3A_9 = arith.constant 8 : i32
    %scan3A_10 = arith.addi %scan3A_8, %scan3A_9 : i32
    %scan3A_11 = arith.constant 1 : i32
    scf.for %scan3A_55 = %scan3A_8 to %scan3A_10 step %scan3A_11  : i32 {
      %mul3A_56 = arith.constant 1 : i32
      %mul3A_57 = arith.muli %scan3A_55, %mul3A_56 : i32
      %add3A_58 = arith.constant 0 : i32
      %add3A_59 = arith.addi %add3A_58, %mul3A_57 : i32
      %mul3A_60 = arith.constant 16 : i32
      %mul3A_61 = arith.muli %add3A_59, %mul3A_60 : i32
      %add3A_62 = arith.addi %mul3A_61, %arg1 : i32
      %lt3A = arith.constant 126 : i32
      %lt3A_63 = arith.cmpi slt, %add3A_62, %lt3A : i32
      %convert_element_type3A = arith.extui %lt3A_63 : i1 to i32
      %cond3A = arith.constant 0 : i32
      %cond3A_64 = arith.cmpi ne, %convert_element_type3A, %cond3A : i32
      scf.if %cond3A_64 {
        %mul3A_65 = arith.constant 80 : i32
        %mul3A_66 = arith.muli %add3A_62, %mul3A_65 : i32
        "tpu.region"() ({
          %run_scoped3A = tpu.sem_alloc : memref<!tpu.dma_semaphore, #tpu.memory_space<semaphore_mem>>
          %dma_start3A_67 = arith.constant 0 : i32
          %dma_start3A_68 = arith.constant 0 : i32
          %dma_start3A_69 = tpu.memref_slice %arg9[%scan3A_7, %dma_start3A_67, %dma_start3A_68] : memref<2x125x128xf32, #tpu.memory_space<vmem>> -> memref<1x125x128xf32, #tpu.memory_space<vmem>>
          %dma_start3A_70 = tpu.memref_squeeze %dma_start3A_69 : memref<1x125x128xf32, #tpu.memory_space<vmem>> -> memref<125x128xf32, #tpu.memory_space<vmem>>
          %dma_start3A_71 = arith.constant 0 : i32
          %dma_start3A_72 = arith.constant 0 : i32
          %dma_start3A_73 = tpu.memref_slice %dma_start3A_70[%dma_start3A_71, %dma_start3A_72] : memref<125x128xf32, #tpu.memory_space<vmem>> -> memref<80x128xf32, #tpu.memory_space<vmem>>
          %dma_start3A_74 = arith.constant 0 : i32
          %dma_start3A_75 = tpu.memref_slice %arg10[%mul3A_66, %dma_start3A_74] : memref<10080x128xf32, #tpu.memory_space<vmem_shared>> -> memref<80x128xf32, #tpu.memory_space<vmem_shared>>
          %dma_start3A_76 = arith.constant 0 : i32
          %dma_start3A_77 = tpu.memref_slice %arg10[%mul3A_66, %dma_start3A_76] : memref<10080x128xf32, #tpu.memory_space<vmem_shared>> -> memref<80x128xf32, #tpu.memory_space<vmem_shared>>
          %dma_start3A_78 = arith.constant 0 : i32
          %dma_start3A_79 = arith.constant 0 : i32
          %dma_start3A_80 = tpu.memref_slice %arg9[%scan3A_7, %dma_start3A_78, %dma_start3A_79] : memref<2x125x128xf32, #tpu.memory_space<vmem>> -> memref<1x125x128xf32, #tpu.memory_space<vmem>>
          %dma_start3A_81 = tpu.memref_squeeze %dma_start3A_80 : memref<1x125x128xf32, #tpu.memory_space<vmem>> -> memref<125x128xf32, #tpu.memory_space<vmem>>
          %dma_start3A_82 = arith.constant 0 : i32
          %dma_start3A_83 = arith.constant 0 : i32
          %dma_start3A_84 = tpu.memref_slice %dma_start3A_81[%dma_start3A_82, %dma_start3A_83] : memref<125x128xf32, #tpu.memory_space<vmem>> -> memref<80x128xf32, #tpu.memory_space<vmem>>
          tpu.enqueue_dma source(%dma_start3A_84 : memref<80x128xf32, #tpu.memory_space<vmem>>) target(%dma_start3A_77 : memref<80x128xf32, #tpu.memory_space<vmem_shared>>) target_semaphore(%run_scoped3A : memref<!tpu.dma_semaphore, #tpu.memory_space<semaphore_mem>>)
          %dma_wait3A = arith.constant 0 : i32
          %dma_wait3A_85 = arith.constant 0 : i32
          %dma_wait3A_86 = tpu.memref_slice %arg9[%scan3A_7, %dma_wait3A, %dma_wait3A_85] : memref<2x125x128xf32, #tpu.memory_space<vmem>> -> memref<1x125x128xf32, #tpu.memory_space<vmem>>
          %dma_wait3A_87 = tpu.memref_squeeze %dma_wait3A_86 : memref<1x125x128xf32, #tpu.memory_space<vmem>> -> memref<125x128xf32, #tpu.memory_space<vmem>>
          %dma_wait3A_88 = arith.constant 0 : i32
          %dma_wait3A_89 = arith.constant 0 : i32
          %dma_wait3A_90 = tpu.memref_slice %dma_wait3A_87[%dma_wait3A_88, %dma_wait3A_89] : memref<125x128xf32, #tpu.memory_space<vmem>> -> memref<80x128xf32, #tpu.memory_space<vmem>>
          %dma_wait3A_91 = arith.constant 0 : i32
          %dma_wait3A_92 = tpu.memref_slice %arg10[%mul3A_66, %dma_wait3A_91] : memref<10080x128xf32, #tpu.memory_space<vmem_shared>> -> memref<80x128xf32, #tpu.memory_space<vmem_shared>>
          %dma_wait3A_93 = arith.constant 0 : i32
          %dma_wait3A_94 = tpu.memref_slice %arg10[%mul3A_66, %dma_wait3A_93] : memref<10080x128xf32, #tpu.memory_space<vmem_shared>> -> memref<80x128xf32, #tpu.memory_space<vmem_shared>>
          %dma_wait3A_95 = arith.constant 0 : i32
          %dma_wait3A_96 = arith.constant 0 : i32
          %dma_wait3A_97 = tpu.memref_slice %arg9[%scan3A_7, %dma_wait3A_95, %dma_wait3A_96] : memref<2x125x128xf32, #tpu.memory_space<vmem>> -> memref<1x125x128xf32, #tpu.memory_space<vmem>>
          %dma_wait3A_98 = tpu.memref_squeeze %dma_wait3A_97 : memref<1x125x128xf32, #tpu.memory_space<vmem>> -> memref<125x128xf32, #tpu.memory_space<vmem>>
          %dma_wait3A_99 = arith.constant 0 : i32
          %dma_wait3A_100 = arith.constant 0 : i32
          %dma_wait3A_101 = tpu.memref_slice %dma_wait3A_98[%dma_wait3A_99, %dma_wait3A_100] : memref<125x128xf32, #tpu.memory_space<vmem>> -> memref<80x128xf32, #tpu.memory_space<vmem>>
          tpu.wait_dma2 semaphore(%run_scoped3A : memref<!tpu.dma_semaphore, #tpu.memory_space<semaphore_mem>>) src(%dma_wait3A_101 : memref<80x128xf32, #tpu.memory_space<vmem>>) dst(%dma_wait3A_94 : memref<80x128xf32, #tpu.memory_space<vmem_shared>>)
          tpu.yield
        }) : () -> ()
      } else {
      }
    }
    %scan3A_12 = arith.constant 8 : i32
    %barrier3A = arith.constant 0 : index
    tpu.barrier barrier_id(%barrier3A)
    %dma_start3A = arith.constant 0 : i32
    %dma_start3A_13 = arith.constant 0 : i32
    %dma_start3A_14 = arith.constant 0 : i32
    %dma_start3A_15 = tpu.memref_slice %arg3[%dma_start3A, %add3A, %dma_start3A_13, %dma_start3A_14] : memref<2x32x80x125xi32, #tpu.memory_space<hbm>> -> memref<1x1x1x125xi32, #tpu.memory_space<hbm>>
    %dma_start3A_16 = tpu.memref_squeeze %dma_start3A_15 : memref<1x1x1x125xi32, #tpu.memory_space<hbm>> -> memref<125xi32, #tpu.memory_space<hbm>>
    %dma_start3A_17 = arith.constant 0 : i32
    %dma_start3A_18 = tpu.memref_slice %arg3[%dma_start3A, %add3A, %dma_start3A_13, %dma_start3A_17] : memref<2x32x80x125xi32, #tpu.memory_space<hbm>> -> memref<1x1x1x125xi32, #tpu.memory_space<hbm>>
    %dma_start3A_19 = tpu.memref_squeeze %dma_start3A_18 : memref<1x1x1x125xi32, #tpu.memory_space<hbm>> -> memref<125xi32, #tpu.memory_space<hbm>>
    tpu.enqueue_dma source(%dma_start3A_19 : memref<125xi32, #tpu.memory_space<hbm>>) target(%arg5 : memref<125xi32, #tpu.memory_space<vmem>>) target_semaphore(%arg11 : memref<!tpu.dma_semaphore, #tpu.memory_space<semaphore_mem>>)
    %dma_start3A_20 = arith.constant 1 : i32
    %dma_start3A_21 = arith.constant 0 : i32
    %dma_start3A_22 = arith.constant 0 : i32
    %dma_start3A_23 = tpu.memref_slice %arg3[%dma_start3A_20, %add3A, %dma_start3A_21, %dma_start3A_22] : memref<2x32x80x125xi32, #tpu.memory_space<hbm>> -> memref<1x1x1x125xi32, #tpu.memory_space<hbm>>
    %dma_start3A_24 = tpu.memref_squeeze %dma_start3A_23 : memref<1x1x1x125xi32, #tpu.memory_space<hbm>> -> memref<125xi32, #tpu.memory_space<hbm>>
    %dma_start3A_25 = arith.constant 0 : i32
    %dma_start3A_26 = tpu.memref_slice %arg3[%dma_start3A_20, %add3A, %dma_start3A_21, %dma_start3A_25] : memref<2x32x80x125xi32, #tpu.memory_space<hbm>> -> memref<1x1x1x125xi32, #tpu.memory_space<hbm>>
    %dma_start3A_27 = tpu.memref_squeeze %dma_start3A_26 : memref<1x1x1x125xi32, #tpu.memory_space<hbm>> -> memref<125xi32, #tpu.memory_space<hbm>>
    tpu.enqueue_dma source(%dma_start3A_27 : memref<125xi32, #tpu.memory_space<hbm>>) target(%arg7 : memref<125xi32, #tpu.memory_space<vmem>>) target_semaphore(%arg11 : memref<!tpu.dma_semaphore, #tpu.memory_space<semaphore_mem>>)
    %dma_start3A_28 = arith.constant 0 : i32
    %dma_start3A_29 = arith.constant 1 : i32
    %dma_start3A_30 = arith.constant 0 : i32
    %dma_start3A_31 = tpu.memref_slice %arg3[%dma_start3A_28, %add3A, %dma_start3A_29, %dma_start3A_30] : memref<2x32x80x125xi32, #tpu.memory_space<hbm>> -> memref<1x1x1x125xi32, #tpu.memory_space<hbm>>
    %dma_start3A_32 = tpu.memref_squeeze %dma_start3A_31 : memref<1x1x1x125xi32, #tpu.memory_space<hbm>> -> memref<125xi32, #tpu.memory_space<hbm>>
    %dma_start3A_33 = arith.constant 0 : i32
    %dma_start3A_34 = tpu.memref_slice %arg3[%dma_start3A_28, %add3A, %dma_start3A_29, %dma_start3A_33] : memref<2x32x80x125xi32, #tpu.memory_space<hbm>> -> memref<1x1x1x125xi32, #tpu.memory_space<hbm>>
    %dma_start3A_35 = tpu.memref_squeeze %dma_start3A_34 : memref<1x1x1x125xi32, #tpu.memory_space<hbm>> -> memref<125xi32, #tpu.memory_space<hbm>>
    tpu.enqueue_dma source(%dma_start3A_35 : memref<125xi32, #tpu.memory_space<hbm>>) target(%arg6 : memref<125xi32, #tpu.memory_space<vmem>>) target_semaphore(%arg12 : memref<!tpu.dma_semaphore, #tpu.memory_space<semaphore_mem>>)
    %dma_start3A_36 = arith.constant 1 : i32
    %dma_start3A_37 = arith.constant 1 : i32
    %dma_start3A_38 = arith.constant 0 : i32
    %dma_start3A_39 = tpu.memref_slice %arg3[%dma_start3A_36, %add3A, %dma_start3A_37, %dma_start3A_38] : memref<2x32x80x125xi32, #tpu.memory_space<hbm>> -> memref<1x1x1x125xi32, #tpu.memory_space<hbm>>
    %dma_start3A_40 = tpu.memref_squeeze %dma_start3A_39 : memref<1x1x1x125xi32, #tpu.memory_space<hbm>> -> memref<125xi32, #tpu.memory_space<hbm>>
    %dma_start3A_41 = arith.constant 0 : i32
    %dma_start3A_42 = tpu.memref_slice %arg3[%dma_start3A_36, %add3A, %dma_start3A_37, %dma_start3A_41] : memref<2x32x80x125xi32, #tpu.memory_space<hbm>> -> memref<1x1x1x125xi32, #tpu.memory_space<hbm>>
    %dma_start3A_43 = tpu.memref_squeeze %dma_start3A_42 : memref<1x1x1x125xi32, #tpu.memory_space<hbm>> -> memref<125xi32, #tpu.memory_space<hbm>>
    tpu.enqueue_dma source(%dma_start3A_43 : memref<125xi32, #tpu.memory_space<hbm>>) target(%arg8 : memref<125xi32, #tpu.memory_space<vmem>>) target_semaphore(%arg12 : memref<!tpu.dma_semaphore, #tpu.memory_space<semaphore_mem>>)
    %scan3A_44 = arith.constant 0 : i32
    %scan3A_45 = arith.constant 40 : i32
    %scan3A_46 = arith.addi %scan3A_44, %scan3A_45 : i32
    %scan3A_47 = arith.constant 1 : i32
    scf.for %scan3A_55 = %scan3A_44 to %scan3A_46 step %scan3A_47  : i32 {
      %mul3A_56 = arith.constant 1 : i32
      %mul3A_57 = arith.muli %scan3A_55, %mul3A_56 : i32
      %add3A_58 = arith.constant 0 : i32
      %add3A_59 = arith.addi %add3A_58, %mul3A_57 : i32
      %mul3A_60 = arith.constant 2 : i32
      %mul3A_61 = arith.muli %add3A_59, %mul3A_60 : i32
      %add3A_62 = arith.constant 0 : i32
      %add3A_63 = arith.addi %mul3A_61, %add3A_62 : i32
      %lt3A = arith.constant 80 : i32
      %lt3A_64 = arith.cmpi slt, %add3A_63, %lt3A : i32
      %convert_element_type3A = arith.extui %lt3A_64 : i1 to i32
      %cond3A = arith.constant 0 : i32
      %cond3A_65 = arith.cmpi ne, %convert_element_type3A, %cond3A : i32
      scf.if %cond3A_65 {
        %dma_wait3A = arith.constant 0 : i32
        %dma_wait3A_115 = arith.constant 0 : i32
        %dma_wait3A_116 = tpu.memref_slice %arg3[%dma_wait3A, %add3A, %add3A_63, %dma_wait3A_115] : memref<2x32x80x125xi32, #tpu.memory_space<hbm>> -> memref<1x1x1x125xi32, #tpu.memory_space<hbm>>
        %dma_wait3A_117 = tpu.memref_squeeze %dma_wait3A_116 : memref<1x1x1x125xi32, #tpu.memory_space<hbm>> -> memref<125xi32, #tpu.memory_space<hbm>>
        %dma_wait3A_118 = arith.constant 0 : i32
        %dma_wait3A_119 = tpu.memref_slice %arg3[%dma_wait3A, %add3A, %add3A_63, %dma_wait3A_118] : memref<2x32x80x125xi32, #tpu.memory_space<hbm>> -> memref<1x1x1x125xi32, #tpu.memory_space<hbm>>
        %dma_wait3A_120 = tpu.memref_squeeze %dma_wait3A_119 : memref<1x1x1x125xi32, #tpu.memory_space<hbm>> -> memref<125xi32, #tpu.memory_space<hbm>>
        tpu.wait_dma2 semaphore(%arg11 : memref<!tpu.dma_semaphore, #tpu.memory_space<semaphore_mem>>) src(%dma_wait3A_120 : memref<125xi32, #tpu.memory_space<hbm>>) dst(%arg5 : memref<125xi32, #tpu.memory_space<vmem>>)
        %dma_wait3A_121 = arith.constant 1 : i32
        %dma_wait3A_122 = arith.constant 0 : i32
        %dma_wait3A_123 = tpu.memref_slice %arg3[%dma_wait3A_121, %add3A, %add3A_63, %dma_wait3A_122] : memref<2x32x80x125xi32, #tpu.memory_space<hbm>> -> memref<1x1x1x125xi32, #tpu.memory_space<hbm>>
        %dma_wait3A_124 = tpu.memref_squeeze %dma_wait3A_123 : memref<1x1x1x125xi32, #tpu.memory_space<hbm>> -> memref<125xi32, #tpu.memory_space<hbm>>
        %dma_wait3A_125 = arith.constant 0 : i32
        %dma_wait3A_126 = tpu.memref_slice %arg3[%dma_wait3A_121, %add3A, %add3A_63, %dma_wait3A_125] : memref<2x32x80x125xi32, #tpu.memory_space<hbm>> -> memref<1x1x1x125xi32, #tpu.memory_space<hbm>>
        %dma_wait3A_127 = tpu.memref_squeeze %dma_wait3A_126 : memref<1x1x1x125xi32, #tpu.memory_space<hbm>> -> memref<125xi32, #tpu.memory_space<hbm>>
        tpu.wait_dma2 semaphore(%arg11 : memref<!tpu.dma_semaphore, #tpu.memory_space<semaphore_mem>>) src(%dma_wait3A_127 : memref<125xi32, #tpu.memory_space<hbm>>) dst(%arg7 : memref<125xi32, #tpu.memory_space<vmem>>)
        %dma_start3A_128 = arith.constant 0 : i32
        %dma_start3A_129 = arith.constant 0 : i32
        %dma_start3A_130 = arith.constant 0 : i32
        %dma_start3A_131 = tpu.memref_slice %arg9[%dma_start3A_128, %dma_start3A_129, %dma_start3A_130] : memref<2x125x128xf32, #tpu.memory_space<vmem>> -> memref<1x125x128xf32, #tpu.memory_space<vmem>>
        %dma_start3A_132 = tpu.memref_squeeze %dma_start3A_131 : memref<1x125x128xf32, #tpu.memory_space<vmem>> -> memref<125x128xf32, #tpu.memory_space<vmem>>
        %dma_start3A_133 = arith.constant 0 : i32
        %dma_start3A_134 = arith.constant 0 : i32
        %dma_start3A_135 = tpu.memref_slice %arg2[%dma_start3A_133, %dma_start3A_134] : memref<10000x128xf32, #tpu.memory_space<hbm>> -> memref<10000x128xf32, #tpu.memory_space<hbm>>
        tpu.enqueue_indirect_dma source(%dma_start3A_135 : memref<10000x128xf32, #tpu.memory_space<hbm>>) target(%dma_start3A_132 : memref<125x128xf32, #tpu.memory_space<vmem>>) offsets(%arg5 : memref<125xi32, #tpu.memory_space<vmem>>) semaphore(%arg13 : memref<!tpu.dma_semaphore, #tpu.memory_space<semaphore_mem>>)
      } else {
      }
      %mul3A_66 = arith.constant 2 : i32
      %mul3A_67 = arith.muli %add3A_59, %mul3A_66 : i32
      %add3A_68 = arith.constant 1 : i32
      %add3A_69 = arith.addi %mul3A_67, %add3A_68 : i32
      %lt3A_70 = arith.constant 80 : i32
      %lt3A_71 = arith.cmpi slt, %add3A_69, %lt3A_70 : i32
      %convert_element_type3A_72 = arith.extui %lt3A_71 : i1 to i32
      %cond3A_73 = arith.constant 0 : i32
      %cond3A_74 = arith.cmpi ne, %convert_element_type3A_72, %cond3A_73 : i32
      scf.if %cond3A_74 {
        %dma_wait3A = arith.constant 0 : i32
        %dma_wait3A_115 = arith.constant 0 : i32
        %dma_wait3A_116 = tpu.memref_slice %arg3[%dma_wait3A, %add3A, %add3A_69, %dma_wait3A_115] : memref<2x32x80x125xi32, #tpu.memory_space<hbm>> -> memref<1x1x1x125xi32, #tpu.memory_space<hbm>>
        %dma_wait3A_117 = tpu.memref_squeeze %dma_wait3A_116 : memref<1x1x1x125xi32, #tpu.memory_space<hbm>> -> memref<125xi32, #tpu.memory_space<hbm>>
        %dma_wait3A_118 = arith.constant 0 : i32
        %dma_wait3A_119 = tpu.memref_slice %arg3[%dma_wait3A, %add3A, %add3A_69, %dma_wait3A_118] : memref<2x32x80x125xi32, #tpu.memory_space<hbm>> -> memref<1x1x1x125xi32, #tpu.memory_space<hbm>>
        %dma_wait3A_120 = tpu.memref_squeeze %dma_wait3A_119 : memref<1x1x1x125xi32, #tpu.memory_space<hbm>> -> memref<125xi32, #tpu.memory_space<hbm>>
        tpu.wait_dma2 semaphore(%arg12 : memref<!tpu.dma_semaphore, #tpu.memory_space<semaphore_mem>>) src(%dma_wait3A_120 : memref<125xi32, #tpu.memory_space<hbm>>) dst(%arg6 : memref<125xi32, #tpu.memory_space<vmem>>)
        %dma_wait3A_121 = arith.constant 1 : i32
        %dma_wait3A_122 = arith.constant 0 : i32
        %dma_wait3A_123 = tpu.memref_slice %arg3[%dma_wait3A_121, %add3A, %add3A_69, %dma_wait3A_122] : memref<2x32x80x125xi32, #tpu.memory_space<hbm>> -> memref<1x1x1x125xi32, #tpu.memory_space<hbm>>
        %dma_wait3A_124 = tpu.memref_squeeze %dma_wait3A_123 : memref<1x1x1x125xi32, #tpu.memory_space<hbm>> -> memref<125xi32, #tpu.memory_space<hbm>>
        %dma_wait3A_125 = arith.constant 0 : i32
        %dma_wait3A_126 = tpu.memref_slice %arg3[%dma_wait3A_121, %add3A, %add3A_69, %dma_wait3A_125] : memref<2x32x80x125xi32, #tpu.memory_space<hbm>> -> memref<1x1x1x125xi32, #tpu.memory_space<hbm>>
        %dma_wait3A_127 = tpu.memref_squeeze %dma_wait3A_126 : memref<1x1x1x125xi32, #tpu.memory_space<hbm>> -> memref<125xi32, #tpu.memory_space<hbm>>
        tpu.wait_dma2 semaphore(%arg12 : memref<!tpu.dma_semaphore, #tpu.memory_space<semaphore_mem>>) src(%dma_wait3A_127 : memref<125xi32, #tpu.memory_space<hbm>>) dst(%arg8 : memref<125xi32, #tpu.memory_space<vmem>>)
        %dma_start3A_128 = arith.constant 1 : i32
        %dma_start3A_129 = arith.constant 0 : i32
        %dma_start3A_130 = arith.constant 0 : i32
        %dma_start3A_131 = tpu.memref_slice %arg9[%dma_start3A_128, %dma_start3A_129, %dma_start3A_130] : memref<2x125x128xf32, #tpu.memory_space<vmem>> -> memref<1x125x128xf32, #tpu.memory_space<vmem>>
        %dma_start3A_132 = tpu.memref_squeeze %dma_start3A_131 : memref<1x125x128xf32, #tpu.memory_space<vmem>> -> memref<125x128xf32, #tpu.memory_space<vmem>>
        %dma_start3A_133 = arith.constant 0 : i32
        %dma_start3A_134 = arith.constant 0 : i32
        %dma_start3A_135 = tpu.memref_slice %arg2[%dma_start3A_133, %dma_start3A_134] : memref<10000x128xf32, #tpu.memory_space<hbm>> -> memref<10000x128xf32, #tpu.memory_space<hbm>>
        tpu.enqueue_indirect_dma source(%dma_start3A_135 : memref<10000x128xf32, #tpu.memory_space<hbm>>) target(%dma_start3A_132 : memref<125x128xf32, #tpu.memory_space<vmem>>) offsets(%arg6 : memref<125xi32, #tpu.memory_space<vmem>>) semaphore(%arg14 : memref<!tpu.dma_semaphore, #tpu.memory_space<semaphore_mem>>)
      } else {
      }
      %mul3A_75 = arith.constant 2 : i32
      %mul3A_76 = arith.muli %add3A_59, %mul3A_75 : i32
      %add3A_77 = arith.constant 0 : i32
      %add3A_78 = arith.addi %mul3A_76, %add3A_77 : i32
      %lt3A_79 = arith.constant 80 : i32
      %lt3A_80 = arith.cmpi slt, %add3A_78, %lt3A_79 : i32
      %convert_element_type3A_81 = arith.extui %lt3A_80 : i1 to i32
      %cond3A_82 = arith.constant 0 : i32
      %cond3A_83 = arith.cmpi ne, %convert_element_type3A_81, %cond3A_82 : i32
      scf.if %cond3A_83 {
        %dma_wait3A = arith.constant 0 : i32
        %dma_wait3A_115 = arith.constant 0 : i32
        %dma_wait3A_116 = arith.constant 0 : i32
        %dma_wait3A_117 = tpu.memref_slice %arg9[%dma_wait3A, %dma_wait3A_115, %dma_wait3A_116] : memref<2x125x128xf32, #tpu.memory_space<vmem>> -> memref<1x125x128xf32, #tpu.memory_space<vmem>>
        %dma_wait3A_118 = tpu.memref_squeeze %dma_wait3A_117 : memref<1x125x128xf32, #tpu.memory_space<vmem>> -> memref<125x128xf32, #tpu.memory_space<vmem>>
        %dma_wait3A_119 = arith.constant 0 : i32
        %dma_wait3A_120 = arith.constant 0 : i32
        %dma_wait3A_121 = tpu.memref_slice %arg2[%dma_wait3A_119, %dma_wait3A_120] : memref<10000x128xf32, #tpu.memory_space<hbm>> -> memref<10000x128xf32, #tpu.memory_space<hbm>>
        tpu.wait_indirect_dma semaphore(%arg13 : memref<!tpu.dma_semaphore, #tpu.memory_space<semaphore_mem>>) src(%dma_wait3A_121 : memref<10000x128xf32, #tpu.memory_space<hbm>>) dst(%dma_wait3A_118 : memref<125x128xf32, #tpu.memory_space<vmem>>)
        %dma_start3A_122 = arith.constant 0 : i32
        %dma_start3A_123 = arith.constant 0 : i32
        %dma_start3A_124 = arith.constant 0 : i32
        %dma_start3A_125 = tpu.memref_slice %arg9[%dma_start3A_122, %dma_start3A_123, %dma_start3A_124] : memref<2x125x128xf32, #tpu.memory_space<vmem>> -> memref<1x125x128xf32, #tpu.memory_space<vmem>>
        %dma_start3A_126 = tpu.memref_squeeze %dma_start3A_125 : memref<1x125x128xf32, #tpu.memory_space<vmem>> -> memref<125x128xf32, #tpu.memory_space<vmem>>
        %dma_start3A_127 = arith.constant 0 : i32
        %dma_start3A_128 = arith.constant 0 : i32
        %dma_start3A_129 = tpu.memref_slice %arg10[%dma_start3A_127, %dma_start3A_128] : memref<10080x128xf32, #tpu.memory_space<vmem_shared>> -> memref<10080x128xf32, #tpu.memory_space<vmem_shared>>
        tpu.enqueue_indirect_dma source(%dma_start3A_126 : memref<125x128xf32, #tpu.memory_space<vmem>>) target(%dma_start3A_129 : memref<10080x128xf32, #tpu.memory_space<vmem_shared>>) offsets(%arg7 : memref<125xi32, #tpu.memory_space<vmem>>) semaphore(%arg15 : memref<!tpu.dma_semaphore, #tpu.memory_space<semaphore_mem>>) {add = true}
      } else {
      }
      %mul3A_84 = arith.constant 2 : i32
      %mul3A_85 = arith.muli %add3A_59, %mul3A_84 : i32
      %add3A_86 = arith.constant 1 : i32
      %add3A_87 = arith.addi %mul3A_85, %add3A_86 : i32
      %lt3A_88 = arith.constant 80 : i32
      %lt3A_89 = arith.cmpi slt, %add3A_87, %lt3A_88 : i32
      %convert_element_type3A_90 = arith.extui %lt3A_89 : i1 to i32
      %cond3A_91 = arith.constant 0 : i32
      %cond3A_92 = arith.cmpi ne, %convert_element_type3A_90, %cond3A_91 : i32
      scf.if %cond3A_92 {
        %dma_wait3A = arith.constant 1 : i32
        %dma_wait3A_115 = arith.constant 0 : i32
        %dma_wait3A_116 = arith.constant 0 : i32
        %dma_wait3A_117 = tpu.memref_slice %arg9[%dma_wait3A, %dma_wait3A_115, %dma_wait3A_116] : memref<2x125x128xf32, #tpu.memory_space<vmem>> -> memref<1x125x128xf32, #tpu.memory_space<vmem>>
        %dma_wait3A_118 = tpu.memref_squeeze %dma_wait3A_117 : memref<1x125x128xf32, #tpu.memory_space<vmem>> -> memref<125x128xf32, #tpu.memory_space<vmem>>
        %dma_wait3A_119 = arith.constant 0 : i32
        %dma_wait3A_120 = arith.constant 0 : i32
        %dma_wait3A_121 = tpu.memref_slice %arg2[%dma_wait3A_119, %dma_wait3A_120] : memref<10000x128xf32, #tpu.memory_space<hbm>> -> memref<10000x128xf32, #tpu.memory_space<hbm>>
        tpu.wait_indirect_dma semaphore(%arg14 : memref<!tpu.dma_semaphore, #tpu.memory_space<semaphore_mem>>) src(%dma_wait3A_121 : memref<10000x128xf32, #tpu.memory_space<hbm>>) dst(%dma_wait3A_118 : memref<125x128xf32, #tpu.memory_space<vmem>>)
        %dma_start3A_122 = arith.constant 1 : i32
        %dma_start3A_123 = arith.constant 0 : i32
        %dma_start3A_124 = arith.constant 0 : i32
        %dma_start3A_125 = tpu.memref_slice %arg9[%dma_start3A_122, %dma_start3A_123, %dma_start3A_124] : memref<2x125x128xf32, #tpu.memory_space<vmem>> -> memref<1x125x128xf32, #tpu.memory_space<vmem>>
        %dma_start3A_126 = tpu.memref_squeeze %dma_start3A_125 : memref<1x125x128xf32, #tpu.memory_space<vmem>> -> memref<125x128xf32, #tpu.memory_space<vmem>>
        %dma_start3A_127 = arith.constant 0 : i32
        %dma_start3A_128 = arith.constant 0 : i32
        %dma_start3A_129 = tpu.memref_slice %arg10[%dma_start3A_127, %dma_start3A_128] : memref<10080x128xf32, #tpu.memory_space<vmem_shared>> -> memref<10080x128xf32, #tpu.memory_space<vmem_shared>>
        tpu.enqueue_indirect_dma source(%dma_start3A_126 : memref<125x128xf32, #tpu.memory_space<vmem>>) target(%dma_start3A_129 : memref<10080x128xf32, #tpu.memory_space<vmem_shared>>) offsets(%arg8 : memref<125xi32, #tpu.memory_space<vmem>>) semaphore(%arg16 : memref<!tpu.dma_semaphore, #tpu.memory_space<semaphore_mem>>) {add = true}
      } else {
      }
      %mul3A_93 = arith.constant 2 : i32
      %mul3A_94 = arith.muli %add3A_59, %mul3A_93 : i32
      %add3A_95 = arith.constant 0 : i32
      %add3A_96 = arith.addi %mul3A_94, %add3A_95 : i32
      %add3A_97 = arith.constant 2 : i32
      %add3A_98 = arith.addi %add3A_96, %add3A_97 : i32
      %lt3A_99 = arith.constant 80 : i32
      %lt3A_100 = arith.cmpi slt, %add3A_96, %lt3A_99 : i32
      %convert_element_type3A_101 = arith.extui %lt3A_100 : i1 to i32
      %cond3A_102 = arith.constant 0 : i32
      %cond3A_103 = arith.cmpi ne, %convert_element_type3A_101, %cond3A_102 : i32
      scf.if %cond3A_103 {
        %dma_wait3A = arith.constant 0 : i32
        %dma_wait3A_115 = arith.constant 0 : i32
        %dma_wait3A_116 = arith.constant 0 : i32
        %dma_wait3A_117 = tpu.memref_slice %arg9[%dma_wait3A, %dma_wait3A_115, %dma_wait3A_116] : memref<2x125x128xf32, #tpu.memory_space<vmem>> -> memref<1x125x128xf32, #tpu.memory_space<vmem>>
        %dma_wait3A_118 = tpu.memref_squeeze %dma_wait3A_117 : memref<1x125x128xf32, #tpu.memory_space<vmem>> -> memref<125x128xf32, #tpu.memory_space<vmem>>
        %dma_wait3A_119 = arith.constant 0 : i32
        %dma_wait3A_120 = arith.constant 0 : i32
        %dma_wait3A_121 = tpu.memref_slice %arg10[%dma_wait3A_119, %dma_wait3A_120] : memref<10080x128xf32, #tpu.memory_space<vmem_shared>> -> memref<10080x128xf32, #tpu.memory_space<vmem_shared>>
        tpu.wait_indirect_dma semaphore(%arg15 : memref<!tpu.dma_semaphore, #tpu.memory_space<semaphore_mem>>) src(%dma_wait3A_118 : memref<125x128xf32, #tpu.memory_space<vmem>>) dst(%dma_wait3A_121 : memref<10080x128xf32, #tpu.memory_space<vmem_shared>>)
        %lt3A_122 = arith.constant 80 : i32
        %lt3A_123 = arith.cmpi slt, %add3A_98, %lt3A_122 : i32
        %convert_element_type3A_124 = arith.extui %lt3A_123 : i1 to i32
        %cond3A_125 = arith.constant 0 : i32
        %cond3A_126 = arith.cmpi ne, %convert_element_type3A_124, %cond3A_125 : i32
        scf.if %cond3A_126 {
          %dma_start3A_127 = arith.constant 0 : i32
          %dma_start3A_128 = arith.constant 0 : i32
          %dma_start3A_129 = tpu.memref_slice %arg3[%dma_start3A_127, %add3A, %add3A_98, %dma_start3A_128] : memref<2x32x80x125xi32, #tpu.memory_space<hbm>> -> memref<1x1x1x125xi32, #tpu.memory_space<hbm>>
          %dma_start3A_130 = tpu.memref_squeeze %dma_start3A_129 : memref<1x1x1x125xi32, #tpu.memory_space<hbm>> -> memref<125xi32, #tpu.memory_space<hbm>>
          %dma_start3A_131 = arith.constant 0 : i32
          %dma_start3A_132 = tpu.memref_slice %arg3[%dma_start3A_127, %add3A, %add3A_98, %dma_start3A_131] : memref<2x32x80x125xi32, #tpu.memory_space<hbm>> -> memref<1x1x1x125xi32, #tpu.memory_space<hbm>>
          %dma_start3A_133 = tpu.memref_squeeze %dma_start3A_132 : memref<1x1x1x125xi32, #tpu.memory_space<hbm>> -> memref<125xi32, #tpu.memory_space<hbm>>
          tpu.enqueue_dma source(%dma_start3A_133 : memref<125xi32, #tpu.memory_space<hbm>>) target(%arg5 : memref<125xi32, #tpu.memory_space<vmem>>) target_semaphore(%arg11 : memref<!tpu.dma_semaphore, #tpu.memory_space<semaphore_mem>>)
          %dma_start3A_134 = arith.constant 1 : i32
          %dma_start3A_135 = arith.constant 0 : i32
          %dma_start3A_136 = tpu.memref_slice %arg3[%dma_start3A_134, %add3A, %add3A_98, %dma_start3A_135] : memref<2x32x80x125xi32, #tpu.memory_space<hbm>> -> memref<1x1x1x125xi32, #tpu.memory_space<hbm>>
          %dma_start3A_137 = tpu.memref_squeeze %dma_start3A_136 : memref<1x1x1x125xi32, #tpu.memory_space<hbm>> -> memref<125xi32, #tpu.memory_space<hbm>>
          %dma_start3A_138 = arith.constant 0 : i32
          %dma_start3A_139 = tpu.memref_slice %arg3[%dma_start3A_134, %add3A, %add3A_98, %dma_start3A_138] : memref<2x32x80x125xi32, #tpu.memory_space<hbm>> -> memref<1x1x1x125xi32, #tpu.memory_space<hbm>>
          %dma_start3A_140 = tpu.memref_squeeze %dma_start3A_139 : memref<1x1x1x125xi32, #tpu.memory_space<hbm>> -> memref<125xi32, #tpu.memory_space<hbm>>
          tpu.enqueue_dma source(%dma_start3A_140 : memref<125xi32, #tpu.memory_space<hbm>>) target(%arg7 : memref<125xi32, #tpu.memory_space<vmem>>) target_semaphore(%arg11 : memref<!tpu.dma_semaphore, #tpu.memory_space<semaphore_mem>>)
        } else {
        }
      } else {
      }
      %mul3A_104 = arith.constant 2 : i32
      %mul3A_105 = arith.muli %add3A_59, %mul3A_104 : i32
      %add3A_106 = arith.constant 1 : i32
      %add3A_107 = arith.addi %mul3A_105, %add3A_106 : i32
      %add3A_108 = arith.constant 2 : i32
      %add3A_109 = arith.addi %add3A_107, %add3A_108 : i32
      %lt3A_110 = arith.constant 80 : i32
      %lt3A_111 = arith.cmpi slt, %add3A_107, %lt3A_110 : i32
      %convert_element_type3A_112 = arith.extui %lt3A_111 : i1 to i32
      %cond3A_113 = arith.constant 0 : i32
      %cond3A_114 = arith.cmpi ne, %convert_element_type3A_112, %cond3A_113 : i32
      scf.if %cond3A_114 {
        %dma_wait3A = arith.constant 1 : i32
        %dma_wait3A_115 = arith.constant 0 : i32
        %dma_wait3A_116 = arith.constant 0 : i32
        %dma_wait3A_117 = tpu.memref_slice %arg9[%dma_wait3A, %dma_wait3A_115, %dma_wait3A_116] : memref<2x125x128xf32, #tpu.memory_space<vmem>> -> memref<1x125x128xf32, #tpu.memory_space<vmem>>
        %dma_wait3A_118 = tpu.memref_squeeze %dma_wait3A_117 : memref<1x125x128xf32, #tpu.memory_space<vmem>> -> memref<125x128xf32, #tpu.memory_space<vmem>>
        %dma_wait3A_119 = arith.constant 0 : i32
        %dma_wait3A_120 = arith.constant 0 : i32
        %dma_wait3A_121 = tpu.memref_slice %arg10[%dma_wait3A_119, %dma_wait3A_120] : memref<10080x128xf32, #tpu.memory_space<vmem_shared>> -> memref<10080x128xf32, #tpu.memory_space<vmem_shared>>
        tpu.wait_indirect_dma semaphore(%arg16 : memref<!tpu.dma_semaphore, #tpu.memory_space<semaphore_mem>>) src(%dma_wait3A_118 : memref<125x128xf32, #tpu.memory_space<vmem>>) dst(%dma_wait3A_121 : memref<10080x128xf32, #tpu.memory_space<vmem_shared>>)
        %lt3A_122 = arith.constant 80 : i32
        %lt3A_123 = arith.cmpi slt, %add3A_109, %lt3A_122 : i32
        %convert_element_type3A_124 = arith.extui %lt3A_123 : i1 to i32
        %cond3A_125 = arith.constant 0 : i32
        %cond3A_126 = arith.cmpi ne, %convert_element_type3A_124, %cond3A_125 : i32
        scf.if %cond3A_126 {
          %dma_start3A_127 = arith.constant 0 : i32
          %dma_start3A_128 = arith.constant 0 : i32
          %dma_start3A_129 = tpu.memref_slice %arg3[%dma_start3A_127, %add3A, %add3A_109, %dma_start3A_128] : memref<2x32x80x125xi32, #tpu.memory_space<hbm>> -> memref<1x1x1x125xi32, #tpu.memory_space<hbm>>
          %dma_start3A_130 = tpu.memref_squeeze %dma_start3A_129 : memref<1x1x1x125xi32, #tpu.memory_space<hbm>> -> memref<125xi32, #tpu.memory_space<hbm>>
          %dma_start3A_131 = arith.constant 0 : i32
          %dma_start3A_132 = tpu.memref_slice %arg3[%dma_start3A_127, %add3A, %add3A_109, %dma_start3A_131] : memref<2x32x80x125xi32, #tpu.memory_space<hbm>> -> memref<1x1x1x125xi32, #tpu.memory_space<hbm>>
          %dma_start3A_133 = tpu.memref_squeeze %dma_start3A_132 : memref<1x1x1x125xi32, #tpu.memory_space<hbm>> -> memref<125xi32, #tpu.memory_space<hbm>>
          tpu.enqueue_dma source(%dma_start3A_133 : memref<125xi32, #tpu.memory_space<hbm>>) target(%arg6 : memref<125xi32, #tpu.memory_space<vmem>>) target_semaphore(%arg12 : memref<!tpu.dma_semaphore, #tpu.memory_space<semaphore_mem>>)
          %dma_start3A_134 = arith.constant 1 : i32
          %dma_start3A_135 = arith.constant 0 : i32
          %dma_start3A_136 = tpu.memref_slice %arg3[%dma_start3A_134, %add3A, %add3A_109, %dma_start3A_135] : memref<2x32x80x125xi32, #tpu.memory_space<hbm>> -> memref<1x1x1x125xi32, #tpu.memory_space<hbm>>
          %dma_start3A_137 = tpu.memref_squeeze %dma_start3A_136 : memref<1x1x1x125xi32, #tpu.memory_space<hbm>> -> memref<125xi32, #tpu.memory_space<hbm>>
          %dma_start3A_138 = arith.constant 0 : i32
          %dma_start3A_139 = tpu.memref_slice %arg3[%dma_start3A_134, %add3A, %add3A_109, %dma_start3A_138] : memref<2x32x80x125xi32, #tpu.memory_space<hbm>> -> memref<1x1x1x125xi32, #tpu.memory_space<hbm>>
          %dma_start3A_140 = tpu.memref_squeeze %dma_start3A_139 : memref<1x1x1x125xi32, #tpu.memory_space<hbm>> -> memref<125xi32, #tpu.memory_space<hbm>>
          tpu.enqueue_dma source(%dma_start3A_140 : memref<125xi32, #tpu.memory_space<hbm>>) target(%arg8 : memref<125xi32, #tpu.memory_space<vmem>>) target_semaphore(%arg12 : memref<!tpu.dma_semaphore, #tpu.memory_space<semaphore_mem>>)
        } else {
        }
      } else {
      }
    }
    %scan3A_48 = arith.constant 40 : i32
    %barrier3A_49 = arith.constant 0 : index
    tpu.barrier barrier_id(%barrier3A_49)
    %scan3A_50 = arith.constant 0 : i32
    %scan3A_51 = arith.constant 8 : i32
    %scan3A_52 = arith.addi %scan3A_50, %scan3A_51 : i32
    %scan3A_53 = arith.constant 1 : i32
    scf.for %scan3A_55 = %scan3A_50 to %scan3A_52 step %scan3A_53  : i32 {
      %mul3A_56 = arith.constant 1 : i32
      %mul3A_57 = arith.muli %scan3A_55, %mul3A_56 : i32
      %add3A_58 = arith.constant 0 : i32
      %add3A_59 = arith.addi %add3A_58, %mul3A_57 : i32
      %mul3A_60 = arith.constant 16 : i32
      %mul3A_61 = arith.muli %add3A_59, %mul3A_60 : i32
      %add3A_62 = arith.addi %mul3A_61, %arg1 : i32
      %lt3A = arith.constant 125 : i32
      %lt3A_63 = arith.cmpi slt, %add3A_62, %lt3A : i32
      %convert_element_type3A = arith.extui %lt3A_63 : i1 to i32
      %cond3A = arith.constant 0 : i32
      %cond3A_64 = arith.cmpi ne, %convert_element_type3A, %cond3A : i32
      scf.if %cond3A_64 {
        %mul3A_65 = arith.constant 80 : i32
        %mul3A_66 = arith.muli %add3A_62, %mul3A_65 : i32
        "tpu.region"() ({
          %run_scoped3A = tpu.sem_alloc : memref<!tpu.dma_semaphore, #tpu.memory_space<semaphore_mem>>
          %dma_start3A_67 = arith.constant 0 : i32
          %dma_start3A_68 = tpu.memref_slice %arg4[%arg0, %mul3A_66, %dma_start3A_67] : memref<2x10000x128xf32, #tpu.memory_space<hbm>> -> memref<1x80x128xf32, #tpu.memory_space<hbm>>
          %dma_start3A_69 = tpu.memref_squeeze %dma_start3A_68 : memref<1x80x128xf32, #tpu.memory_space<hbm>> -> memref<80x128xf32, #tpu.memory_space<hbm>>
          %dma_start3A_70 = arith.constant 0 : i32
          %dma_start3A_71 = tpu.memref_slice %arg10[%mul3A_66, %dma_start3A_70] : memref<10080x128xf32, #tpu.memory_space<vmem_shared>> -> memref<80x128xf32, #tpu.memory_space<vmem_shared>>
          tpu.enqueue_dma source(%dma_start3A_71 : memref<80x128xf32, #tpu.memory_space<vmem_shared>>) target(%dma_start3A_69 : memref<80x128xf32, #tpu.memory_space<hbm>>) target_semaphore(%run_scoped3A : memref<!tpu.dma_semaphore, #tpu.memory_space<semaphore_mem>>)
          %dma_wait3A = arith.constant 0 : i32
          %dma_wait3A_72 = tpu.memref_slice %arg4[%arg0, %mul3A_66, %dma_wait3A] : memref<2x10000x128xf32, #tpu.memory_space<hbm>> -> memref<1x80x128xf32, #tpu.memory_space<hbm>>
          %dma_wait3A_73 = tpu.memref_squeeze %dma_wait3A_72 : memref<1x80x128xf32, #tpu.memory_space<hbm>> -> memref<80x128xf32, #tpu.memory_space<hbm>>
          %dma_wait3A_74 = arith.constant 0 : i32
          %dma_wait3A_75 = tpu.memref_slice %arg10[%mul3A_66, %dma_wait3A_74] : memref<10080x128xf32, #tpu.memory_space<vmem_shared>> -> memref<80x128xf32, #tpu.memory_space<vmem_shared>>
          tpu.wait_dma2 semaphore(%run_scoped3A : memref<!tpu.dma_semaphore, #tpu.memory_space<semaphore_mem>>) src(%dma_wait3A_75 : memref<80x128xf32, #tpu.memory_space<vmem_shared>>) dst(%dma_wait3A_73 : memref<80x128xf32, #tpu.memory_space<hbm>>)
          tpu.yield
        }) : () -> ()
      } else {
      }
    }
    %scan3A_54 = arith.constant 8 : i32
    return
  }
}

#map = affine_map<(d0, d1) -> (0, 0)>
#map1 = affine_map<(d0, d1) -> (0, 0, 0, 0)>
#map2 = affine_map<(d0, d1) -> (0, 0, 0)>
module attributes {stable_mosaic.version = 14 : i64} {
  func.func @_sc_secnt(%arg0: i32, %arg1: i32, %arg2: memref<320000x128xf32, #tpu.memory_space<hbm>>, %arg3: memref<2x32x125x80xi32, #tpu.memory_space<hbm>>, %arg4: memref<2x10000x128xf32, #tpu.memory_space<hbm>>, %arg5: memref<80xi32, #tpu.memory_space<vmem>>, %arg6: memref<80xi32, #tpu.memory_space<vmem>>, %arg7: memref<2x80x128xf32, #tpu.memory_space<vmem>>, %arg8: memref<10080x128xf32, #tpu.memory_space<vmem_shared>>, %arg9: memref<!tpu.dma_semaphore, #tpu.memory_space<semaphore_mem>>, %arg10: memref<!tpu.dma_semaphore, #tpu.memory_space<semaphore_mem>>, %arg11: memref<!tpu.dma_semaphore, #tpu.memory_space<semaphore_mem>>, %arg12: memref<!tpu.dma_semaphore, #tpu.memory_space<semaphore_mem>>, %arg13: memref<!tpu.dma_semaphore, #tpu.memory_space<semaphore_mem>>, %arg14: memref<!tpu.dma_semaphore, #tpu.memory_space<semaphore_mem>>) attributes {dimension_semantics = [#tpu.dimension_semantics<core_parallel>, #tpu.dimension_semantics<subcore_parallel>], iteration_bounds = array<i64: 2, 16>, scalar_prefetch = 0 : i64, scratch_operands = 10 : i64, tpu.core_type = #tpu.core_type<sc_vector_subcore>, window_params = [{transform_indices = #map}, {transform_indices = #map1}, {transform_indices = #map2}]} {
    %mul3A = arith.constant 16 : i32
    %mul3A_0 = arith.muli %arg0, %mul3A : i32
    %add3A = arith.addi %mul3A_0, %arg1 : i32
    %broadcast_in_dim3A = arith.constant 0.000000e+00 : f32
    %broadcast_in_dim3A_1 = vector.broadcast %broadcast_in_dim3A : f32 to vector<16xf32>
    %scan3A = arith.constant 0 : i32
    %scan3A_2 = arith.constant 0 : i32
    %scan3A_3 = arith.constant 80 : i32
    %scan3A_4 = arith.addi %scan3A_2, %scan3A_3 : i32
    %scan3A_5 = arith.constant 1 : i32
    scf.for %scan3A_39 = %scan3A_2 to %scan3A_4 step %scan3A_5  : i32 {
      %mul3A_40 = arith.constant 1 : i32
      %mul3A_41 = arith.muli %scan3A_39, %mul3A_40 : i32
      %add3A_42 = arith.constant 0 : i32
      %add3A_43 = arith.addi %add3A_42, %mul3A_41 : i32
      %scan3A_44 = arith.constant 0 : i32
      %scan3A_45 = arith.constant 8 : i32
      %scan3A_46 = arith.addi %scan3A_44, %scan3A_45 : i32
      %scan3A_47 = arith.constant 1 : i32
      scf.for %scan3A_49 = %scan3A_44 to %scan3A_46 step %scan3A_47  : i32 {
        %mul3A_50 = arith.constant 16 : i32
        %mul3A_51 = arith.muli %scan3A_49, %mul3A_50 : i32
        %add3A_52 = arith.constant 0 : i32
        %add3A_53 = arith.addi %add3A_52, %mul3A_51 : i32
        %swap3A = arith.constant 0 : i32
        %swap3A_54 = arith.constant 0 : i32
        %swap3A_55 = tpu.memref_slice %arg7[%scan3A, %swap3A, %swap3A_54] : memref<2x80x128xf32, #tpu.memory_space<vmem>> -> memref<1x80x128xf32, #tpu.memory_space<vmem>>
        %swap3A_56 = tpu.memref_squeeze %swap3A_55 : memref<1x80x128xf32, #tpu.memory_space<vmem>> -> memref<80x128xf32, #tpu.memory_space<vmem>>
        %swap3A_57 = arith.index_cast %add3A_43 : i32 to index
        %swap3A_58 = arith.index_cast %add3A_53 : i32 to index
        %swap3A_59 = tpu.vector_load %swap3A_56[%swap3A_57, %swap3A_58] {strides = array<i32>} : memref<80x128xf32, #tpu.memory_space<vmem>>, vector<1x16xf32>,
        %swap3A_60 = vector.shape_cast %swap3A_59 : vector<1x16xf32> to vector<16xf32>
        %swap3A_61 = vector.shape_cast %broadcast_in_dim3A_1 : vector<16xf32> to vector<1x16xf32>
        tpu.vector_store %swap3A_56[%swap3A_57, %swap3A_58], %swap3A_61 {strides = array<i32>} : memref<80x128xf32, #tpu.memory_space<vmem>>, vector<1x16xf32>,
      }
      %scan3A_48 = arith.constant 8 : i32
    }
    %scan3A_6 = arith.constant 80 : i32
    %scan3A_7 = arith.constant 0 : i32
    %scan3A_8 = arith.constant 0 : i32
    %scan3A_9 = arith.constant 8 : i32
    %scan3A_10 = arith.addi %scan3A_8, %scan3A_9 : i32
    %scan3A_11 = arith.constant 1 : i32
    scf.for %scan3A_39 = %scan3A_8 to %scan3A_10 step %scan3A_11  : i32 {
      %mul3A_40 = arith.constant 1 : i32
      %mul3A_41 = arith.muli %scan3A_39, %mul3A_40 : i32
      %add3A_42 = arith.constant 0 : i32
      %add3A_43 = arith.addi %add3A_42, %mul3A_41 : i32
      %mul3A_44 = arith.constant 16 : i32
      %mul3A_45 = arith.muli %add3A_43, %mul3A_44 : i32
      %add3A_46 = arith.addi %mul3A_45, %arg1 : i32
      %lt3A = arith.constant 126 : i32
      %lt3A_47 = arith.cmpi slt, %add3A_46, %lt3A : i32
      %convert_element_type3A = arith.extui %lt3A_47 : i1 to i32
      %cond3A = arith.constant 0 : i32
      %cond3A_48 = arith.cmpi ne, %convert_element_type3A, %cond3A : i32
      scf.if %cond3A_48 {
        %mul3A_49 = arith.constant 80 : i32
        %mul3A_50 = arith.muli %add3A_46, %mul3A_49 : i32
        "tpu.region"() ({
          %run_scoped3A = tpu.sem_alloc : memref<!tpu.dma_semaphore, #tpu.memory_space<semaphore_mem>>
          %dma_start3A_51 = arith.constant 0 : i32
          %dma_start3A_52 = arith.constant 0 : i32
          %dma_start3A_53 = tpu.memref_slice %arg7[%scan3A_7, %dma_start3A_51, %dma_start3A_52] : memref<2x80x128xf32, #tpu.memory_space<vmem>> -> memref<1x80x128xf32, #tpu.memory_space<vmem>>
          %dma_start3A_54 = tpu.memref_squeeze %dma_start3A_53 : memref<1x80x128xf32, #tpu.memory_space<vmem>> -> memref<80x128xf32, #tpu.memory_space<vmem>>
          %dma_start3A_55 = arith.constant 0 : i32
          %dma_start3A_56 = tpu.memref_slice %arg8[%mul3A_50, %dma_start3A_55] : memref<10080x128xf32, #tpu.memory_space<vmem_shared>> -> memref<80x128xf32, #tpu.memory_space<vmem_shared>>
          %dma_start3A_57 = arith.constant 0 : i32
          %dma_start3A_58 = tpu.memref_slice %arg8[%mul3A_50, %dma_start3A_57] : memref<10080x128xf32, #tpu.memory_space<vmem_shared>> -> memref<80x128xf32, #tpu.memory_space<vmem_shared>>
          %dma_start3A_59 = arith.constant 0 : i32
          %dma_start3A_60 = arith.constant 0 : i32
          %dma_start3A_61 = tpu.memref_slice %arg7[%scan3A_7, %dma_start3A_59, %dma_start3A_60] : memref<2x80x128xf32, #tpu.memory_space<vmem>> -> memref<1x80x128xf32, #tpu.memory_space<vmem>>
          %dma_start3A_62 = tpu.memref_squeeze %dma_start3A_61 : memref<1x80x128xf32, #tpu.memory_space<vmem>> -> memref<80x128xf32, #tpu.memory_space<vmem>>
          tpu.enqueue_dma source(%dma_start3A_62 : memref<80x128xf32, #tpu.memory_space<vmem>>) target(%dma_start3A_58 : memref<80x128xf32, #tpu.memory_space<vmem_shared>>) target_semaphore(%run_scoped3A : memref<!tpu.dma_semaphore, #tpu.memory_space<semaphore_mem>>)
          %dma_wait3A = arith.constant 0 : i32
          %dma_wait3A_63 = arith.constant 0 : i32
          %dma_wait3A_64 = tpu.memref_slice %arg7[%scan3A_7, %dma_wait3A, %dma_wait3A_63] : memref<2x80x128xf32, #tpu.memory_space<vmem>> -> memref<1x80x128xf32, #tpu.memory_space<vmem>>
          %dma_wait3A_65 = tpu.memref_squeeze %dma_wait3A_64 : memref<1x80x128xf32, #tpu.memory_space<vmem>> -> memref<80x128xf32, #tpu.memory_space<vmem>>
          %dma_wait3A_66 = arith.constant 0 : i32
          %dma_wait3A_67 = tpu.memref_slice %arg8[%mul3A_50, %dma_wait3A_66] : memref<10080x128xf32, #tpu.memory_space<vmem_shared>> -> memref<80x128xf32, #tpu.memory_space<vmem_shared>>
          %dma_wait3A_68 = arith.constant 0 : i32
          %dma_wait3A_69 = tpu.memref_slice %arg8[%mul3A_50, %dma_wait3A_68] : memref<10080x128xf32, #tpu.memory_space<vmem_shared>> -> memref<80x128xf32, #tpu.memory_space<vmem_shared>>
          %dma_wait3A_70 = arith.constant 0 : i32
          %dma_wait3A_71 = arith.constant 0 : i32
          %dma_wait3A_72 = tpu.memref_slice %arg7[%scan3A_7, %dma_wait3A_70, %dma_wait3A_71] : memref<2x80x128xf32, #tpu.memory_space<vmem>> -> memref<1x80x128xf32, #tpu.memory_space<vmem>>
          %dma_wait3A_73 = tpu.memref_squeeze %dma_wait3A_72 : memref<1x80x128xf32, #tpu.memory_space<vmem>> -> memref<80x128xf32, #tpu.memory_space<vmem>>
          tpu.wait_dma2 semaphore(%run_scoped3A : memref<!tpu.dma_semaphore, #tpu.memory_space<semaphore_mem>>) src(%dma_wait3A_73 : memref<80x128xf32, #tpu.memory_space<vmem>>) dst(%dma_wait3A_69 : memref<80x128xf32, #tpu.memory_space<vmem_shared>>)
          tpu.yield
        }) : () -> ()
      } else {
      }
    }
    %scan3A_12 = arith.constant 8 : i32
    %barrier3A = arith.constant 0 : index
    tpu.barrier barrier_id(%barrier3A)
    %dma_start3A = arith.constant 1 : i32
    %dma_start3A_13 = arith.constant 0 : i32
    %dma_start3A_14 = arith.constant 0 : i32
    %dma_start3A_15 = tpu.memref_slice %arg3[%dma_start3A, %add3A, %dma_start3A_13, %dma_start3A_14] : memref<2x32x125x80xi32, #tpu.memory_space<hbm>> -> memref<1x1x1x80xi32, #tpu.memory_space<hbm>>
    %dma_start3A_16 = tpu.memref_squeeze %dma_start3A_15 : memref<1x1x1x80xi32, #tpu.memory_space<hbm>> -> memref<80xi32, #tpu.memory_space<hbm>>
    %dma_start3A_17 = arith.constant 0 : i32
    %dma_start3A_18 = tpu.memref_slice %arg3[%dma_start3A, %add3A, %dma_start3A_13, %dma_start3A_17] : memref<2x32x125x80xi32, #tpu.memory_space<hbm>> -> memref<1x1x1x80xi32, #tpu.memory_space<hbm>>
    %dma_start3A_19 = tpu.memref_squeeze %dma_start3A_18 : memref<1x1x1x80xi32, #tpu.memory_space<hbm>> -> memref<80xi32, #tpu.memory_space<hbm>>
    tpu.enqueue_dma source(%dma_start3A_19 : memref<80xi32, #tpu.memory_space<hbm>>) target(%arg5 : memref<80xi32, #tpu.memory_space<vmem>>) target_semaphore(%arg9 : memref<!tpu.dma_semaphore, #tpu.memory_space<semaphore_mem>>)
    %dma_start3A_20 = arith.constant 1 : i32
    %dma_start3A_21 = arith.constant 1 : i32
    %dma_start3A_22 = arith.constant 0 : i32
    %dma_start3A_23 = tpu.memref_slice %arg3[%dma_start3A_20, %add3A, %dma_start3A_21, %dma_start3A_22] : memref<2x32x125x80xi32, #tpu.memory_space<hbm>> -> memref<1x1x1x80xi32, #tpu.memory_space<hbm>>
    %dma_start3A_24 = tpu.memref_squeeze %dma_start3A_23 : memref<1x1x1x80xi32, #tpu.memory_space<hbm>> -> memref<80xi32, #tpu.memory_space<hbm>>
    %dma_start3A_25 = arith.constant 0 : i32
    %dma_start3A_26 = tpu.memref_slice %arg3[%dma_start3A_20, %add3A, %dma_start3A_21, %dma_start3A_25] : memref<2x32x125x80xi32, #tpu.memory_space<hbm>> -> memref<1x1x1x80xi32, #tpu.memory_space<hbm>>
    %dma_start3A_27 = tpu.memref_squeeze %dma_start3A_26 : memref<1x1x1x80xi32, #tpu.memory_space<hbm>> -> memref<80xi32, #tpu.memory_space<hbm>>
    tpu.enqueue_dma source(%dma_start3A_27 : memref<80xi32, #tpu.memory_space<hbm>>) target(%arg6 : memref<80xi32, #tpu.memory_space<vmem>>) target_semaphore(%arg10 : memref<!tpu.dma_semaphore, #tpu.memory_space<semaphore_mem>>)
    %scan3A_28 = arith.constant 0 : i32
    %scan3A_29 = arith.constant 63 : i32
    %scan3A_30 = arith.addi %scan3A_28, %scan3A_29 : i32
    %scan3A_31 = arith.constant 1 : i32
    scf.for %scan3A_39 = %scan3A_28 to %scan3A_30 step %scan3A_31  : i32 {
      %mul3A_40 = arith.constant 1 : i32
      %mul3A_41 = arith.muli %scan3A_39, %mul3A_40 : i32
      %add3A_42 = arith.constant 0 : i32
      %add3A_43 = arith.addi %add3A_42, %mul3A_41 : i32
      %mul3A_44 = arith.constant 2 : i32
      %mul3A_45 = arith.muli %add3A_43, %mul3A_44 : i32
      %add3A_46 = arith.constant 0 : i32
      %add3A_47 = arith.addi %mul3A_45, %add3A_46 : i32
      %lt3A = arith.constant 125 : i32
      %lt3A_48 = arith.cmpi slt, %add3A_47, %lt3A : i32
      %convert_element_type3A = arith.extui %lt3A_48 : i1 to i32
      %cond3A = arith.constant 0 : i32
      %cond3A_49 = arith.cmpi ne, %convert_element_type3A, %cond3A : i32
      scf.if %cond3A_49 {
        %dma_wait3A = arith.constant 1 : i32
        %dma_wait3A_99 = arith.constant 0 : i32
        %dma_wait3A_100 = tpu.memref_slice %arg3[%dma_wait3A, %add3A, %add3A_47, %dma_wait3A_99] : memref<2x32x125x80xi32, #tpu.memory_space<hbm>> -> memref<1x1x1x80xi32, #tpu.memory_space<hbm>>
        %dma_wait3A_101 = tpu.memref_squeeze %dma_wait3A_100 : memref<1x1x1x80xi32, #tpu.memory_space<hbm>> -> memref<80xi32, #tpu.memory_space<hbm>>
        %dma_wait3A_102 = arith.constant 0 : i32
        %dma_wait3A_103 = tpu.memref_slice %arg3[%dma_wait3A, %add3A, %add3A_47, %dma_wait3A_102] : memref<2x32x125x80xi32, #tpu.memory_space<hbm>> -> memref<1x1x1x80xi32, #tpu.memory_space<hbm>>
        %dma_wait3A_104 = tpu.memref_squeeze %dma_wait3A_103 : memref<1x1x1x80xi32, #tpu.memory_space<hbm>> -> memref<80xi32, #tpu.memory_space<hbm>>
        tpu.wait_dma2 semaphore(%arg9 : memref<!tpu.dma_semaphore, #tpu.memory_space<semaphore_mem>>) src(%dma_wait3A_104 : memref<80xi32, #tpu.memory_space<hbm>>) dst(%arg5 : memref<80xi32, #tpu.memory_space<vmem>>)
        %mul3A_105 = arith.constant 10000 : i32
        %mul3A_106 = arith.muli %add3A, %mul3A_105 : i32
        %mul3A_107 = arith.constant 80 : i32
        %mul3A_108 = arith.muli %add3A_47, %mul3A_107 : i32
        %add3A_109 = arith.addi %mul3A_106, %mul3A_108 : i32
        %dma_start3A_110 = arith.constant 0 : i32
        %dma_start3A_111 = arith.constant 0 : i32
        %dma_start3A_112 = arith.constant 0 : i32
        %dma_start3A_113 = tpu.memref_slice %arg7[%dma_start3A_110, %dma_start3A_111, %dma_start3A_112] : memref<2x80x128xf32, #tpu.memory_space<vmem>> -> memref<1x80x128xf32, #tpu.memory_space<vmem>>
        %dma_start3A_114 = tpu.memref_squeeze %dma_start3A_113 : memref<1x80x128xf32, #tpu.memory_space<vmem>> -> memref<80x128xf32, #tpu.memory_space<vmem>>
        %dma_start3A_115 = arith.constant 0 : i32
        %dma_start3A_116 = tpu.memref_slice %arg2[%add3A_109, %dma_start3A_115] : memref<320000x128xf32, #tpu.memory_space<hbm>> -> memref<80x128xf32, #tpu.memory_space<hbm>>
        %dma_start3A_117 = arith.constant 0 : i32
        %dma_start3A_118 = arith.constant 0 : i32
        %dma_start3A_119 = tpu.memref_slice %arg7[%dma_start3A_110, %dma_start3A_117, %dma_start3A_118] : memref<2x80x128xf32, #tpu.memory_space<vmem>> -> memref<1x80x128xf32, #tpu.memory_space<vmem>>
        %dma_start3A_120 = tpu.memref_squeeze %dma_start3A_119 : memref<1x80x128xf32, #tpu.memory_space<vmem>> -> memref<80x128xf32, #tpu.memory_space<vmem>>
        %dma_start3A_121 = arith.constant 0 : i32
        %dma_start3A_122 = tpu.memref_slice %arg2[%add3A_109, %dma_start3A_121] : memref<320000x128xf32, #tpu.memory_space<hbm>> -> memref<80x128xf32, #tpu.memory_space<hbm>>
        tpu.enqueue_dma source(%dma_start3A_122 : memref<80x128xf32, #tpu.memory_space<hbm>>) target(%dma_start3A_120 : memref<80x128xf32, #tpu.memory_space<vmem>>) target_semaphore(%arg11 : memref<!tpu.dma_semaphore, #tpu.memory_space<semaphore_mem>>)
      } else {
      }
      %mul3A_50 = arith.constant 2 : i32
      %mul3A_51 = arith.muli %add3A_43, %mul3A_50 : i32
      %add3A_52 = arith.constant 1 : i32
      %add3A_53 = arith.addi %mul3A_51, %add3A_52 : i32
      %lt3A_54 = arith.constant 125 : i32
      %lt3A_55 = arith.cmpi slt, %add3A_53, %lt3A_54 : i32
      %convert_element_type3A_56 = arith.extui %lt3A_55 : i1 to i32
      %cond3A_57 = arith.constant 0 : i32
      %cond3A_58 = arith.cmpi ne, %convert_element_type3A_56, %cond3A_57 : i32
      scf.if %cond3A_58 {
        %dma_wait3A = arith.constant 1 : i32
        %dma_wait3A_99 = arith.constant 0 : i32
        %dma_wait3A_100 = tpu.memref_slice %arg3[%dma_wait3A, %add3A, %add3A_53, %dma_wait3A_99] : memref<2x32x125x80xi32, #tpu.memory_space<hbm>> -> memref<1x1x1x80xi32, #tpu.memory_space<hbm>>
        %dma_wait3A_101 = tpu.memref_squeeze %dma_wait3A_100 : memref<1x1x1x80xi32, #tpu.memory_space<hbm>> -> memref<80xi32, #tpu.memory_space<hbm>>
        %dma_wait3A_102 = arith.constant 0 : i32
        %dma_wait3A_103 = tpu.memref_slice %arg3[%dma_wait3A, %add3A, %add3A_53, %dma_wait3A_102] : memref<2x32x125x80xi32, #tpu.memory_space<hbm>> -> memref<1x1x1x80xi32, #tpu.memory_space<hbm>>
        %dma_wait3A_104 = tpu.memref_squeeze %dma_wait3A_103 : memref<1x1x1x80xi32, #tpu.memory_space<hbm>> -> memref<80xi32, #tpu.memory_space<hbm>>
        tpu.wait_dma2 semaphore(%arg10 : memref<!tpu.dma_semaphore, #tpu.memory_space<semaphore_mem>>) src(%dma_wait3A_104 : memref<80xi32, #tpu.memory_space<hbm>>) dst(%arg6 : memref<80xi32, #tpu.memory_space<vmem>>)
        %mul3A_105 = arith.constant 10000 : i32
        %mul3A_106 = arith.muli %add3A, %mul3A_105 : i32
        %mul3A_107 = arith.constant 80 : i32
        %mul3A_108 = arith.muli %add3A_53, %mul3A_107 : i32
        %add3A_109 = arith.addi %mul3A_106, %mul3A_108 : i32
        %dma_start3A_110 = arith.constant 1 : i32
        %dma_start3A_111 = arith.constant 0 : i32
        %dma_start3A_112 = arith.constant 0 : i32
        %dma_start3A_113 = tpu.memref_slice %arg7[%dma_start3A_110, %dma_start3A_111, %dma_start3A_112] : memref<2x80x128xf32, #tpu.memory_space<vmem>> -> memref<1x80x128xf32, #tpu.memory_space<vmem>>
        %dma_start3A_114 = tpu.memref_squeeze %dma_start3A_113 : memref<1x80x128xf32, #tpu.memory_space<vmem>> -> memref<80x128xf32, #tpu.memory_space<vmem>>
        %dma_start3A_115 = arith.constant 0 : i32
        %dma_start3A_116 = tpu.memref_slice %arg2[%add3A_109, %dma_start3A_115] : memref<320000x128xf32, #tpu.memory_space<hbm>> -> memref<80x128xf32, #tpu.memory_space<hbm>>
        %dma_start3A_117 = arith.constant 0 : i32
        %dma_start3A_118 = arith.constant 0 : i32
        %dma_start3A_119 = tpu.memref_slice %arg7[%dma_start3A_110, %dma_start3A_117, %dma_start3A_118] : memref<2x80x128xf32, #tpu.memory_space<vmem>> -> memref<1x80x128xf32, #tpu.memory_space<vmem>>
        %dma_start3A_120 = tpu.memref_squeeze %dma_start3A_119 : memref<1x80x128xf32, #tpu.memory_space<vmem>> -> memref<80x128xf32, #tpu.memory_space<vmem>>
        %dma_start3A_121 = arith.constant 0 : i32
        %dma_start3A_122 = tpu.memref_slice %arg2[%add3A_109, %dma_start3A_121] : memref<320000x128xf32, #tpu.memory_space<hbm>> -> memref<80x128xf32, #tpu.memory_space<hbm>>
        tpu.enqueue_dma source(%dma_start3A_122 : memref<80x128xf32, #tpu.memory_space<hbm>>) target(%dma_start3A_120 : memref<80x128xf32, #tpu.memory_space<vmem>>) target_semaphore(%arg12 : memref<!tpu.dma_semaphore, #tpu.memory_space<semaphore_mem>>)
      } else {
      }
      %mul3A_59 = arith.constant 2 : i32
      %mul3A_60 = arith.muli %add3A_43, %mul3A_59 : i32
      %add3A_61 = arith.constant 0 : i32
      %add3A_62 = arith.addi %mul3A_60, %add3A_61 : i32
      %lt3A_63 = arith.constant 125 : i32
      %lt3A_64 = arith.cmpi slt, %add3A_62, %lt3A_63 : i32
      %convert_element_type3A_65 = arith.extui %lt3A_64 : i1 to i32
      %cond3A_66 = arith.constant 0 : i32
      %cond3A_67 = arith.cmpi ne, %convert_element_type3A_65, %cond3A_66 : i32
      scf.if %cond3A_67 {
        %mul3A_99 = arith.constant 10000 : i32
        %mul3A_100 = arith.muli %add3A, %mul3A_99 : i32
        %mul3A_101 = arith.constant 80 : i32
        %mul3A_102 = arith.muli %add3A_62, %mul3A_101 : i32
        %add3A_103 = arith.addi %mul3A_100, %mul3A_102 : i32
        %dma_wait3A = arith.constant 0 : i32
        %dma_wait3A_104 = arith.constant 0 : i32
        %dma_wait3A_105 = arith.constant 0 : i32
        %dma_wait3A_106 = tpu.memref_slice %arg7[%dma_wait3A, %dma_wait3A_104, %dma_wait3A_105] : memref<2x80x128xf32, #tpu.memory_space<vmem>> -> memref<1x80x128xf32, #tpu.memory_space<vmem>>
        %dma_wait3A_107 = tpu.memref_squeeze %dma_wait3A_106 : memref<1x80x128xf32, #tpu.memory_space<vmem>> -> memref<80x128xf32, #tpu.memory_space<vmem>>
        %dma_wait3A_108 = arith.constant 0 : i32
        %dma_wait3A_109 = tpu.memref_slice %arg2[%add3A_103, %dma_wait3A_108] : memref<320000x128xf32, #tpu.memory_space<hbm>> -> memref<80x128xf32, #tpu.memory_space<hbm>>
        %dma_wait3A_110 = arith.constant 0 : i32
        %dma_wait3A_111 = arith.constant 0 : i32
        %dma_wait3A_112 = tpu.memref_slice %arg7[%dma_wait3A, %dma_wait3A_110, %dma_wait3A_111] : memref<2x80x128xf32, #tpu.memory_space<vmem>> -> memref<1x80x128xf32, #tpu.memory_space<vmem>>
        %dma_wait3A_113 = tpu.memref_squeeze %dma_wait3A_112 : memref<1x80x128xf32, #tpu.memory_space<vmem>> -> memref<80x128xf32, #tpu.memory_space<vmem>>
        %dma_wait3A_114 = arith.constant 0 : i32
        %dma_wait3A_115 = tpu.memref_slice %arg2[%add3A_103, %dma_wait3A_114] : memref<320000x128xf32, #tpu.memory_space<hbm>> -> memref<80x128xf32, #tpu.memory_space<hbm>>
        tpu.wait_dma2 semaphore(%arg11 : memref<!tpu.dma_semaphore, #tpu.memory_space<semaphore_mem>>) src(%dma_wait3A_115 : memref<80x128xf32, #tpu.memory_space<hbm>>) dst(%dma_wait3A_113 : memref<80x128xf32, #tpu.memory_space<vmem>>)
        %dma_start3A_116 = arith.constant 0 : i32
        %dma_start3A_117 = arith.constant 0 : i32
        %dma_start3A_118 = arith.constant 0 : i32
        %dma_start3A_119 = tpu.memref_slice %arg7[%dma_start3A_116, %dma_start3A_117, %dma_start3A_118] : memref<2x80x128xf32, #tpu.memory_space<vmem>> -> memref<1x80x128xf32, #tpu.memory_space<vmem>>
        %dma_start3A_120 = tpu.memref_squeeze %dma_start3A_119 : memref<1x80x128xf32, #tpu.memory_space<vmem>> -> memref<80x128xf32, #tpu.memory_space<vmem>>
        %dma_start3A_121 = arith.constant 0 : i32
        %dma_start3A_122 = arith.constant 0 : i32
        %dma_start3A_123 = tpu.memref_slice %arg8[%dma_start3A_121, %dma_start3A_122] : memref<10080x128xf32, #tpu.memory_space<vmem_shared>> -> memref<10080x128xf32, #tpu.memory_space<vmem_shared>>
        tpu.enqueue_indirect_dma source(%dma_start3A_120 : memref<80x128xf32, #tpu.memory_space<vmem>>) target(%dma_start3A_123 : memref<10080x128xf32, #tpu.memory_space<vmem_shared>>) offsets(%arg5 : memref<80xi32, #tpu.memory_space<vmem>>) semaphore(%arg13 : memref<!tpu.dma_semaphore, #tpu.memory_space<semaphore_mem>>) {add = true}
      } else {
      }
      %mul3A_68 = arith.constant 2 : i32
      %mul3A_69 = arith.muli %add3A_43, %mul3A_68 : i32
      %add3A_70 = arith.constant 1 : i32
      %add3A_71 = arith.addi %mul3A_69, %add3A_70 : i32
      %lt3A_72 = arith.constant 125 : i32
      %lt3A_73 = arith.cmpi slt, %add3A_71, %lt3A_72 : i32
      %convert_element_type3A_74 = arith.extui %lt3A_73 : i1 to i32
      %cond3A_75 = arith.constant 0 : i32
      %cond3A_76 = arith.cmpi ne, %convert_element_type3A_74, %cond3A_75 : i32
      scf.if %cond3A_76 {
        %mul3A_99 = arith.constant 10000 : i32
        %mul3A_100 = arith.muli %add3A, %mul3A_99 : i32
        %mul3A_101 = arith.constant 80 : i32
        %mul3A_102 = arith.muli %add3A_71, %mul3A_101 : i32
        %add3A_103 = arith.addi %mul3A_100, %mul3A_102 : i32
        %dma_wait3A = arith.constant 1 : i32
        %dma_wait3A_104 = arith.constant 0 : i32
        %dma_wait3A_105 = arith.constant 0 : i32
        %dma_wait3A_106 = tpu.memref_slice %arg7[%dma_wait3A, %dma_wait3A_104, %dma_wait3A_105] : memref<2x80x128xf32, #tpu.memory_space<vmem>> -> memref<1x80x128xf32, #tpu.memory_space<vmem>>
        %dma_wait3A_107 = tpu.memref_squeeze %dma_wait3A_106 : memref<1x80x128xf32, #tpu.memory_space<vmem>> -> memref<80x128xf32, #tpu.memory_space<vmem>>
        %dma_wait3A_108 = arith.constant 0 : i32
        %dma_wait3A_109 = tpu.memref_slice %arg2[%add3A_103, %dma_wait3A_108] : memref<320000x128xf32, #tpu.memory_space<hbm>> -> memref<80x128xf32, #tpu.memory_space<hbm>>
        %dma_wait3A_110 = arith.constant 0 : i32
        %dma_wait3A_111 = arith.constant 0 : i32
        %dma_wait3A_112 = tpu.memref_slice %arg7[%dma_wait3A, %dma_wait3A_110, %dma_wait3A_111] : memref<2x80x128xf32, #tpu.memory_space<vmem>> -> memref<1x80x128xf32, #tpu.memory_space<vmem>>
        %dma_wait3A_113 = tpu.memref_squeeze %dma_wait3A_112 : memref<1x80x128xf32, #tpu.memory_space<vmem>> -> memref<80x128xf32, #tpu.memory_space<vmem>>
        %dma_wait3A_114 = arith.constant 0 : i32
        %dma_wait3A_115 = tpu.memref_slice %arg2[%add3A_103, %dma_wait3A_114] : memref<320000x128xf32, #tpu.memory_space<hbm>> -> memref<80x128xf32, #tpu.memory_space<hbm>>
        tpu.wait_dma2 semaphore(%arg12 : memref<!tpu.dma_semaphore, #tpu.memory_space<semaphore_mem>>) src(%dma_wait3A_115 : memref<80x128xf32, #tpu.memory_space<hbm>>) dst(%dma_wait3A_113 : memref<80x128xf32, #tpu.memory_space<vmem>>)
        %dma_start3A_116 = arith.constant 1 : i32
        %dma_start3A_117 = arith.constant 0 : i32
        %dma_start3A_118 = arith.constant 0 : i32
        %dma_start3A_119 = tpu.memref_slice %arg7[%dma_start3A_116, %dma_start3A_117, %dma_start3A_118] : memref<2x80x128xf32, #tpu.memory_space<vmem>> -> memref<1x80x128xf32, #tpu.memory_space<vmem>>
        %dma_start3A_120 = tpu.memref_squeeze %dma_start3A_119 : memref<1x80x128xf32, #tpu.memory_space<vmem>> -> memref<80x128xf32, #tpu.memory_space<vmem>>
        %dma_start3A_121 = arith.constant 0 : i32
        %dma_start3A_122 = arith.constant 0 : i32
        %dma_start3A_123 = tpu.memref_slice %arg8[%dma_start3A_121, %dma_start3A_122] : memref<10080x128xf32, #tpu.memory_space<vmem_shared>> -> memref<10080x128xf32, #tpu.memory_space<vmem_shared>>
        tpu.enqueue_indirect_dma source(%dma_start3A_120 : memref<80x128xf32, #tpu.memory_space<vmem>>) target(%dma_start3A_123 : memref<10080x128xf32, #tpu.memory_space<vmem_shared>>) offsets(%arg6 : memref<80xi32, #tpu.memory_space<vmem>>) semaphore(%arg14 : memref<!tpu.dma_semaphore, #tpu.memory_space<semaphore_mem>>) {add = true}
      } else {
      }
      %mul3A_77 = arith.constant 2 : i32
      %mul3A_78 = arith.muli %add3A_43, %mul3A_77 : i32
      %add3A_79 = arith.constant 0 : i32
      %add3A_80 = arith.addi %mul3A_78, %add3A_79 : i32
      %add3A_81 = arith.constant 2 : i32
      %add3A_82 = arith.addi %add3A_80, %add3A_81 : i32
      %lt3A_83 = arith.constant 125 : i32
      %lt3A_84 = arith.cmpi slt, %add3A_80, %lt3A_83 : i32
      %convert_element_type3A_85 = arith.extui %lt3A_84 : i1 to i32
      %cond3A_86 = arith.constant 0 : i32
      %cond3A_87 = arith.cmpi ne, %convert_element_type3A_85, %cond3A_86 : i32
      scf.if %cond3A_87 {
        %dma_wait3A = arith.constant 0 : i32
        %dma_wait3A_99 = arith.constant 0 : i32
        %dma_wait3A_100 = arith.constant 0 : i32
        %dma_wait3A_101 = tpu.memref_slice %arg7[%dma_wait3A, %dma_wait3A_99, %dma_wait3A_100] : memref<2x80x128xf32, #tpu.memory_space<vmem>> -> memref<1x80x128xf32, #tpu.memory_space<vmem>>
        %dma_wait3A_102 = tpu.memref_squeeze %dma_wait3A_101 : memref<1x80x128xf32, #tpu.memory_space<vmem>> -> memref<80x128xf32, #tpu.memory_space<vmem>>
        %dma_wait3A_103 = arith.constant 0 : i32
        %dma_wait3A_104 = arith.constant 0 : i32
        %dma_wait3A_105 = tpu.memref_slice %arg8[%dma_wait3A_103, %dma_wait3A_104] : memref<10080x128xf32, #tpu.memory_space<vmem_shared>> -> memref<10080x128xf32, #tpu.memory_space<vmem_shared>>
        tpu.wait_indirect_dma semaphore(%arg13 : memref<!tpu.dma_semaphore, #tpu.memory_space<semaphore_mem>>) src(%dma_wait3A_102 : memref<80x128xf32, #tpu.memory_space<vmem>>) dst(%dma_wait3A_105 : memref<10080x128xf32, #tpu.memory_space<vmem_shared>>)
        %lt3A_106 = arith.constant 125 : i32
        %lt3A_107 = arith.cmpi slt, %add3A_82, %lt3A_106 : i32
        %convert_element_type3A_108 = arith.extui %lt3A_107 : i1 to i32
        %cond3A_109 = arith.constant 0 : i32
        %cond3A_110 = arith.cmpi ne, %convert_element_type3A_108, %cond3A_109 : i32
        scf.if %cond3A_110 {
          %dma_start3A_111 = arith.constant 1 : i32
          %dma_start3A_112 = arith.constant 0 : i32
          %dma_start3A_113 = tpu.memref_slice %arg3[%dma_start3A_111, %add3A, %add3A_82, %dma_start3A_112] : memref<2x32x125x80xi32, #tpu.memory_space<hbm>> -> memref<1x1x1x80xi32, #tpu.memory_space<hbm>>
          %dma_start3A_114 = tpu.memref_squeeze %dma_start3A_113 : memref<1x1x1x80xi32, #tpu.memory_space<hbm>> -> memref<80xi32, #tpu.memory_space<hbm>>
          %dma_start3A_115 = arith.constant 0 : i32
          %dma_start3A_116 = tpu.memref_slice %arg3[%dma_start3A_111, %add3A, %add3A_82, %dma_start3A_115] : memref<2x32x125x80xi32, #tpu.memory_space<hbm>> -> memref<1x1x1x80xi32, #tpu.memory_space<hbm>>
          %dma_start3A_117 = tpu.memref_squeeze %dma_start3A_116 : memref<1x1x1x80xi32, #tpu.memory_space<hbm>> -> memref<80xi32, #tpu.memory_space<hbm>>
          tpu.enqueue_dma source(%dma_start3A_117 : memref<80xi32, #tpu.memory_space<hbm>>) target(%arg5 : memref<80xi32, #tpu.memory_space<vmem>>) target_semaphore(%arg9 : memref<!tpu.dma_semaphore, #tpu.memory_space<semaphore_mem>>)
        } else {
        }
      } else {
      }
      %mul3A_88 = arith.constant 2 : i32
      %mul3A_89 = arith.muli %add3A_43, %mul3A_88 : i32
      %add3A_90 = arith.constant 1 : i32
      %add3A_91 = arith.addi %mul3A_89, %add3A_90 : i32
      %add3A_92 = arith.constant 2 : i32
      %add3A_93 = arith.addi %add3A_91, %add3A_92 : i32
      %lt3A_94 = arith.constant 125 : i32
      %lt3A_95 = arith.cmpi slt, %add3A_91, %lt3A_94 : i32
      %convert_element_type3A_96 = arith.extui %lt3A_95 : i1 to i32
      %cond3A_97 = arith.constant 0 : i32
      %cond3A_98 = arith.cmpi ne, %convert_element_type3A_96, %cond3A_97 : i32
      scf.if %cond3A_98 {
        %dma_wait3A = arith.constant 1 : i32
        %dma_wait3A_99 = arith.constant 0 : i32
        %dma_wait3A_100 = arith.constant 0 : i32
        %dma_wait3A_101 = tpu.memref_slice %arg7[%dma_wait3A, %dma_wait3A_99, %dma_wait3A_100] : memref<2x80x128xf32, #tpu.memory_space<vmem>> -> memref<1x80x128xf32, #tpu.memory_space<vmem>>
        %dma_wait3A_102 = tpu.memref_squeeze %dma_wait3A_101 : memref<1x80x128xf32, #tpu.memory_space<vmem>> -> memref<80x128xf32, #tpu.memory_space<vmem>>
        %dma_wait3A_103 = arith.constant 0 : i32
        %dma_wait3A_104 = arith.constant 0 : i32
        %dma_wait3A_105 = tpu.memref_slice %arg8[%dma_wait3A_103, %dma_wait3A_104] : memref<10080x128xf32, #tpu.memory_space<vmem_shared>> -> memref<10080x128xf32, #tpu.memory_space<vmem_shared>>
        tpu.wait_indirect_dma semaphore(%arg14 : memref<!tpu.dma_semaphore, #tpu.memory_space<semaphore_mem>>) src(%dma_wait3A_102 : memref<80x128xf32, #tpu.memory_space<vmem>>) dst(%dma_wait3A_105 : memref<10080x128xf32, #tpu.memory_space<vmem_shared>>)
        %lt3A_106 = arith.constant 125 : i32
        %lt3A_107 = arith.cmpi slt, %add3A_93, %lt3A_106 : i32
        %convert_element_type3A_108 = arith.extui %lt3A_107 : i1 to i32
        %cond3A_109 = arith.constant 0 : i32
        %cond3A_110 = arith.cmpi ne, %convert_element_type3A_108, %cond3A_109 : i32
        scf.if %cond3A_110 {
          %dma_start3A_111 = arith.constant 1 : i32
          %dma_start3A_112 = arith.constant 0 : i32
          %dma_start3A_113 = tpu.memref_slice %arg3[%dma_start3A_111, %add3A, %add3A_93, %dma_start3A_112] : memref<2x32x125x80xi32, #tpu.memory_space<hbm>> -> memref<1x1x1x80xi32, #tpu.memory_space<hbm>>
          %dma_start3A_114 = tpu.memref_squeeze %dma_start3A_113 : memref<1x1x1x80xi32, #tpu.memory_space<hbm>> -> memref<80xi32, #tpu.memory_space<hbm>>
          %dma_start3A_115 = arith.constant 0 : i32
          %dma_start3A_116 = tpu.memref_slice %arg3[%dma_start3A_111, %add3A, %add3A_93, %dma_start3A_115] : memref<2x32x125x80xi32, #tpu.memory_space<hbm>> -> memref<1x1x1x80xi32, #tpu.memory_space<hbm>>
          %dma_start3A_117 = tpu.memref_squeeze %dma_start3A_116 : memref<1x1x1x80xi32, #tpu.memory_space<hbm>> -> memref<80xi32, #tpu.memory_space<hbm>>
          tpu.enqueue_dma source(%dma_start3A_117 : memref<80xi32, #tpu.memory_space<hbm>>) target(%arg6 : memref<80xi32, #tpu.memory_space<vmem>>) target_semaphore(%arg10 : memref<!tpu.dma_semaphore, #tpu.memory_space<semaphore_mem>>)
        } else {
        }
      } else {
      }
    }
    %scan3A_32 = arith.constant 63 : i32
    %barrier3A_33 = arith.constant 0 : index
    tpu.barrier barrier_id(%barrier3A_33)
    %scan3A_34 = arith.constant 0 : i32
    %scan3A_35 = arith.constant 8 : i32
    %scan3A_36 = arith.addi %scan3A_34, %scan3A_35 : i32
    %scan3A_37 = arith.constant 1 : i32
    scf.for %scan3A_39 = %scan3A_34 to %scan3A_36 step %scan3A_37  : i32 {
      %mul3A_40 = arith.constant 1 : i32
      %mul3A_41 = arith.muli %scan3A_39, %mul3A_40 : i32
      %add3A_42 = arith.constant 0 : i32
      %add3A_43 = arith.addi %add3A_42, %mul3A_41 : i32
      %mul3A_44 = arith.constant 16 : i32
      %mul3A_45 = arith.muli %add3A_43, %mul3A_44 : i32
      %add3A_46 = arith.addi %mul3A_45, %arg1 : i32
      %lt3A = arith.constant 125 : i32
      %lt3A_47 = arith.cmpi slt, %add3A_46, %lt3A : i32
      %convert_element_type3A = arith.extui %lt3A_47 : i1 to i32
      %cond3A = arith.constant 0 : i32
      %cond3A_48 = arith.cmpi ne, %convert_element_type3A, %cond3A : i32
      scf.if %cond3A_48 {
        %mul3A_49 = arith.constant 80 : i32
        %mul3A_50 = arith.muli %add3A_46, %mul3A_49 : i32
        "tpu.region"() ({
          %run_scoped3A = tpu.sem_alloc : memref<!tpu.dma_semaphore, #tpu.memory_space<semaphore_mem>>
          %dma_start3A_51 = arith.constant 0 : i32
          %dma_start3A_52 = tpu.memref_slice %arg4[%arg0, %mul3A_50, %dma_start3A_51] : memref<2x10000x128xf32, #tpu.memory_space<hbm>> -> memref<1x80x128xf32, #tpu.memory_space<hbm>>
          %dma_start3A_53 = tpu.memref_squeeze %dma_start3A_52 : memref<1x80x128xf32, #tpu.memory_space<hbm>> -> memref<80x128xf32, #tpu.memory_space<hbm>>
          %dma_start3A_54 = arith.constant 0 : i32
          %dma_start3A_55 = tpu.memref_slice %arg8[%mul3A_50, %dma_start3A_54] : memref<10080x128xf32, #tpu.memory_space<vmem_shared>> -> memref<80x128xf32, #tpu.memory_space<vmem_shared>>
          tpu.enqueue_dma source(%dma_start3A_55 : memref<80x128xf32, #tpu.memory_space<vmem_shared>>) target(%dma_start3A_53 : memref<80x128xf32, #tpu.memory_space<hbm>>) target_semaphore(%run_scoped3A : memref<!tpu.dma_semaphore, #tpu.memory_space<semaphore_mem>>)
          %dma_wait3A = arith.constant 0 : i32
          %dma_wait3A_56 = tpu.memref_slice %arg4[%arg0, %mul3A_50, %dma_wait3A] : memref<2x10000x128xf32, #tpu.memory_space<hbm>> -> memref<1x80x128xf32, #tpu.memory_space<hbm>>
          %dma_wait3A_57 = tpu.memref_squeeze %dma_wait3A_56 : memref<1x80x128xf32, #tpu.memory_space<hbm>> -> memref<80x128xf32, #tpu.memory_space<hbm>>
          %dma_wait3A_58 = arith.constant 0 : i32
          %dma_wait3A_59 = tpu.memref_slice %arg8[%mul3A_50, %dma_wait3A_58] : memref<10080x128xf32, #tpu.memory_space<vmem_shared>> -> memref<80x128xf32, #tpu.memory_space<vmem_shared>>
          tpu.wait_dma2 semaphore(%run_scoped3A : memref<!tpu.dma_semaphore, #tpu.memory_space<semaphore_mem>>) src(%dma_wait3A_59 : memref<80x128xf32, #tpu.memory_space<vmem_shared>>) dst(%dma_wait3A_57 : memref<80x128xf32, #tpu.memory_space<hbm>>)
          tpu.yield
        }) : () -> ()
      } else {
      }
    }
    %scan3A_38 = arith.constant 8 : i32
    return
  }
}

#map = affine_map<(d0, d1) -> (0, 0)>
#map1 = affine_map<(d0, d1) -> (0, 0, 0, 0)>
#map2 = affine_map<(d0, d1) -> (0, 0, 0)>
module attributes {stable_mosaic.version = 14 : i64} {
  func.func @_sc_gather_segsum(%arg0: i32, %arg1: i32, %arg2: memref<10000x128xf32, #tpu.memory_space<hbm>>, %arg3: memref<2x32x80x125xi32, #tpu.memory_space<hbm>>, %arg4: memref<2x10000x128xf32, #tpu.memory_space<hbm>>, %arg5: memref<125xi32, #tpu.memory_space<vmem>>, %arg6: memref<125xi32, #tpu.memory_space<vmem>>, %arg7: memref<125xi32, #tpu.memory_space<vmem>>, %arg8: memref<125xi32, #tpu.memory_space<vmem>>, %arg9: memref<2x125x128xf32, #tpu.memory_space<vmem>>, %arg10: memref<10080x128xf32, #tpu.memory_space<vmem_shared>>, %arg11: memref<!tpu.dma_semaphore, #tpu.memory_space<semaphore_mem>>, %arg12: memref<!tpu.dma_semaphore, #tpu.memory_space<semaphore_mem>>, %arg13: memref<!tpu.dma_semaphore, #tpu.memory_space<semaphore_mem>>, %arg14: memref<!tpu.dma_semaphore, #tpu.memory_space<semaphore_mem>>, %arg15: memref<!tpu.dma_semaphore, #tpu.memory_space<semaphore_mem>>, %arg16: memref<!tpu.dma_semaphore, #tpu.memory_space<semaphore_mem>>) attributes {dimension_semantics = [#tpu.dimension_semantics<core_parallel>, #tpu.dimension_semantics<subcore_parallel>], iteration_bounds = array<i64: 2, 16>, scalar_prefetch = 0 : i64, scratch_operands = 12 : i64, tpu.core_type = #tpu.core_type<sc_vector_subcore>, window_params = [{transform_indices = #map}, {transform_indices = #map1}, {transform_indices = #map2}]} {
    %mul3A = arith.constant 16 : i32
    %mul3A_0 = arith.muli %arg0, %mul3A : i32
    %add3A = arith.addi %mul3A_0, %arg1 : i32
    %broadcast_in_dim3A = arith.constant 0.000000e+00 : f32
    %broadcast_in_dim3A_1 = vector.broadcast %broadcast_in_dim3A : f32 to vector<16xf32>
    %scan3A = arith.constant 0 : i32
    %scan3A_2 = arith.constant 0 : i32
    %scan3A_3 = arith.constant 125 : i32
    %scan3A_4 = arith.addi %scan3A_2, %scan3A_3 : i32
    %scan3A_5 = arith.constant 1 : i32
    scf.for %scan3A_55 = %scan3A_2 to %scan3A_4 step %scan3A_5  : i32 {
      %mul3A_56 = arith.constant 1 : i32
      %mul3A_57 = arith.muli %scan3A_55, %mul3A_56 : i32
      %add3A_58 = arith.constant 0 : i32
      %add3A_59 = arith.addi %add3A_58, %mul3A_57 : i32
      %scan3A_60 = arith.constant 0 : i32
      %scan3A_61 = arith.constant 8 : i32
      %scan3A_62 = arith.addi %scan3A_60, %scan3A_61 : i32
      %scan3A_63 = arith.constant 1 : i32
      scf.for %scan3A_65 = %scan3A_60 to %scan3A_62 step %scan3A_63  : i32 {
        %mul3A_66 = arith.constant 16 : i32
        %mul3A_67 = arith.muli %scan3A_65, %mul3A_66 : i32
        %add3A_68 = arith.constant 0 : i32
        %add3A_69 = arith.addi %add3A_68, %mul3A_67 : i32
        %swap3A = arith.constant 0 : i32
        %swap3A_70 = arith.constant 0 : i32
        %swap3A_71 = tpu.memref_slice %arg9[%scan3A, %swap3A, %swap3A_70] : memref<2x125x128xf32, #tpu.memory_space<vmem>> -> memref<1x125x128xf32, #tpu.memory_space<vmem>>
        %swap3A_72 = tpu.memref_squeeze %swap3A_71 : memref<1x125x128xf32, #tpu.memory_space<vmem>> -> memref<125x128xf32, #tpu.memory_space<vmem>>
        %swap3A_73 = arith.index_cast %add3A_59 : i32 to index
        %swap3A_74 = arith.index_cast %add3A_69 : i32 to index
        %swap3A_75 = tpu.vector_load %swap3A_72[%swap3A_73, %swap3A_74] {strides = array<i32>} : memref<125x128xf32, #tpu.memory_space<vmem>>, vector<1x16xf32>,
        %swap3A_76 = vector.shape_cast %swap3A_75 : vector<1x16xf32> to vector<16xf32>
        %swap3A_77 = vector.shape_cast %broadcast_in_dim3A_1 : vector<16xf32> to vector<1x16xf32>
        tpu.vector_store %swap3A_72[%swap3A_73, %swap3A_74], %swap3A_77 {strides = array<i32>} : memref<125x128xf32, #tpu.memory_space<vmem>>, vector<1x16xf32>,
      }
      %scan3A_64 = arith.constant 8 : i32
    }
    %scan3A_6 = arith.constant 125 : i32
    %scan3A_7 = arith.constant 0 : i32
    %scan3A_8 = arith.constant 0 : i32
    %scan3A_9 = arith.constant 8 : i32
    %scan3A_10 = arith.addi %scan3A_8, %scan3A_9 : i32
    %scan3A_11 = arith.constant 1 : i32
    scf.for %scan3A_55 = %scan3A_8 to %scan3A_10 step %scan3A_11  : i32 {
      %mul3A_56 = arith.constant 1 : i32
      %mul3A_57 = arith.muli %scan3A_55, %mul3A_56 : i32
      %add3A_58 = arith.constant 0 : i32
      %add3A_59 = arith.addi %add3A_58, %mul3A_57 : i32
      %mul3A_60 = arith.constant 16 : i32
      %mul3A_61 = arith.muli %add3A_59, %mul3A_60 : i32
      %add3A_62 = arith.addi %mul3A_61, %arg1 : i32
      %lt3A = arith.constant 126 : i32
      %lt3A_63 = arith.cmpi slt, %add3A_62, %lt3A : i32
      %convert_element_type3A = arith.extui %lt3A_63 : i1 to i32
      %cond3A = arith.constant 0 : i32
      %cond3A_64 = arith.cmpi ne, %convert_element_type3A, %cond3A : i32
      scf.if %cond3A_64 {
        %mul3A_65 = arith.constant 80 : i32
        %mul3A_66 = arith.muli %add3A_62, %mul3A_65 : i32
        "tpu.region"() ({
          %run_scoped3A = tpu.sem_alloc : memref<!tpu.dma_semaphore, #tpu.memory_space<semaphore_mem>>
          %dma_start3A_67 = arith.constant 0 : i32
          %dma_start3A_68 = arith.constant 0 : i32
          %dma_start3A_69 = tpu.memref_slice %arg9[%scan3A_7, %dma_start3A_67, %dma_start3A_68] : memref<2x125x128xf32, #tpu.memory_space<vmem>> -> memref<1x125x128xf32, #tpu.memory_space<vmem>>
          %dma_start3A_70 = tpu.memref_squeeze %dma_start3A_69 : memref<1x125x128xf32, #tpu.memory_space<vmem>> -> memref<125x128xf32, #tpu.memory_space<vmem>>
          %dma_start3A_71 = arith.constant 0 : i32
          %dma_start3A_72 = arith.constant 0 : i32
          %dma_start3A_73 = tpu.memref_slice %dma_start3A_70[%dma_start3A_71, %dma_start3A_72] : memref<125x128xf32, #tpu.memory_space<vmem>> -> memref<80x128xf32, #tpu.memory_space<vmem>>
          %dma_start3A_74 = arith.constant 0 : i32
          %dma_start3A_75 = tpu.memref_slice %arg10[%mul3A_66, %dma_start3A_74] : memref<10080x128xf32, #tpu.memory_space<vmem_shared>> -> memref<80x128xf32, #tpu.memory_space<vmem_shared>>
          %dma_start3A_76 = arith.constant 0 : i32
          %dma_start3A_77 = tpu.memref_slice %arg10[%mul3A_66, %dma_start3A_76] : memref<10080x128xf32, #tpu.memory_space<vmem_shared>> -> memref<80x128xf32, #tpu.memory_space<vmem_shared>>
          %dma_start3A_78 = arith.constant 0 : i32
          %dma_start3A_79 = arith.constant 0 : i32
          %dma_start3A_80 = tpu.memref_slice %arg9[%scan3A_7, %dma_start3A_78, %dma_start3A_79] : memref<2x125x128xf32, #tpu.memory_space<vmem>> -> memref<1x125x128xf32, #tpu.memory_space<vmem>>
          %dma_start3A_81 = tpu.memref_squeeze %dma_start3A_80 : memref<1x125x128xf32, #tpu.memory_space<vmem>> -> memref<125x128xf32, #tpu.memory_space<vmem>>
          %dma_start3A_82 = arith.constant 0 : i32
          %dma_start3A_83 = arith.constant 0 : i32
          %dma_start3A_84 = tpu.memref_slice %dma_start3A_81[%dma_start3A_82, %dma_start3A_83] : memref<125x128xf32, #tpu.memory_space<vmem>> -> memref<80x128xf32, #tpu.memory_space<vmem>>
          tpu.enqueue_dma source(%dma_start3A_84 : memref<80x128xf32, #tpu.memory_space<vmem>>) target(%dma_start3A_77 : memref<80x128xf32, #tpu.memory_space<vmem_shared>>) target_semaphore(%run_scoped3A : memref<!tpu.dma_semaphore, #tpu.memory_space<semaphore_mem>>)
          %dma_wait3A = arith.constant 0 : i32
          %dma_wait3A_85 = arith.constant 0 : i32
          %dma_wait3A_86 = tpu.memref_slice %arg9[%scan3A_7, %dma_wait3A, %dma_wait3A_85] : memref<2x125x128xf32, #tpu.memory_space<vmem>> -> memref<1x125x128xf32, #tpu.memory_space<vmem>>
          %dma_wait3A_87 = tpu.memref_squeeze %dma_wait3A_86 : memref<1x125x128xf32, #tpu.memory_space<vmem>> -> memref<125x128xf32, #tpu.memory_space<vmem>>
          %dma_wait3A_88 = arith.constant 0 : i32
          %dma_wait3A_89 = arith.constant 0 : i32
          %dma_wait3A_90 = tpu.memref_slice %dma_wait3A_87[%dma_wait3A_88, %dma_wait3A_89] : memref<125x128xf32, #tpu.memory_space<vmem>> -> memref<80x128xf32, #tpu.memory_space<vmem>>
          %dma_wait3A_91 = arith.constant 0 : i32
          %dma_wait3A_92 = tpu.memref_slice %arg10[%mul3A_66, %dma_wait3A_91] : memref<10080x128xf32, #tpu.memory_space<vmem_shared>> -> memref<80x128xf32, #tpu.memory_space<vmem_shared>>
          %dma_wait3A_93 = arith.constant 0 : i32
          %dma_wait3A_94 = tpu.memref_slice %arg10[%mul3A_66, %dma_wait3A_93] : memref<10080x128xf32, #tpu.memory_space<vmem_shared>> -> memref<80x128xf32, #tpu.memory_space<vmem_shared>>
          %dma_wait3A_95 = arith.constant 0 : i32
          %dma_wait3A_96 = arith.constant 0 : i32
          %dma_wait3A_97 = tpu.memref_slice %arg9[%scan3A_7, %dma_wait3A_95, %dma_wait3A_96] : memref<2x125x128xf32, #tpu.memory_space<vmem>> -> memref<1x125x128xf32, #tpu.memory_space<vmem>>
          %dma_wait3A_98 = tpu.memref_squeeze %dma_wait3A_97 : memref<1x125x128xf32, #tpu.memory_space<vmem>> -> memref<125x128xf32, #tpu.memory_space<vmem>>
          %dma_wait3A_99 = arith.constant 0 : i32
          %dma_wait3A_100 = arith.constant 0 : i32
          %dma_wait3A_101 = tpu.memref_slice %dma_wait3A_98[%dma_wait3A_99, %dma_wait3A_100] : memref<125x128xf32, #tpu.memory_space<vmem>> -> memref<80x128xf32, #tpu.memory_space<vmem>>
          tpu.wait_dma2 semaphore(%run_scoped3A : memref<!tpu.dma_semaphore, #tpu.memory_space<semaphore_mem>>) src(%dma_wait3A_101 : memref<80x128xf32, #tpu.memory_space<vmem>>) dst(%dma_wait3A_94 : memref<80x128xf32, #tpu.memory_space<vmem_shared>>)
          tpu.yield
        }) : () -> ()
      } else {
      }
    }
    %scan3A_12 = arith.constant 8 : i32
    %barrier3A = arith.constant 0 : index
    tpu.barrier barrier_id(%barrier3A)
    %dma_start3A = arith.constant 0 : i32
    %dma_start3A_13 = arith.constant 0 : i32
    %dma_start3A_14 = arith.constant 0 : i32
    %dma_start3A_15 = tpu.memref_slice %arg3[%dma_start3A, %add3A, %dma_start3A_13, %dma_start3A_14] : memref<2x32x80x125xi32, #tpu.memory_space<hbm>> -> memref<1x1x1x125xi32, #tpu.memory_space<hbm>>
    %dma_start3A_16 = tpu.memref_squeeze %dma_start3A_15 : memref<1x1x1x125xi32, #tpu.memory_space<hbm>> -> memref<125xi32, #tpu.memory_space<hbm>>
    %dma_start3A_17 = arith.constant 0 : i32
    %dma_start3A_18 = tpu.memref_slice %arg3[%dma_start3A, %add3A, %dma_start3A_13, %dma_start3A_17] : memref<2x32x80x125xi32, #tpu.memory_space<hbm>> -> memref<1x1x1x125xi32, #tpu.memory_space<hbm>>
    %dma_start3A_19 = tpu.memref_squeeze %dma_start3A_18 : memref<1x1x1x125xi32, #tpu.memory_space<hbm>> -> memref<125xi32, #tpu.memory_space<hbm>>
    tpu.enqueue_dma source(%dma_start3A_19 : memref<125xi32, #tpu.memory_space<hbm>>) target(%arg5 : memref<125xi32, #tpu.memory_space<vmem>>) target_semaphore(%arg11 : memref<!tpu.dma_semaphore, #tpu.memory_space<semaphore_mem>>)
    %dma_start3A_20 = arith.constant 1 : i32
    %dma_start3A_21 = arith.constant 0 : i32
    %dma_start3A_22 = arith.constant 0 : i32
    %dma_start3A_23 = tpu.memref_slice %arg3[%dma_start3A_20, %add3A, %dma_start3A_21, %dma_start3A_22] : memref<2x32x80x125xi32, #tpu.memory_space<hbm>> -> memref<1x1x1x125xi32, #tpu.memory_space<hbm>>
    %dma_start3A_24 = tpu.memref_squeeze %dma_start3A_23 : memref<1x1x1x125xi32, #tpu.memory_space<hbm>> -> memref<125xi32, #tpu.memory_space<hbm>>
    %dma_start3A_25 = arith.constant 0 : i32
    %dma_start3A_26 = tpu.memref_slice %arg3[%dma_start3A_20, %add3A, %dma_start3A_21, %dma_start3A_25] : memref<2x32x80x125xi32, #tpu.memory_space<hbm>> -> memref<1x1x1x125xi32, #tpu.memory_space<hbm>>
    %dma_start3A_27 = tpu.memref_squeeze %dma_start3A_26 : memref<1x1x1x125xi32, #tpu.memory_space<hbm>> -> memref<125xi32, #tpu.memory_space<hbm>>
    tpu.enqueue_dma source(%dma_start3A_27 : memref<125xi32, #tpu.memory_space<hbm>>) target(%arg7 : memref<125xi32, #tpu.memory_space<vmem>>) target_semaphore(%arg11 : memref<!tpu.dma_semaphore, #tpu.memory_space<semaphore_mem>>)
    %dma_start3A_28 = arith.constant 0 : i32
    %dma_start3A_29 = arith.constant 1 : i32
    %dma_start3A_30 = arith.constant 0 : i32
    %dma_start3A_31 = tpu.memref_slice %arg3[%dma_start3A_28, %add3A, %dma_start3A_29, %dma_start3A_30] : memref<2x32x80x125xi32, #tpu.memory_space<hbm>> -> memref<1x1x1x125xi32, #tpu.memory_space<hbm>>
    %dma_start3A_32 = tpu.memref_squeeze %dma_start3A_31 : memref<1x1x1x125xi32, #tpu.memory_space<hbm>> -> memref<125xi32, #tpu.memory_space<hbm>>
    %dma_start3A_33 = arith.constant 0 : i32
    %dma_start3A_34 = tpu.memref_slice %arg3[%dma_start3A_28, %add3A, %dma_start3A_29, %dma_start3A_33] : memref<2x32x80x125xi32, #tpu.memory_space<hbm>> -> memref<1x1x1x125xi32, #tpu.memory_space<hbm>>
    %dma_start3A_35 = tpu.memref_squeeze %dma_start3A_34 : memref<1x1x1x125xi32, #tpu.memory_space<hbm>> -> memref<125xi32, #tpu.memory_space<hbm>>
    tpu.enqueue_dma source(%dma_start3A_35 : memref<125xi32, #tpu.memory_space<hbm>>) target(%arg6 : memref<125xi32, #tpu.memory_space<vmem>>) target_semaphore(%arg12 : memref<!tpu.dma_semaphore, #tpu.memory_space<semaphore_mem>>)
    %dma_start3A_36 = arith.constant 1 : i32
    %dma_start3A_37 = arith.constant 1 : i32
    %dma_start3A_38 = arith.constant 0 : i32
    %dma_start3A_39 = tpu.memref_slice %arg3[%dma_start3A_36, %add3A, %dma_start3A_37, %dma_start3A_38] : memref<2x32x80x125xi32, #tpu.memory_space<hbm>> -> memref<1x1x1x125xi32, #tpu.memory_space<hbm>>
    %dma_start3A_40 = tpu.memref_squeeze %dma_start3A_39 : memref<1x1x1x125xi32, #tpu.memory_space<hbm>> -> memref<125xi32, #tpu.memory_space<hbm>>
    %dma_start3A_41 = arith.constant 0 : i32
    %dma_start3A_42 = tpu.memref_slice %arg3[%dma_start3A_36, %add3A, %dma_start3A_37, %dma_start3A_41] : memref<2x32x80x125xi32, #tpu.memory_space<hbm>> -> memref<1x1x1x125xi32, #tpu.memory_space<hbm>>
    %dma_start3A_43 = tpu.memref_squeeze %dma_start3A_42 : memref<1x1x1x125xi32, #tpu.memory_space<hbm>> -> memref<125xi32, #tpu.memory_space<hbm>>
    tpu.enqueue_dma source(%dma_start3A_43 : memref<125xi32, #tpu.memory_space<hbm>>) target(%arg8 : memref<125xi32, #tpu.memory_space<vmem>>) target_semaphore(%arg12 : memref<!tpu.dma_semaphore, #tpu.memory_space<semaphore_mem>>)
    %scan3A_44 = arith.constant 0 : i32
    %scan3A_45 = arith.constant 40 : i32
    %scan3A_46 = arith.addi %scan3A_44, %scan3A_45 : i32
    %scan3A_47 = arith.constant 1 : i32
    scf.for %scan3A_55 = %scan3A_44 to %scan3A_46 step %scan3A_47  : i32 {
      %mul3A_56 = arith.constant 1 : i32
      %mul3A_57 = arith.muli %scan3A_55, %mul3A_56 : i32
      %add3A_58 = arith.constant 0 : i32
      %add3A_59 = arith.addi %add3A_58, %mul3A_57 : i32
      %mul3A_60 = arith.constant 2 : i32
      %mul3A_61 = arith.muli %add3A_59, %mul3A_60 : i32
      %add3A_62 = arith.constant 0 : i32
      %add3A_63 = arith.addi %mul3A_61, %add3A_62 : i32
      %lt3A = arith.constant 80 : i32
      %lt3A_64 = arith.cmpi slt, %add3A_63, %lt3A : i32
      %convert_element_type3A = arith.extui %lt3A_64 : i1 to i32
      %cond3A = arith.constant 0 : i32
      %cond3A_65 = arith.cmpi ne, %convert_element_type3A, %cond3A : i32
      scf.if %cond3A_65 {
        %dma_wait3A = arith.constant 0 : i32
        %dma_wait3A_115 = arith.constant 0 : i32
        %dma_wait3A_116 = tpu.memref_slice %arg3[%dma_wait3A, %add3A, %add3A_63, %dma_wait3A_115] : memref<2x32x80x125xi32, #tpu.memory_space<hbm>> -> memref<1x1x1x125xi32, #tpu.memory_space<hbm>>
        %dma_wait3A_117 = tpu.memref_squeeze %dma_wait3A_116 : memref<1x1x1x125xi32, #tpu.memory_space<hbm>> -> memref<125xi32, #tpu.memory_space<hbm>>
        %dma_wait3A_118 = arith.constant 0 : i32
        %dma_wait3A_119 = tpu.memref_slice %arg3[%dma_wait3A, %add3A, %add3A_63, %dma_wait3A_118] : memref<2x32x80x125xi32, #tpu.memory_space<hbm>> -> memref<1x1x1x125xi32, #tpu.memory_space<hbm>>
        %dma_wait3A_120 = tpu.memref_squeeze %dma_wait3A_119 : memref<1x1x1x125xi32, #tpu.memory_space<hbm>> -> memref<125xi32, #tpu.memory_space<hbm>>
        tpu.wait_dma2 semaphore(%arg11 : memref<!tpu.dma_semaphore, #tpu.memory_space<semaphore_mem>>) src(%dma_wait3A_120 : memref<125xi32, #tpu.memory_space<hbm>>) dst(%arg5 : memref<125xi32, #tpu.memory_space<vmem>>)
        %dma_wait3A_121 = arith.constant 1 : i32
        %dma_wait3A_122 = arith.constant 0 : i32
        %dma_wait3A_123 = tpu.memref_slice %arg3[%dma_wait3A_121, %add3A, %add3A_63, %dma_wait3A_122] : memref<2x32x80x125xi32, #tpu.memory_space<hbm>> -> memref<1x1x1x125xi32, #tpu.memory_space<hbm>>
        %dma_wait3A_124 = tpu.memref_squeeze %dma_wait3A_123 : memref<1x1x1x125xi32, #tpu.memory_space<hbm>> -> memref<125xi32, #tpu.memory_space<hbm>>
        %dma_wait3A_125 = arith.constant 0 : i32
        %dma_wait3A_126 = tpu.memref_slice %arg3[%dma_wait3A_121, %add3A, %add3A_63, %dma_wait3A_125] : memref<2x32x80x125xi32, #tpu.memory_space<hbm>> -> memref<1x1x1x125xi32, #tpu.memory_space<hbm>>
        %dma_wait3A_127 = tpu.memref_squeeze %dma_wait3A_126 : memref<1x1x1x125xi32, #tpu.memory_space<hbm>> -> memref<125xi32, #tpu.memory_space<hbm>>
        tpu.wait_dma2 semaphore(%arg11 : memref<!tpu.dma_semaphore, #tpu.memory_space<semaphore_mem>>) src(%dma_wait3A_127 : memref<125xi32, #tpu.memory_space<hbm>>) dst(%arg7 : memref<125xi32, #tpu.memory_space<vmem>>)
        %dma_start3A_128 = arith.constant 0 : i32
        %dma_start3A_129 = arith.constant 0 : i32
        %dma_start3A_130 = arith.constant 0 : i32
        %dma_start3A_131 = tpu.memref_slice %arg9[%dma_start3A_128, %dma_start3A_129, %dma_start3A_130] : memref<2x125x128xf32, #tpu.memory_space<vmem>> -> memref<1x125x128xf32, #tpu.memory_space<vmem>>
        %dma_start3A_132 = tpu.memref_squeeze %dma_start3A_131 : memref<1x125x128xf32, #tpu.memory_space<vmem>> -> memref<125x128xf32, #tpu.memory_space<vmem>>
        %dma_start3A_133 = arith.constant 0 : i32
        %dma_start3A_134 = arith.constant 0 : i32
        %dma_start3A_135 = tpu.memref_slice %arg2[%dma_start3A_133, %dma_start3A_134] : memref<10000x128xf32, #tpu.memory_space<hbm>> -> memref<10000x128xf32, #tpu.memory_space<hbm>>
        tpu.enqueue_indirect_dma source(%dma_start3A_135 : memref<10000x128xf32, #tpu.memory_space<hbm>>) target(%dma_start3A_132 : memref<125x128xf32, #tpu.memory_space<vmem>>) offsets(%arg5 : memref<125xi32, #tpu.memory_space<vmem>>) semaphore(%arg13 : memref<!tpu.dma_semaphore, #tpu.memory_space<semaphore_mem>>)
      } else {
      }
      %mul3A_66 = arith.constant 2 : i32
      %mul3A_67 = arith.muli %add3A_59, %mul3A_66 : i32
      %add3A_68 = arith.constant 1 : i32
      %add3A_69 = arith.addi %mul3A_67, %add3A_68 : i32
      %lt3A_70 = arith.constant 80 : i32
      %lt3A_71 = arith.cmpi slt, %add3A_69, %lt3A_70 : i32
      %convert_element_type3A_72 = arith.extui %lt3A_71 : i1 to i32
      %cond3A_73 = arith.constant 0 : i32
      %cond3A_74 = arith.cmpi ne, %convert_element_type3A_72, %cond3A_73 : i32
      scf.if %cond3A_74 {
        %dma_wait3A = arith.constant 0 : i32
        %dma_wait3A_115 = arith.constant 0 : i32
        %dma_wait3A_116 = tpu.memref_slice %arg3[%dma_wait3A, %add3A, %add3A_69, %dma_wait3A_115] : memref<2x32x80x125xi32, #tpu.memory_space<hbm>> -> memref<1x1x1x125xi32, #tpu.memory_space<hbm>>
        %dma_wait3A_117 = tpu.memref_squeeze %dma_wait3A_116 : memref<1x1x1x125xi32, #tpu.memory_space<hbm>> -> memref<125xi32, #tpu.memory_space<hbm>>
        %dma_wait3A_118 = arith.constant 0 : i32
        %dma_wait3A_119 = tpu.memref_slice %arg3[%dma_wait3A, %add3A, %add3A_69, %dma_wait3A_118] : memref<2x32x80x125xi32, #tpu.memory_space<hbm>> -> memref<1x1x1x125xi32, #tpu.memory_space<hbm>>
        %dma_wait3A_120 = tpu.memref_squeeze %dma_wait3A_119 : memref<1x1x1x125xi32, #tpu.memory_space<hbm>> -> memref<125xi32, #tpu.memory_space<hbm>>
        tpu.wait_dma2 semaphore(%arg12 : memref<!tpu.dma_semaphore, #tpu.memory_space<semaphore_mem>>) src(%dma_wait3A_120 : memref<125xi32, #tpu.memory_space<hbm>>) dst(%arg6 : memref<125xi32, #tpu.memory_space<vmem>>)
        %dma_wait3A_121 = arith.constant 1 : i32
        %dma_wait3A_122 = arith.constant 0 : i32
        %dma_wait3A_123 = tpu.memref_slice %arg3[%dma_wait3A_121, %add3A, %add3A_69, %dma_wait3A_122] : memref<2x32x80x125xi32, #tpu.memory_space<hbm>> -> memref<1x1x1x125xi32, #tpu.memory_space<hbm>>
        %dma_wait3A_124 = tpu.memref_squeeze %dma_wait3A_123 : memref<1x1x1x125xi32, #tpu.memory_space<hbm>> -> memref<125xi32, #tpu.memory_space<hbm>>
        %dma_wait3A_125 = arith.constant 0 : i32
        %dma_wait3A_126 = tpu.memref_slice %arg3[%dma_wait3A_121, %add3A, %add3A_69, %dma_wait3A_125] : memref<2x32x80x125xi32, #tpu.memory_space<hbm>> -> memref<1x1x1x125xi32, #tpu.memory_space<hbm>>
        %dma_wait3A_127 = tpu.memref_squeeze %dma_wait3A_126 : memref<1x1x1x125xi32, #tpu.memory_space<hbm>> -> memref<125xi32, #tpu.memory_space<hbm>>
        tpu.wait_dma2 semaphore(%arg12 : memref<!tpu.dma_semaphore, #tpu.memory_space<semaphore_mem>>) src(%dma_wait3A_127 : memref<125xi32, #tpu.memory_space<hbm>>) dst(%arg8 : memref<125xi32, #tpu.memory_space<vmem>>)
        %dma_start3A_128 = arith.constant 1 : i32
        %dma_start3A_129 = arith.constant 0 : i32
        %dma_start3A_130 = arith.constant 0 : i32
        %dma_start3A_131 = tpu.memref_slice %arg9[%dma_start3A_128, %dma_start3A_129, %dma_start3A_130] : memref<2x125x128xf32, #tpu.memory_space<vmem>> -> memref<1x125x128xf32, #tpu.memory_space<vmem>>
        %dma_start3A_132 = tpu.memref_squeeze %dma_start3A_131 : memref<1x125x128xf32, #tpu.memory_space<vmem>> -> memref<125x128xf32, #tpu.memory_space<vmem>>
        %dma_start3A_133 = arith.constant 0 : i32
        %dma_start3A_134 = arith.constant 0 : i32
        %dma_start3A_135 = tpu.memref_slice %arg2[%dma_start3A_133, %dma_start3A_134] : memref<10000x128xf32, #tpu.memory_space<hbm>> -> memref<10000x128xf32, #tpu.memory_space<hbm>>
        tpu.enqueue_indirect_dma source(%dma_start3A_135 : memref<10000x128xf32, #tpu.memory_space<hbm>>) target(%dma_start3A_132 : memref<125x128xf32, #tpu.memory_space<vmem>>) offsets(%arg6 : memref<125xi32, #tpu.memory_space<vmem>>) semaphore(%arg14 : memref<!tpu.dma_semaphore, #tpu.memory_space<semaphore_mem>>)
      } else {
      }
      %mul3A_75 = arith.constant 2 : i32
      %mul3A_76 = arith.muli %add3A_59, %mul3A_75 : i32
      %add3A_77 = arith.constant 0 : i32
      %add3A_78 = arith.addi %mul3A_76, %add3A_77 : i32
      %lt3A_79 = arith.constant 80 : i32
      %lt3A_80 = arith.cmpi slt, %add3A_78, %lt3A_79 : i32
      %convert_element_type3A_81 = arith.extui %lt3A_80 : i1 to i32
      %cond3A_82 = arith.constant 0 : i32
      %cond3A_83 = arith.cmpi ne, %convert_element_type3A_81, %cond3A_82 : i32
      scf.if %cond3A_83 {
        %dma_wait3A = arith.constant 0 : i32
        %dma_wait3A_115 = arith.constant 0 : i32
        %dma_wait3A_116 = arith.constant 0 : i32
        %dma_wait3A_117 = tpu.memref_slice %arg9[%dma_wait3A, %dma_wait3A_115, %dma_wait3A_116] : memref<2x125x128xf32, #tpu.memory_space<vmem>> -> memref<1x125x128xf32, #tpu.memory_space<vmem>>
        %dma_wait3A_118 = tpu.memref_squeeze %dma_wait3A_117 : memref<1x125x128xf32, #tpu.memory_space<vmem>> -> memref<125x128xf32, #tpu.memory_space<vmem>>
        %dma_wait3A_119 = arith.constant 0 : i32
        %dma_wait3A_120 = arith.constant 0 : i32
        %dma_wait3A_121 = tpu.memref_slice %arg2[%dma_wait3A_119, %dma_wait3A_120] : memref<10000x128xf32, #tpu.memory_space<hbm>> -> memref<10000x128xf32, #tpu.memory_space<hbm>>
        tpu.wait_indirect_dma semaphore(%arg13 : memref<!tpu.dma_semaphore, #tpu.memory_space<semaphore_mem>>) src(%dma_wait3A_121 : memref<10000x128xf32, #tpu.memory_space<hbm>>) dst(%dma_wait3A_118 : memref<125x128xf32, #tpu.memory_space<vmem>>)
        %dma_start3A_122 = arith.constant 0 : i32
        %dma_start3A_123 = arith.constant 0 : i32
        %dma_start3A_124 = arith.constant 0 : i32
        %dma_start3A_125 = tpu.memref_slice %arg9[%dma_start3A_122, %dma_start3A_123, %dma_start3A_124] : memref<2x125x128xf32, #tpu.memory_space<vmem>> -> memref<1x125x128xf32, #tpu.memory_space<vmem>>
        %dma_start3A_126 = tpu.memref_squeeze %dma_start3A_125 : memref<1x125x128xf32, #tpu.memory_space<vmem>> -> memref<125x128xf32, #tpu.memory_space<vmem>>
        %dma_start3A_127 = arith.constant 0 : i32
        %dma_start3A_128 = arith.constant 0 : i32
        %dma_start3A_129 = tpu.memref_slice %arg10[%dma_start3A_127, %dma_start3A_128] : memref<10080x128xf32, #tpu.memory_space<vmem_shared>> -> memref<10080x128xf32, #tpu.memory_space<vmem_shared>>
        tpu.enqueue_indirect_dma source(%dma_start3A_126 : memref<125x128xf32, #tpu.memory_space<vmem>>) target(%dma_start3A_129 : memref<10080x128xf32, #tpu.memory_space<vmem_shared>>) offsets(%arg7 : memref<125xi32, #tpu.memory_space<vmem>>) semaphore(%arg15 : memref<!tpu.dma_semaphore, #tpu.memory_space<semaphore_mem>>) {add = true}
      } else {
      }
      %mul3A_84 = arith.constant 2 : i32
      %mul3A_85 = arith.muli %add3A_59, %mul3A_84 : i32
      %add3A_86 = arith.constant 1 : i32
      %add3A_87 = arith.addi %mul3A_85, %add3A_86 : i32
      %lt3A_88 = arith.constant 80 : i32
      %lt3A_89 = arith.cmpi slt, %add3A_87, %lt3A_88 : i32
      %convert_element_type3A_90 = arith.extui %lt3A_89 : i1 to i32
      %cond3A_91 = arith.constant 0 : i32
      %cond3A_92 = arith.cmpi ne, %convert_element_type3A_90, %cond3A_91 : i32
      scf.if %cond3A_92 {
        %dma_wait3A = arith.constant 1 : i32
        %dma_wait3A_115 = arith.constant 0 : i32
        %dma_wait3A_116 = arith.constant 0 : i32
        %dma_wait3A_117 = tpu.memref_slice %arg9[%dma_wait3A, %dma_wait3A_115, %dma_wait3A_116] : memref<2x125x128xf32, #tpu.memory_space<vmem>> -> memref<1x125x128xf32, #tpu.memory_space<vmem>>
        %dma_wait3A_118 = tpu.memref_squeeze %dma_wait3A_117 : memref<1x125x128xf32, #tpu.memory_space<vmem>> -> memref<125x128xf32, #tpu.memory_space<vmem>>
        %dma_wait3A_119 = arith.constant 0 : i32
        %dma_wait3A_120 = arith.constant 0 : i32
        %dma_wait3A_121 = tpu.memref_slice %arg2[%dma_wait3A_119, %dma_wait3A_120] : memref<10000x128xf32, #tpu.memory_space<hbm>> -> memref<10000x128xf32, #tpu.memory_space<hbm>>
        tpu.wait_indirect_dma semaphore(%arg14 : memref<!tpu.dma_semaphore, #tpu.memory_space<semaphore_mem>>) src(%dma_wait3A_121 : memref<10000x128xf32, #tpu.memory_space<hbm>>) dst(%dma_wait3A_118 : memref<125x128xf32, #tpu.memory_space<vmem>>)
        %dma_start3A_122 = arith.constant 1 : i32
        %dma_start3A_123 = arith.constant 0 : i32
        %dma_start3A_124 = arith.constant 0 : i32
        %dma_start3A_125 = tpu.memref_slice %arg9[%dma_start3A_122, %dma_start3A_123, %dma_start3A_124] : memref<2x125x128xf32, #tpu.memory_space<vmem>> -> memref<1x125x128xf32, #tpu.memory_space<vmem>>
        %dma_start3A_126 = tpu.memref_squeeze %dma_start3A_125 : memref<1x125x128xf32, #tpu.memory_space<vmem>> -> memref<125x128xf32, #tpu.memory_space<vmem>>
        %dma_start3A_127 = arith.constant 0 : i32
        %dma_start3A_128 = arith.constant 0 : i32
        %dma_start3A_129 = tpu.memref_slice %arg10[%dma_start3A_127, %dma_start3A_128] : memref<10080x128xf32, #tpu.memory_space<vmem_shared>> -> memref<10080x128xf32, #tpu.memory_space<vmem_shared>>
        tpu.enqueue_indirect_dma source(%dma_start3A_126 : memref<125x128xf32, #tpu.memory_space<vmem>>) target(%dma_start3A_129 : memref<10080x128xf32, #tpu.memory_space<vmem_shared>>) offsets(%arg8 : memref<125xi32, #tpu.memory_space<vmem>>) semaphore(%arg16 : memref<!tpu.dma_semaphore, #tpu.memory_space<semaphore_mem>>) {add = true}
      } else {
      }
      %mul3A_93 = arith.constant 2 : i32
      %mul3A_94 = arith.muli %add3A_59, %mul3A_93 : i32
      %add3A_95 = arith.constant 0 : i32
      %add3A_96 = arith.addi %mul3A_94, %add3A_95 : i32
      %add3A_97 = arith.constant 2 : i32
      %add3A_98 = arith.addi %add3A_96, %add3A_97 : i32
      %lt3A_99 = arith.constant 80 : i32
      %lt3A_100 = arith.cmpi slt, %add3A_96, %lt3A_99 : i32
      %convert_element_type3A_101 = arith.extui %lt3A_100 : i1 to i32
      %cond3A_102 = arith.constant 0 : i32
      %cond3A_103 = arith.cmpi ne, %convert_element_type3A_101, %cond3A_102 : i32
      scf.if %cond3A_103 {
        %dma_wait3A = arith.constant 0 : i32
        %dma_wait3A_115 = arith.constant 0 : i32
        %dma_wait3A_116 = arith.constant 0 : i32
        %dma_wait3A_117 = tpu.memref_slice %arg9[%dma_wait3A, %dma_wait3A_115, %dma_wait3A_116] : memref<2x125x128xf32, #tpu.memory_space<vmem>> -> memref<1x125x128xf32, #tpu.memory_space<vmem>>
        %dma_wait3A_118 = tpu.memref_squeeze %dma_wait3A_117 : memref<1x125x128xf32, #tpu.memory_space<vmem>> -> memref<125x128xf32, #tpu.memory_space<vmem>>
        %dma_wait3A_119 = arith.constant 0 : i32
        %dma_wait3A_120 = arith.constant 0 : i32
        %dma_wait3A_121 = tpu.memref_slice %arg10[%dma_wait3A_119, %dma_wait3A_120] : memref<10080x128xf32, #tpu.memory_space<vmem_shared>> -> memref<10080x128xf32, #tpu.memory_space<vmem_shared>>
        tpu.wait_indirect_dma semaphore(%arg15 : memref<!tpu.dma_semaphore, #tpu.memory_space<semaphore_mem>>) src(%dma_wait3A_118 : memref<125x128xf32, #tpu.memory_space<vmem>>) dst(%dma_wait3A_121 : memref<10080x128xf32, #tpu.memory_space<vmem_shared>>)
        %lt3A_122 = arith.constant 80 : i32
        %lt3A_123 = arith.cmpi slt, %add3A_98, %lt3A_122 : i32
        %convert_element_type3A_124 = arith.extui %lt3A_123 : i1 to i32
        %cond3A_125 = arith.constant 0 : i32
        %cond3A_126 = arith.cmpi ne, %convert_element_type3A_124, %cond3A_125 : i32
        scf.if %cond3A_126 {
          %dma_start3A_127 = arith.constant 0 : i32
          %dma_start3A_128 = arith.constant 0 : i32
          %dma_start3A_129 = tpu.memref_slice %arg3[%dma_start3A_127, %add3A, %add3A_98, %dma_start3A_128] : memref<2x32x80x125xi32, #tpu.memory_space<hbm>> -> memref<1x1x1x125xi32, #tpu.memory_space<hbm>>
          %dma_start3A_130 = tpu.memref_squeeze %dma_start3A_129 : memref<1x1x1x125xi32, #tpu.memory_space<hbm>> -> memref<125xi32, #tpu.memory_space<hbm>>
          %dma_start3A_131 = arith.constant 0 : i32
          %dma_start3A_132 = tpu.memref_slice %arg3[%dma_start3A_127, %add3A, %add3A_98, %dma_start3A_131] : memref<2x32x80x125xi32, #tpu.memory_space<hbm>> -> memref<1x1x1x125xi32, #tpu.memory_space<hbm>>
          %dma_start3A_133 = tpu.memref_squeeze %dma_start3A_132 : memref<1x1x1x125xi32, #tpu.memory_space<hbm>> -> memref<125xi32, #tpu.memory_space<hbm>>
          tpu.enqueue_dma source(%dma_start3A_133 : memref<125xi32, #tpu.memory_space<hbm>>) target(%arg5 : memref<125xi32, #tpu.memory_space<vmem>>) target_semaphore(%arg11 : memref<!tpu.dma_semaphore, #tpu.memory_space<semaphore_mem>>)
          %dma_start3A_134 = arith.constant 1 : i32
          %dma_start3A_135 = arith.constant 0 : i32
          %dma_start3A_136 = tpu.memref_slice %arg3[%dma_start3A_134, %add3A, %add3A_98, %dma_start3A_135] : memref<2x32x80x125xi32, #tpu.memory_space<hbm>> -> memref<1x1x1x125xi32, #tpu.memory_space<hbm>>
          %dma_start3A_137 = tpu.memref_squeeze %dma_start3A_136 : memref<1x1x1x125xi32, #tpu.memory_space<hbm>> -> memref<125xi32, #tpu.memory_space<hbm>>
          %dma_start3A_138 = arith.constant 0 : i32
          %dma_start3A_139 = tpu.memref_slice %arg3[%dma_start3A_134, %add3A, %add3A_98, %dma_start3A_138] : memref<2x32x80x125xi32, #tpu.memory_space<hbm>> -> memref<1x1x1x125xi32, #tpu.memory_space<hbm>>
          %dma_start3A_140 = tpu.memref_squeeze %dma_start3A_139 : memref<1x1x1x125xi32, #tpu.memory_space<hbm>> -> memref<125xi32, #tpu.memory_space<hbm>>
          tpu.enqueue_dma source(%dma_start3A_140 : memref<125xi32, #tpu.memory_space<hbm>>) target(%arg7 : memref<125xi32, #tpu.memory_space<vmem>>) target_semaphore(%arg11 : memref<!tpu.dma_semaphore, #tpu.memory_space<semaphore_mem>>)
        } else {
        }
      } else {
      }
      %mul3A_104 = arith.constant 2 : i32
      %mul3A_105 = arith.muli %add3A_59, %mul3A_104 : i32
      %add3A_106 = arith.constant 1 : i32
      %add3A_107 = arith.addi %mul3A_105, %add3A_106 : i32
      %add3A_108 = arith.constant 2 : i32
      %add3A_109 = arith.addi %add3A_107, %add3A_108 : i32
      %lt3A_110 = arith.constant 80 : i32
      %lt3A_111 = arith.cmpi slt, %add3A_107, %lt3A_110 : i32
      %convert_element_type3A_112 = arith.extui %lt3A_111 : i1 to i32
      %cond3A_113 = arith.constant 0 : i32
      %cond3A_114 = arith.cmpi ne, %convert_element_type3A_112, %cond3A_113 : i32
      scf.if %cond3A_114 {
        %dma_wait3A = arith.constant 1 : i32
        %dma_wait3A_115 = arith.constant 0 : i32
        %dma_wait3A_116 = arith.constant 0 : i32
        %dma_wait3A_117 = tpu.memref_slice %arg9[%dma_wait3A, %dma_wait3A_115, %dma_wait3A_116] : memref<2x125x128xf32, #tpu.memory_space<vmem>> -> memref<1x125x128xf32, #tpu.memory_space<vmem>>
        %dma_wait3A_118 = tpu.memref_squeeze %dma_wait3A_117 : memref<1x125x128xf32, #tpu.memory_space<vmem>> -> memref<125x128xf32, #tpu.memory_space<vmem>>
        %dma_wait3A_119 = arith.constant 0 : i32
        %dma_wait3A_120 = arith.constant 0 : i32
        %dma_wait3A_121 = tpu.memref_slice %arg10[%dma_wait3A_119, %dma_wait3A_120] : memref<10080x128xf32, #tpu.memory_space<vmem_shared>> -> memref<10080x128xf32, #tpu.memory_space<vmem_shared>>
        tpu.wait_indirect_dma semaphore(%arg16 : memref<!tpu.dma_semaphore, #tpu.memory_space<semaphore_mem>>) src(%dma_wait3A_118 : memref<125x128xf32, #tpu.memory_space<vmem>>) dst(%dma_wait3A_121 : memref<10080x128xf32, #tpu.memory_space<vmem_shared>>)
        %lt3A_122 = arith.constant 80 : i32
        %lt3A_123 = arith.cmpi slt, %add3A_109, %lt3A_122 : i32
        %convert_element_type3A_124 = arith.extui %lt3A_123 : i1 to i32
        %cond3A_125 = arith.constant 0 : i32
        %cond3A_126 = arith.cmpi ne, %convert_element_type3A_124, %cond3A_125 : i32
        scf.if %cond3A_126 {
          %dma_start3A_127 = arith.constant 0 : i32
          %dma_start3A_128 = arith.constant 0 : i32
          %dma_start3A_129 = tpu.memref_slice %arg3[%dma_start3A_127, %add3A, %add3A_109, %dma_start3A_128] : memref<2x32x80x125xi32, #tpu.memory_space<hbm>> -> memref<1x1x1x125xi32, #tpu.memory_space<hbm>>
          %dma_start3A_130 = tpu.memref_squeeze %dma_start3A_129 : memref<1x1x1x125xi32, #tpu.memory_space<hbm>> -> memref<125xi32, #tpu.memory_space<hbm>>
          %dma_start3A_131 = arith.constant 0 : i32
          %dma_start3A_132 = tpu.memref_slice %arg3[%dma_start3A_127, %add3A, %add3A_109, %dma_start3A_131] : memref<2x32x80x125xi32, #tpu.memory_space<hbm>> -> memref<1x1x1x125xi32, #tpu.memory_space<hbm>>
          %dma_start3A_133 = tpu.memref_squeeze %dma_start3A_132 : memref<1x1x1x125xi32, #tpu.memory_space<hbm>> -> memref<125xi32, #tpu.memory_space<hbm>>
          tpu.enqueue_dma source(%dma_start3A_133 : memref<125xi32, #tpu.memory_space<hbm>>) target(%arg6 : memref<125xi32, #tpu.memory_space<vmem>>) target_semaphore(%arg12 : memref<!tpu.dma_semaphore, #tpu.memory_space<semaphore_mem>>)
          %dma_start3A_134 = arith.constant 1 : i32
          %dma_start3A_135 = arith.constant 0 : i32
          %dma_start3A_136 = tpu.memref_slice %arg3[%dma_start3A_134, %add3A, %add3A_109, %dma_start3A_135] : memref<2x32x80x125xi32, #tpu.memory_space<hbm>> -> memref<1x1x1x125xi32, #tpu.memory_space<hbm>>
          %dma_start3A_137 = tpu.memref_squeeze %dma_start3A_136 : memref<1x1x1x125xi32, #tpu.memory_space<hbm>> -> memref<125xi32, #tpu.memory_space<hbm>>
          %dma_start3A_138 = arith.constant 0 : i32
          %dma_start3A_139 = tpu.memref_slice %arg3[%dma_start3A_134, %add3A, %add3A_109, %dma_start3A_138] : memref<2x32x80x125xi32, #tpu.memory_space<hbm>> -> memref<1x1x1x125xi32, #tpu.memory_space<hbm>>
          %dma_start3A_140 = tpu.memref_squeeze %dma_start3A_139 : memref<1x1x1x125xi32, #tpu.memory_space<hbm>> -> memref<125xi32, #tpu.memory_space<hbm>>
          tpu.enqueue_dma source(%dma_start3A_140 : memref<125xi32, #tpu.memory_space<hbm>>) target(%arg8 : memref<125xi32, #tpu.memory_space<vmem>>) target_semaphore(%arg12 : memref<!tpu.dma_semaphore, #tpu.memory_space<semaphore_mem>>)
        } else {
        }
      } else {
      }
    }
    %scan3A_48 = arith.constant 40 : i32
    %barrier3A_49 = arith.constant 0 : index
    tpu.barrier barrier_id(%barrier3A_49)
    %scan3A_50 = arith.constant 0 : i32
    %scan3A_51 = arith.constant 8 : i32
    %scan3A_52 = arith.addi %scan3A_50, %scan3A_51 : i32
    %scan3A_53 = arith.constant 1 : i32
    scf.for %scan3A_55 = %scan3A_50 to %scan3A_52 step %scan3A_53  : i32 {
      %mul3A_56 = arith.constant 1 : i32
      %mul3A_57 = arith.muli %scan3A_55, %mul3A_56 : i32
      %add3A_58 = arith.constant 0 : i32
      %add3A_59 = arith.addi %add3A_58, %mul3A_57 : i32
      %mul3A_60 = arith.constant 16 : i32
      %mul3A_61 = arith.muli %add3A_59, %mul3A_60 : i32
      %add3A_62 = arith.addi %mul3A_61, %arg1 : i32
      %lt3A = arith.constant 125 : i32
      %lt3A_63 = arith.cmpi slt, %add3A_62, %lt3A : i32
      %convert_element_type3A = arith.extui %lt3A_63 : i1 to i32
      %cond3A = arith.constant 0 : i32
      %cond3A_64 = arith.cmpi ne, %convert_element_type3A, %cond3A : i32
      scf.if %cond3A_64 {
        %mul3A_65 = arith.constant 80 : i32
        %mul3A_66 = arith.muli %add3A_62, %mul3A_65 : i32
        "tpu.region"() ({
          %run_scoped3A = tpu.sem_alloc : memref<!tpu.dma_semaphore, #tpu.memory_space<semaphore_mem>>
          %dma_start3A_67 = arith.constant 0 : i32
          %dma_start3A_68 = tpu.memref_slice %arg4[%arg0, %mul3A_66, %dma_start3A_67] : memref<2x10000x128xf32, #tpu.memory_space<hbm>> -> memref<1x80x128xf32, #tpu.memory_space<hbm>>
          %dma_start3A_69 = tpu.memref_squeeze %dma_start3A_68 : memref<1x80x128xf32, #tpu.memory_space<hbm>> -> memref<80x128xf32, #tpu.memory_space<hbm>>
          %dma_start3A_70 = arith.constant 0 : i32
          %dma_start3A_71 = tpu.memref_slice %arg10[%mul3A_66, %dma_start3A_70] : memref<10080x128xf32, #tpu.memory_space<vmem_shared>> -> memref<80x128xf32, #tpu.memory_space<vmem_shared>>
          tpu.enqueue_dma source(%dma_start3A_71 : memref<80x128xf32, #tpu.memory_space<vmem_shared>>) target(%dma_start3A_69 : memref<80x128xf32, #tpu.memory_space<hbm>>) target_semaphore(%run_scoped3A : memref<!tpu.dma_semaphore, #tpu.memory_space<semaphore_mem>>)
          %dma_wait3A = arith.constant 0 : i32
          %dma_wait3A_72 = tpu.memref_slice %arg4[%arg0, %mul3A_66, %dma_wait3A] : memref<2x10000x128xf32, #tpu.memory_space<hbm>> -> memref<1x80x128xf32, #tpu.memory_space<hbm>>
          %dma_wait3A_73 = tpu.memref_squeeze %dma_wait3A_72 : memref<1x80x128xf32, #tpu.memory_space<hbm>> -> memref<80x128xf32, #tpu.memory_space<hbm>>
          %dma_wait3A_74 = arith.constant 0 : i32
          %dma_wait3A_75 = tpu.memref_slice %arg10[%mul3A_66, %dma_wait3A_74] : memref<10080x128xf32, #tpu.memory_space<vmem_shared>> -> memref<80x128xf32, #tpu.memory_space<vmem_shared>>
          tpu.wait_dma2 semaphore(%run_scoped3A : memref<!tpu.dma_semaphore, #tpu.memory_space<semaphore_mem>>) src(%dma_wait3A_75 : memref<80x128xf32, #tpu.memory_space<vmem_shared>>) dst(%dma_wait3A_73 : memref<80x128xf32, #tpu.memory_space<hbm>>)
          tpu.yield
        }) : () -> ()
      } else {
      }
    }
    %scan3A_54 = arith.constant 8 : i32
    return
  }
}

module attributes {stable_mosaic.version = 14 : i64} {
  func.func @_tc_layer_body(%arg0: i32, %arg1: memref<1000x128xf32, #tpu.memory_space<vmem>>, %arg2: memref<2x1000x128xf32, #tpu.memory_space<vmem>>, %arg3: memref<2x1000x128xf32, #tpu.memory_space<vmem>>, %arg4: memref<128x128xf32, #tpu.memory_space<vmem>>, %arg5: memref<16x128xf32, #tpu.memory_space<vmem>>, %arg6: memref<1x128xf32, #tpu.memory_space<vmem>>, %arg7: memref<128x128xf32, #tpu.memory_space<vmem>>, %arg8: memref<128x128xf32, #tpu.memory_space<vmem>>, %arg9: memref<1x128xf32, #tpu.memory_space<vmem>>, %arg10: memref<1000x128xf32, #tpu.memory_space<vmem>>) attributes {dimension_semantics = [#tpu.dimension_semantics<arbitrary>], iteration_bounds = array<i64: 10>, scalar_prefetch = 0 : i64, scratch_operands = 0 : i64, tpu.core_type = #tpu.core_type<tc>, window_params = [{transform_indices = @transform_0, window_bounds = array<i64: 1000, 128>}, {transform_indices = @transform_1, window_bounds = array<i64: 2, 1000, 128>}, {transform_indices = @transform_2, window_bounds = array<i64: 2, 1000, 128>}, {pipeline_mode = #tpu.pipeline_mode<synchronous>, transform_indices = @transform_3, window_bounds = array<i64: 128, 128>}, {pipeline_mode = #tpu.pipeline_mode<synchronous>, transform_indices = @transform_4, window_bounds = array<i64: 16, 128>}, {pipeline_mode = #tpu.pipeline_mode<synchronous>, transform_indices = @transform_5, window_bounds = array<i64: 1, 128>}, {pipeline_mode = #tpu.pipeline_mode<synchronous>, transform_indices = @transform_6, window_bounds = array<i64: 128, 128>}, {pipeline_mode = #tpu.pipeline_mode<synchronous>, transform_indices = @transform_7, window_bounds = array<i64: 128, 128>}, {pipeline_mode = #tpu.pipeline_mode<synchronous>, transform_indices = @transform_8, window_bounds = array<i64: 1, 128>}, {transform_indices = @transform_9, window_bounds = array<i64: 1000, 128>}]} {
    %get3A = arith.constant 0 : index
    %get3A_0 = arith.constant 0 : index
    %get3A_1 = arith.constant 0 : index
    %get3A_2 = vector.load %arg2[%get3A, %get3A_0, %get3A_1] : memref<2x1000x128xf32, #tpu.memory_space<vmem>>, vector<1x1000x128xf32>
    %get3A_3 = vector.shape_cast %get3A_2 : vector<1x1000x128xf32> to vector<1000x128xf32>
    %get3A_4 = arith.constant 1 : index
    %get3A_5 = arith.constant 0 : index
    %get3A_6 = arith.constant 0 : index
    %get3A_7 = vector.load %arg2[%get3A_4, %get3A_5, %get3A_6] : memref<2x1000x128xf32, #tpu.memory_space<vmem>>, vector<1x1000x128xf32>
    %get3A_8 = vector.shape_cast %get3A_7 : vector<1x1000x128xf32> to vector<1000x128xf32>
    %add3A = arith.addf %get3A_3, %get3A_8 : vector<1000x128xf32>
    %get3A_9 = arith.constant 0 : index
    %get3A_10 = arith.constant 0 : index
    %get3A_11 = arith.constant 0 : index
    %get3A_12 = vector.load %arg3[%get3A_9, %get3A_10, %get3A_11] : memref<2x1000x128xf32, #tpu.memory_space<vmem>>, vector<1x1000x128xf32>
    %get3A_13 = vector.shape_cast %get3A_12 : vector<1x1000x128xf32> to vector<1000x128xf32>
    %get3A_14 = arith.constant 1 : index
    %get3A_15 = arith.constant 0 : index
    %get3A_16 = arith.constant 0 : index
    %get3A_17 = vector.load %arg3[%get3A_14, %get3A_15, %get3A_16] : memref<2x1000x128xf32, #tpu.memory_space<vmem>>, vector<1x1000x128xf32>
    %get3A_18 = vector.shape_cast %get3A_17 : vector<1x1000x128xf32> to vector<1000x128xf32>
    %add3A_19 = arith.addf %get3A_13, %get3A_18 : vector<1000x128xf32>
    %slice3A = vector.extract_strided_slice %add3A_19 {offsets = [0, 0], sizes = [1000, 16], strides = [1, 1]} : vector<1000x128xf32> to vector<1000x16xf32>
    %slice3A_20 = vector.extract_strided_slice %add3A_19 {offsets = [0, 16], sizes = [1000, 1], strides = [1, 1]} : vector<1000x128xf32> to vector<1000x1xf32>
    %get3A_21 = arith.constant 0 : index
    %get3A_22 = arith.constant 0 : index
    %get3A_23 = vector.load %arg4[%get3A_21, %get3A_22] : memref<128x128xf32, #tpu.memory_space<vmem>>, vector<128x128xf32>
    %dot_general3A = arith.constant dense<0.000000e+00> : vector<1000x128xf32>
    %dot_general3A_24 = tpu.matmul %add3A, %get3A_23, %dot_general3A {dimension_numbers = #tpu.dot_dimension_numbers<[1], [0], [0], [1], [0, 0, 1, 1], [], []>, transpose_lhs_hint = false} : vector<1000x128xf32>, vector<128x128xf32>, vector<1000x128xf32> -> vector<1000x128xf32>
    %get3A_25 = arith.constant 0 : index
    %get3A_26 = arith.constant 0 : index
    %get3A_27 = vector.load %arg5[%get3A_25, %get3A_26] : memref<16x128xf32, #tpu.memory_space<vmem>>, vector<16x128xf32>
    %dot_general3A_28 = arith.constant dense<0.000000e+00> : vector<1000x128xf32>
    %dot_general3A_29 = tpu.matmul %slice3A, %get3A_27, %dot_general3A_28 {dimension_numbers = #tpu.dot_dimension_numbers<[1], [0], [0], [1], [0, 0, 1, 1], [], []>, transpose_lhs_hint = false} : vector<1000x16xf32>, vector<16x128xf32>, vector<1000x128xf32> -> vector<1000x128xf32>
    %add3A_30 = arith.addf %dot_general3A_24, %dot_general3A_29 : vector<1000x128xf32>
    %get3A_31 = arith.constant 0 : index
    %get3A_32 = arith.constant 0 : index
    %get3A_33 = vector.load %arg6[%get3A_31, %get3A_32] : memref<1x128xf32, #tpu.memory_space<vmem>>, vector<1x128xf32>
    %mul3A = vector.broadcast %slice3A_20 : vector<1000x1xf32> to vector<1000x128xf32>
    %mul3A_34 = vector.broadcast %get3A_33 : vector<1x128xf32> to vector<1000x128xf32>
    %mul3A_35 = arith.mulf %mul3A, %mul3A_34 : vector<1000x128xf32>
    %add3A_36 = arith.addf %add3A_30, %mul3A_35 : vector<1000x128xf32>
    %max3A = arith.constant 1.000000e+00 : f32
    %max3A_37 = vector.broadcast %max3A : f32 to vector<1000x1xf32>
    %max3A_38 = arith.maximumf %slice3A_20, %max3A_37 : vector<1000x1xf32>
    %div3A = vector.broadcast %max3A_38 : vector<1000x1xf32> to vector<1000x128xf32>
    %div3A_39 = arith.divf %add3A_36, %div3A : vector<1000x128xf32>
    %get3A_40 = arith.constant 0 : index
    %get3A_41 = arith.constant 0 : index
    %get3A_42 = vector.load %arg1[%get3A_40, %get3A_41] : memref<1000x128xf32, #tpu.memory_space<vmem>>, vector<1000x128xf32>
    %get3A_43 = arith.constant 0 : index
    %get3A_44 = arith.constant 0 : index
    %get3A_45 = vector.load %arg7[%get3A_43, %get3A_44] : memref<128x128xf32, #tpu.memory_space<vmem>>, vector<128x128xf32>
    %dot_general3A_46 = arith.constant dense<0.000000e+00> : vector<1000x128xf32>
    %dot_general3A_47 = tpu.matmul %get3A_42, %get3A_45, %dot_general3A_46 {dimension_numbers = #tpu.dot_dimension_numbers<[1], [0], [0], [1], [0, 0, 1, 1], [], []>, transpose_lhs_hint = false} : vector<1000x128xf32>, vector<128x128xf32>, vector<1000x128xf32> -> vector<1000x128xf32>
    %get3A_48 = arith.constant 0 : index
    %get3A_49 = arith.constant 0 : index
    %get3A_50 = vector.load %arg8[%get3A_48, %get3A_49] : memref<128x128xf32, #tpu.memory_space<vmem>>, vector<128x128xf32>
    %dot_general3A_51 = arith.constant dense<0.000000e+00> : vector<1000x128xf32>
    %dot_general3A_52 = tpu.matmul %div3A_39, %get3A_50, %dot_general3A_51 {dimension_numbers = #tpu.dot_dimension_numbers<[1], [0], [0], [1], [0, 0, 1, 1], [], []>, transpose_lhs_hint = false} : vector<1000x128xf32>, vector<128x128xf32>, vector<1000x128xf32> -> vector<1000x128xf32>
    %add3A_53 = arith.addf %dot_general3A_47, %dot_general3A_52 : vector<1000x128xf32>
    %get3A_54 = arith.constant 0 : index
    %get3A_55 = arith.constant 0 : index
    %get3A_56 = vector.load %arg9[%get3A_54, %get3A_55] : memref<1x128xf32, #tpu.memory_space<vmem>>, vector<1x128xf32>
    %add3A_57 = vector.broadcast %get3A_56 : vector<1x128xf32> to vector<1000x128xf32>
    %add3A_58 = arith.addf %add3A_53, %add3A_57 : vector<1000x128xf32>
    %max3A_59 = arith.constant 0.000000e+00 : f32
    %max3A_60 = vector.broadcast %max3A_59 : f32 to vector<1000x128xf32>
    %max3A_61 = arith.maximumf %add3A_58, %max3A_60 : vector<1000x128xf32>
    %swap3A = arith.constant 0 : index
    %swap3A_62 = arith.constant 0 : index
    %swap3A_63 = vector.load %arg10[%swap3A, %swap3A_62] : memref<1000x128xf32, #tpu.memory_space<vmem>>, vector<1000x128xf32>
    tpu.vector_store %arg10[%swap3A, %swap3A_62], %max3A_61 {strides = array<i32>} : memref<1000x128xf32, #tpu.memory_space<vmem>>, vector<1000x128xf32>,
    return
  }
  func.func @transform_0(%arg0: i32) -> (i32, i32) {
    %c0_i32 = arith.constant 0 : i32
    %c0_i32_0 = arith.constant 0 : i32
    return %arg0, %c0_i32 : i32, i32
  }
  func.func @transform_1(%arg0: i32) -> (i32, i32, i32) {
    %c0_i32 = arith.constant 0 : i32
    %c0_i32_0 = arith.constant 0 : i32
    %c0_i32_1 = arith.constant 0 : i32
    return %c0_i32, %arg0, %c0_i32_0 : i32, i32, i32
  }
  func.func @transform_2(%arg0: i32) -> (i32, i32, i32) {
    %c0_i32 = arith.constant 0 : i32
    %c0_i32_0 = arith.constant 0 : i32
    %c0_i32_1 = arith.constant 0 : i32
    return %c0_i32, %arg0, %c0_i32_0 : i32, i32, i32
  }
  func.func @transform_3(%arg0: i32) -> (i32, i32) {
    %c0_i32 = arith.constant 0 : i32
    %c0_i32_0 = arith.constant 0 : i32
    %c0_i32_1 = arith.constant 0 : i32
    return %c0_i32, %c0_i32_0 : i32, i32
  }
  func.func @transform_4(%arg0: i32) -> (i32, i32) {
    %c0_i32 = arith.constant 0 : i32
    %c0_i32_0 = arith.constant 0 : i32
    %c0_i32_1 = arith.constant 0 : i32
    return %c0_i32, %c0_i32_0 : i32, i32
  }
  func.func @transform_5(%arg0: i32) -> (i32, i32) {
    %c0_i32 = arith.constant 0 : i32
    %c0_i32_0 = arith.constant 0 : i32
    %c0_i32_1 = arith.constant 0 : i32
    return %c0_i32, %c0_i32_0 : i32, i32
  }
  func.func @transform_6(%arg0: i32) -> (i32, i32) {
    %c0_i32 = arith.constant 0 : i32
    %c0_i32_0 = arith.constant 0 : i32
    %c0_i32_1 = arith.constant 0 : i32
    return %c0_i32, %c0_i32_0 : i32, i32
  }
  func.func @transform_7(%arg0: i32) -> (i32, i32) {
    %c0_i32 = arith.constant 0 : i32
    %c0_i32_0 = arith.constant 0 : i32
    %c0_i32_1 = arith.constant 0 : i32
    return %c0_i32, %c0_i32_0 : i32, i32
  }
  func.func @transform_8(%arg0: i32) -> (i32, i32) {
    %c0_i32 = arith.constant 0 : i32
    %c0_i32_0 = arith.constant 0 : i32
    %c0_i32_1 = arith.constant 0 : i32
    return %c0_i32, %c0_i32_0 : i32, i32
  }
  func.func @transform_9(%arg0: i32) -> (i32, i32) {
    %c0_i32 = arith.constant 0 : i32
    %c0_i32_0 = arith.constant 0 : i32
    return %arg0, %c0_i32 : i32, i32
  }
}

module attributes {stable_mosaic.version = 14 : i64} {
  func.func @_tc_layer_body(%arg0: i32, %arg1: memref<1000x128xf32, #tpu.memory_space<vmem>>, %arg2: memref<2x1000x128xf32, #tpu.memory_space<vmem>>, %arg3: memref<2x1000x128xf32, #tpu.memory_space<vmem>>, %arg4: memref<128x128xf32, #tpu.memory_space<vmem>>, %arg5: memref<16x128xf32, #tpu.memory_space<vmem>>, %arg6: memref<1x128xf32, #tpu.memory_space<vmem>>, %arg7: memref<128x128xf32, #tpu.memory_space<vmem>>, %arg8: memref<128x128xf32, #tpu.memory_space<vmem>>, %arg9: memref<1x128xf32, #tpu.memory_space<vmem>>, %arg10: memref<1000x128xf32, #tpu.memory_space<vmem>>) attributes {dimension_semantics = [#tpu.dimension_semantics<arbitrary>], iteration_bounds = array<i64: 10>, scalar_prefetch = 0 : i64, scratch_operands = 0 : i64, tpu.core_type = #tpu.core_type<tc>, window_params = [{transform_indices = @transform_0, window_bounds = array<i64: 1000, 128>}, {transform_indices = @transform_1, window_bounds = array<i64: 2, 1000, 128>}, {transform_indices = @transform_2, window_bounds = array<i64: 2, 1000, 128>}, {pipeline_mode = #tpu.pipeline_mode<synchronous>, transform_indices = @transform_3, window_bounds = array<i64: 128, 128>}, {pipeline_mode = #tpu.pipeline_mode<synchronous>, transform_indices = @transform_4, window_bounds = array<i64: 16, 128>}, {pipeline_mode = #tpu.pipeline_mode<synchronous>, transform_indices = @transform_5, window_bounds = array<i64: 1, 128>}, {pipeline_mode = #tpu.pipeline_mode<synchronous>, transform_indices = @transform_6, window_bounds = array<i64: 128, 128>}, {pipeline_mode = #tpu.pipeline_mode<synchronous>, transform_indices = @transform_7, window_bounds = array<i64: 128, 128>}, {pipeline_mode = #tpu.pipeline_mode<synchronous>, transform_indices = @transform_8, window_bounds = array<i64: 1, 128>}, {transform_indices = @transform_9, window_bounds = array<i64: 1000, 128>}]} {
    %get3A = arith.constant 0 : index
    %get3A_0 = arith.constant 0 : index
    %get3A_1 = arith.constant 0 : index
    %get3A_2 = vector.load %arg2[%get3A, %get3A_0, %get3A_1] : memref<2x1000x128xf32, #tpu.memory_space<vmem>>, vector<1x1000x128xf32>
    %get3A_3 = vector.shape_cast %get3A_2 : vector<1x1000x128xf32> to vector<1000x128xf32>
    %get3A_4 = arith.constant 1 : index
    %get3A_5 = arith.constant 0 : index
    %get3A_6 = arith.constant 0 : index
    %get3A_7 = vector.load %arg2[%get3A_4, %get3A_5, %get3A_6] : memref<2x1000x128xf32, #tpu.memory_space<vmem>>, vector<1x1000x128xf32>
    %get3A_8 = vector.shape_cast %get3A_7 : vector<1x1000x128xf32> to vector<1000x128xf32>
    %add3A = arith.addf %get3A_3, %get3A_8 : vector<1000x128xf32>
    %get3A_9 = arith.constant 0 : index
    %get3A_10 = arith.constant 0 : index
    %get3A_11 = arith.constant 0 : index
    %get3A_12 = vector.load %arg3[%get3A_9, %get3A_10, %get3A_11] : memref<2x1000x128xf32, #tpu.memory_space<vmem>>, vector<1x1000x128xf32>
    %get3A_13 = vector.shape_cast %get3A_12 : vector<1x1000x128xf32> to vector<1000x128xf32>
    %get3A_14 = arith.constant 1 : index
    %get3A_15 = arith.constant 0 : index
    %get3A_16 = arith.constant 0 : index
    %get3A_17 = vector.load %arg3[%get3A_14, %get3A_15, %get3A_16] : memref<2x1000x128xf32, #tpu.memory_space<vmem>>, vector<1x1000x128xf32>
    %get3A_18 = vector.shape_cast %get3A_17 : vector<1x1000x128xf32> to vector<1000x128xf32>
    %add3A_19 = arith.addf %get3A_13, %get3A_18 : vector<1000x128xf32>
    %slice3A = vector.extract_strided_slice %add3A_19 {offsets = [0, 0], sizes = [1000, 16], strides = [1, 1]} : vector<1000x128xf32> to vector<1000x16xf32>
    %slice3A_20 = vector.extract_strided_slice %add3A_19 {offsets = [0, 16], sizes = [1000, 1], strides = [1, 1]} : vector<1000x128xf32> to vector<1000x1xf32>
    %get3A_21 = arith.constant 0 : index
    %get3A_22 = arith.constant 0 : index
    %get3A_23 = vector.load %arg4[%get3A_21, %get3A_22] : memref<128x128xf32, #tpu.memory_space<vmem>>, vector<128x128xf32>
    %dot_general3A = arith.constant dense<0.000000e+00> : vector<1000x128xf32>
    %dot_general3A_24 = tpu.matmul %add3A, %get3A_23, %dot_general3A {dimension_numbers = #tpu.dot_dimension_numbers<[1], [0], [0], [1], [0, 0, 1, 1], [], []>, transpose_lhs_hint = false} : vector<1000x128xf32>, vector<128x128xf32>, vector<1000x128xf32> -> vector<1000x128xf32>
    %get3A_25 = arith.constant 0 : index
    %get3A_26 = arith.constant 0 : index
    %get3A_27 = vector.load %arg5[%get3A_25, %get3A_26] : memref<16x128xf32, #tpu.memory_space<vmem>>, vector<16x128xf32>
    %dot_general3A_28 = arith.constant dense<0.000000e+00> : vector<1000x128xf32>
    %dot_general3A_29 = tpu.matmul %slice3A, %get3A_27, %dot_general3A_28 {dimension_numbers = #tpu.dot_dimension_numbers<[1], [0], [0], [1], [0, 0, 1, 1], [], []>, transpose_lhs_hint = false} : vector<1000x16xf32>, vector<16x128xf32>, vector<1000x128xf32> -> vector<1000x128xf32>
    %add3A_30 = arith.addf %dot_general3A_24, %dot_general3A_29 : vector<1000x128xf32>
    %get3A_31 = arith.constant 0 : index
    %get3A_32 = arith.constant 0 : index
    %get3A_33 = vector.load %arg6[%get3A_31, %get3A_32] : memref<1x128xf32, #tpu.memory_space<vmem>>, vector<1x128xf32>
    %mul3A = vector.broadcast %slice3A_20 : vector<1000x1xf32> to vector<1000x128xf32>
    %mul3A_34 = vector.broadcast %get3A_33 : vector<1x128xf32> to vector<1000x128xf32>
    %mul3A_35 = arith.mulf %mul3A, %mul3A_34 : vector<1000x128xf32>
    %add3A_36 = arith.addf %add3A_30, %mul3A_35 : vector<1000x128xf32>
    %max3A = arith.constant 1.000000e+00 : f32
    %max3A_37 = vector.broadcast %max3A : f32 to vector<1000x1xf32>
    %max3A_38 = arith.maximumf %slice3A_20, %max3A_37 : vector<1000x1xf32>
    %div3A = vector.broadcast %max3A_38 : vector<1000x1xf32> to vector<1000x128xf32>
    %div3A_39 = arith.divf %add3A_36, %div3A : vector<1000x128xf32>
    %get3A_40 = arith.constant 0 : index
    %get3A_41 = arith.constant 0 : index
    %get3A_42 = vector.load %arg1[%get3A_40, %get3A_41] : memref<1000x128xf32, #tpu.memory_space<vmem>>, vector<1000x128xf32>
    %get3A_43 = arith.constant 0 : index
    %get3A_44 = arith.constant 0 : index
    %get3A_45 = vector.load %arg7[%get3A_43, %get3A_44] : memref<128x128xf32, #tpu.memory_space<vmem>>, vector<128x128xf32>
    %dot_general3A_46 = arith.constant dense<0.000000e+00> : vector<1000x128xf32>
    %dot_general3A_47 = tpu.matmul %get3A_42, %get3A_45, %dot_general3A_46 {dimension_numbers = #tpu.dot_dimension_numbers<[1], [0], [0], [1], [0, 0, 1, 1], [], []>, transpose_lhs_hint = false} : vector<1000x128xf32>, vector<128x128xf32>, vector<1000x128xf32> -> vector<1000x128xf32>
    %get3A_48 = arith.constant 0 : index
    %get3A_49 = arith.constant 0 : index
    %get3A_50 = vector.load %arg8[%get3A_48, %get3A_49] : memref<128x128xf32, #tpu.memory_space<vmem>>, vector<128x128xf32>
    %dot_general3A_51 = arith.constant dense<0.000000e+00> : vector<1000x128xf32>
    %dot_general3A_52 = tpu.matmul %div3A_39, %get3A_50, %dot_general3A_51 {dimension_numbers = #tpu.dot_dimension_numbers<[1], [0], [0], [1], [0, 0, 1, 1], [], []>, transpose_lhs_hint = false} : vector<1000x128xf32>, vector<128x128xf32>, vector<1000x128xf32> -> vector<1000x128xf32>
    %add3A_53 = arith.addf %dot_general3A_47, %dot_general3A_52 : vector<1000x128xf32>
    %get3A_54 = arith.constant 0 : index
    %get3A_55 = arith.constant 0 : index
    %get3A_56 = vector.load %arg9[%get3A_54, %get3A_55] : memref<1x128xf32, #tpu.memory_space<vmem>>, vector<1x128xf32>
    %add3A_57 = vector.broadcast %get3A_56 : vector<1x128xf32> to vector<1000x128xf32>
    %add3A_58 = arith.addf %add3A_53, %add3A_57 : vector<1000x128xf32>
    %max3A_59 = arith.constant 0.000000e+00 : f32
    %max3A_60 = vector.broadcast %max3A_59 : f32 to vector<1000x128xf32>
    %max3A_61 = arith.maximumf %add3A_58, %max3A_60 : vector<1000x128xf32>
    %swap3A = arith.constant 0 : index
    %swap3A_62 = arith.constant 0 : index
    %swap3A_63 = vector.load %arg10[%swap3A, %swap3A_62] : memref<1000x128xf32, #tpu.memory_space<vmem>>, vector<1000x128xf32>
    tpu.vector_store %arg10[%swap3A, %swap3A_62], %max3A_61 {strides = array<i32>} : memref<1000x128xf32, #tpu.memory_space<vmem>>, vector<1000x128xf32>,
    return
  }
  func.func @transform_0(%arg0: i32) -> (i32, i32) {
    %c0_i32 = arith.constant 0 : i32
    %c0_i32_0 = arith.constant 0 : i32
    return %arg0, %c0_i32 : i32, i32
  }
  func.func @transform_1(%arg0: i32) -> (i32, i32, i32) {
    %c0_i32 = arith.constant 0 : i32
    %c0_i32_0 = arith.constant 0 : i32
    %c0_i32_1 = arith.constant 0 : i32
    return %c0_i32, %arg0, %c0_i32_0 : i32, i32, i32
  }
  func.func @transform_2(%arg0: i32) -> (i32, i32, i32) {
    %c0_i32 = arith.constant 0 : i32
    %c0_i32_0 = arith.constant 0 : i32
    %c0_i32_1 = arith.constant 0 : i32
    return %c0_i32, %arg0, %c0_i32_0 : i32, i32, i32
  }
  func.func @transform_3(%arg0: i32) -> (i32, i32) {
    %c0_i32 = arith.constant 0 : i32
    %c0_i32_0 = arith.constant 0 : i32
    %c0_i32_1 = arith.constant 0 : i32
    return %c0_i32, %c0_i32_0 : i32, i32
  }
  func.func @transform_4(%arg0: i32) -> (i32, i32) {
    %c0_i32 = arith.constant 0 : i32
    %c0_i32_0 = arith.constant 0 : i32
    %c0_i32_1 = arith.constant 0 : i32
    return %c0_i32, %c0_i32_0 : i32, i32
  }
  func.func @transform_5(%arg0: i32) -> (i32, i32) {
    %c0_i32 = arith.constant 0 : i32
    %c0_i32_0 = arith.constant 0 : i32
    %c0_i32_1 = arith.constant 0 : i32
    return %c0_i32, %c0_i32_0 : i32, i32
  }
  func.func @transform_6(%arg0: i32) -> (i32, i32) {
    %c0_i32 = arith.constant 0 : i32
    %c0_i32_0 = arith.constant 0 : i32
    %c0_i32_1 = arith.constant 0 : i32
    return %c0_i32, %c0_i32_0 : i32, i32
  }
  func.func @transform_7(%arg0: i32) -> (i32, i32) {
    %c0_i32 = arith.constant 0 : i32
    %c0_i32_0 = arith.constant 0 : i32
    %c0_i32_1 = arith.constant 0 : i32
    return %c0_i32, %c0_i32_0 : i32, i32
  }
  func.func @transform_8(%arg0: i32) -> (i32, i32) {
    %c0_i32 = arith.constant 0 : i32
    %c0_i32_0 = arith.constant 0 : i32
    %c0_i32_1 = arith.constant 0 : i32
    return %c0_i32, %c0_i32_0 : i32, i32
  }
  func.func @transform_9(%arg0: i32) -> (i32, i32) {
    %c0_i32 = arith.constant 0 : i32
    %c0_i32_0 = arith.constant 0 : i32
    return %arg0, %c0_i32 : i32, i32
  }
}

</mosaic_0001>

<sc_bundles>
// kernel: kernel.10.cloned.1.call-start
scs
__scs_entry_jumppad:
0x0: {  	(pc) =	sbr.rel $0x88, $3  }
0x1: {  	(tag) =	ssettag $0x0;
	lr =	simm.s32 $0x1  }
0x2: {  	[smem:$0x3F96] =	sst lr;
	_ =	strace $0xD0000000  }
0x3: {  	_ = 	snop  }
0x4: {  	_ = 	snop  }
0x5: {  	_ = 	snop  }
0x6: {  	_ = 	snop  }
0x7: {  	_ = 	snop  }
__scs_overlays_trampoline_lowered:
0x8: {  	[smem:$0x3FA5] =	sst s0  }
0x9: {  	[smem:$0x3FA6] =	sst s1  }
0xa: {  	[smem:$0x3FA7] =	sst s2  }
0xb: {  	[smem:$0x3FA8] =	sst s3  }
0xc: {  	[smem:$0x3FA9] =	sst s4  }
0xd: {  	[smem:$0x3FAA] =	sst s5  }
0xe: {  	[smem:$0x3FAB] =	sst s6  }
0xf: {  	[smem:$0x3FAC] =	sst s7  }
0x10: {  	[smem:$0x3FAD] =	sst s8  }
0x11: {  	[smem:$0x3FAE] =	sst s9;
	s0 =	simm.s32 @!p0 $0x0  }
0x12: {  	s1 =	sld [smem:$0x3F94];
	s0 =	simm.s32 @p0 $0x1  }
0x13: {  	[smem:$0x3FAF] =	sst s0;
	s0 =	simm.s32 @!p1 $0x0  }
0x14: {  	s2 =	sld [smem:$0x3F93];
	s0 =	simm.s32 @p1 $0x1  }
0x15: {  	[smem:$0x3FB0] =	sst s0;
	s0 =	simm.s32 @!p2 $0x0  }
0x16: {  	s3 =	sld [smem:$0x3FDB];
	s0 =	simm.s32 @p2 $0x1  }
0x17: {  	s4 =	simm.s32 $0x1BF5;
	[smem:$0x3FB2] =	sst s0  }
0x18: {  	s0 =	sld [smem:$0x3F95];
	_ =	swait.ge [sflag:s4], $0x0  }
0x19: {  	s7 =	sld [smem:$0x3F96]  }
0x1a: {  	s8 =	sadd.s32 $0xFFFFE003, lr  }
0x1b: {  	s9 =	sadd.s32 $0xFFFFFEF7, lr;
	s5 =	simm.s32 $0xFFFFFFFF;
	p2 =	slt.u32 s8, $0xFFFFF086  }
0x1c: {  	p1 =	slt.u32 s9, $0xF7A;
	s5 =	simm.s32 @!p2 $0x0  }
0x1d: {  	s5 =	simm.s32 @p1 $0x1;
	p0 =	seq.s32 s7, s2  }
0x1e: {  	s7 =	smul.u32 @!p0 $0xF7A, s2;
	p2 =	seq.s32 @!p0 s5, $0x0  }
0x1f: {  	s9 =	smul.u32 $0xF7A, s1;
	s8 =	simm.s32 @!p0 $0x1BF5;
	p2 =	por !p2, p0  }
0x20: {  	[sflag:s8] =	ssyncset.s32 @!p0 $0xFFFFF086;
	s6 =	sadd.s32 @!p0 s3, s7;
	s7 =	simm.s32 @!p0 $0x108  }
0x21: {  	s3 =	sadd.s32 s3, s9;
	s6 =	sadd.s32 @!p0 $0x88, s6;
	s7 =	simm.s32 @p2 $0x1082  }
0x22: {  	[simem:s7], [sflag:s8] =	dma.local @!p0 [hbm:s6], $0xF7A  }
0x23: {  	s9 =	sor.u32 $0xD0000000, s2;
	s6 =	simm.s32 $0x108;
	_ =	swait.ge @!p0 [sflag:s8], $0x0  }
0x24: {  	s3 =	sadd.s32 $0x88, s3;
	s6 =	simm.s32 @!p1 $0x1082;
	[sflag:s4] =	ssyncset.s32 $0xFFFFF086  }
0x25: {  	[simem:s6], [sflag:s4] =	dma.local [hbm:s3], $0xF7A  }
0x26: {  	[smem:$0x3F96] =	sst s1;
	(tag) =	ssettag s2;
	_ =	strace s9  }
0x27: {  	s1 =	sld [smem:$0x3FA6]  }
0x28: {  	s2 =	sld [smem:$0x3FA7]  }
0x29: {  	s4 =	sld [smem:$0x3FA9]  }
0x2a: {  	p0 =	seq.s32 s5, $0x0;
	s5 =	sld [smem:$0x3FAA]  }
0x2b: {  	s6 =	sld [smem:$0x3FAB]  }
0x2c: {  	s7 =	sld [smem:$0x3FAC]  }
0x2d: {  	s3 =	simm.s32 $0x108;
	s8 =	sld [smem:$0x3FAD]  }
0x2e: {  	s3 =	simm.s32 @!p0 $0x1082;
	s9 =	sld [smem:$0x3FAE]  }
0x2f: {  	lr =	sadd.s32 s0, s3;
	s0 =	sld [smem:$0x3FA5]  }
0x30: {  	s3 =	sld [smem:$0x3FA8]  }
0x31: {  	[smem:$0x3FB1] =	sst s10  }
0x32: {  	s10 =	sld [smem:$0x3FAF];
	_ =	sdelay $0x3  }
0x33: {  	p0 =	seq.s32 s10, $0x1;
	s10 =	sld [smem:$0x3FB1];
	_ =	sdelay $0x3  }
0x34: {  	[smem:$0x3FB1] =	sst s10  }
0x35: {  	s10 =	sld [smem:$0x3FB0];
	_ =	sdelay $0x3  }
0x36: {  	p1 =	seq.s32 s10, $0x1;
	s10 =	sld [smem:$0x3FB1];
	_ =	sdelay $0x3  }
0x37: {  	[smem:$0x3FB1] =	sst s10  }
0x38: {  	s10 =	sld [smem:$0x3FB2]  }
0x39: {  	_ = 	snop;
	(pc) =	sbr.ind lr, $3  }
0x3a: {  	_ = 	snop  }
0x3b: {  	_ = 	snop  }
0x3c: {  	p2 =	seq.s32 s10, $0x1;
	s10 =	sld [smem:$0x3FB1]  }
0x3d: {  	_ =	shalt  }
0x3e: {  	_ =	shalt  }
0x3f: {  	_ =	shalt  }
0x40: {  	_ =	shalt  }
0x41: {  	_ =	shalt  }
0x42: {  	_ =	shalt  }
0x43: {  	_ =	shalt  }
0x44: {  	_ =	shalt  }
0x45: {  	_ =	shalt  }
0x46: {  	_ =	shalt  }
0x47: {  	_ =	shalt  }
0x48: {  	_ =	shalt  }
0x49: {  	_ =	shalt  }
0x4a: {  	_ =	shalt  }
0x4b: {  	_ =	shalt  }
0x4c: {  	_ =	shalt  }
0x4d: {  	_ =	shalt  }
0x4e: {  	_ =	shalt  }
0x4f: {  	_ =	shalt  }
0x50: {  	_ =	shalt  }
0x51: {  	_ =	shalt  }
0x52: {  	_ =	shalt  }
0x53: {  	_ =	shalt  }
0x54: {  	_ =	shalt  }
0x55: {  	_ =	shalt  }
0x56: {  	_ =	shalt  }
0x57: {  	_ =	shalt  }
0x58: {  	_ =	shalt  }
0x59: {  	_ =	shalt  }
0x5a: {  	_ =	shalt  }
0x5b: {  	_ =	shalt  }
0x5c: {  	_ =	shalt  }
0x5d: {  	_ =	shalt  }
0x5e: {  	_ =	shalt  }
0x5f: {  	_ =	shalt  }
0x60: {  	_ =	shalt  }
0x61: {  	_ =	shalt  }
0x62: {  	_ =	shalt  }
0x63: {  	_ =	shalt  }
0x64: {  	_ =	shalt  }
0x65: {  	_ =	shalt  }
0x66: {  	_ =	shalt  }
0x67: {  	_ =	shalt  }
0x68: {  	_ =	shalt  }
0x69: {  	_ =	shalt  }
0x6a: {  	_ =	shalt  }
0x6b: {  	_ =	shalt  }
0x6c: {  	_ =	shalt  }
0x6d: {  	_ =	shalt  }
0x6e: {  	_ =	shalt  }
0x6f: {  	_ =	shalt  }
0x70: {  	_ =	shalt  }
0x71: {  	_ =	shalt  }
0x72: {  	_ =	shalt  }
0x73: {  	_ =	shalt  }
0x74: {  	_ =	shalt  }
0x75: {  	_ =	shalt  }
0x76: {  	_ =	shalt  }
0x77: {  	_ =	shalt  }
0x78: {  	_ =	shalt  }
0x79: {  	_ =	shalt  }
0x7a: {  	_ =	shalt  }
0x7b: {  	_ =	shalt  }
0x7c: {  	_ =	shalt  }
0x7d: {  	_ =	shalt  }
0x7e: {  	_ =	shalt  }
0x7f: {  	_ =	shalt  }
0x80: {  	_ =	shalt  }
0x81: {  	_ =	shalt  }
0x82: {  	_ =	shalt  }
0x83: {  	_ =	shalt  }
0x84: {  	_ =	shalt  }
0x85: {  	_ =	shalt  }
0x86: {  	_ =	shalt  }
0x87: {  	_ =	shalt  }
.Lfunc_end0:
.L_simem_size_0:
called_computation.1_lowered:
.L_overlay_start_0:
0x88: {  	s2 =	sld [smem:$0x3FD9]  }
0x89: {  	s3 =	sld [smem:$0x3FFE];
	_ =	sdelay $0x1  }
0x8a: {  	s1 =	srdreg.scid  }
0x8b: {  	s0 =	sand.u32 $0x1, s1  }
0x8c: {  	s17 =	sshll.u32 s0, $0xA;
	s2 =	sadd.s32 s3, s2  }
0x8d: {  	s2 =	sadd.s32 s2, s17  }
0x8e: {  	[smem:$0x3FBD] =	sst s2  }
0x8f: {  	_ = 	snop  }
0x90: {  	s2 =	sld [smem:$0x3FD0];
	(tm) =	ssettm $0x1  }
0x91: {  	s18 =	sld [smem:$0x3FFB];
	_ =	sdelay $0x3  }
0x92: {  	_ =	strace s18  }
0x93: {  	s3 =	sld [smem:$0x3FFC];
	_ =	sdelay $0x3  }
0x94: {  	_ =	strace s3  }
0x95: {  	s3 =	sld [smem:$0x3FFD];
	_ =	sdelay $0x3  }
0x96: {  	_ =	strace s3  }
0x97: {  	_ =	strace $0x8FFFFFFF  }
0x98: {  	s19 =	sld [smem:$0x3FDB];
	_ =	sdelay $0x1  }
0x99: {  	s4 =	simm.s32 $_scs_section_size  }
0x9a: {  	s5 =	simm.s32 $_size__tile_overlayer_lowered;
	s6 =	simm.s32 $_tile_overlayer_lowered  }
0x9b: {  	s22 =	simm.s32 $0x1BFF;
	s21 =	sshll.u32 s6, $0x1;
	s3 =	sadd.s32 s4, s19  }
0x9c: {  	s7 =	simm.s32 $0x0;
	s20 =	sshll.u32 s5, $0x1;
	s5 =	sadd.s32 s21, s3  }
0x9d: {  	[timem:s7], [sflag:s22] =	dma.local [hbm:s5], s20  }
0x9e: {  	_ =	swait.ge [sflag:s22], s20  }
0x9f: {  	s4 =	ssub.s32 $0x0, s20;
	[sflag:s22] =	ssyncset.done $0x0  }
0xa0: {  	[sflag:s22] =	ssyncadd.s32 s4;
	_ =	sdelay $0x1  }
0xa1: {  	s23 =	simm.s32 $0x1B8B  }
0xa2: {  	_ =	swait.ge [sflag:s23], $0x1  }
0xa3: {  	[sflag:s23] =	ssyncset.done $0x0  }
0xa4: {  	s25 =	simm.s32 $0x1B8E;
	s24 =	sld [smem:$0x3FFE];
	[sflag:s23] =	ssyncadd.s32 $0xFFFFFFFF  }
0xa5: {  	s26 =	simm.s32 $execute0_lowered;
	[smem:$0x3FD2] =	sst s25  }
0xa6: {  	s5 =	sshll.u32 s26, $0x1;
	_ =	strace $0x80000046;
	[dreg:$0x1] =	wrdreg $0xFFFFFFFF  }
0xa7: {  	s28 =	simm.s32 $_size_execute0_lowered;
	s3 =	sadd.s32 s3, s5;
	[dreg:$0x0] =	wrdreg $0x0  }
0xa8: {  	s5 =	sshll.u32 s28, $0x1;
	[dreg:$0x2] =	wrdreg s3  }
0xa9: {  	[dreg:$0x3] =	wrdreg s5  }
0xaa: {  	[dreg:$0x4] =	wrdreg $0xC0  }
0xab: {  	_ =	task [dreg:s7], $0x5FFFF  }
0xac: {  	[dreg:$0x1] =	wrdreg $0xFFFFFFFF  }
0xad: {  	[dreg:$0x0] =	wrdreg $0x60  }
0xae: {  	[dreg:$0x2] =	wrdreg s24  }
0xaf: {  	[dreg:$0x3] =	wrdreg s2  }
0xb0: {  	[dreg:$0x4] =	wrdreg $0x51000  }
0xb1: {  	[dreg:$0x5] =	wrdreg $0xA  }
0xb2: {  	_ =	task.clear_ibuf [dreg:s7], $0x6FFFF;
	_ =	strace $0x90000046  }
0xb3: {  	s29 =	simm.s32 $0xA;
	_ =	strace $0x80000048  }
0xb4: {  	_ =	swait.ge [sflag:s29], $0x1  }
0xb5: {  	[sflag:s29] =	ssyncadd.s32 $0xFFFFFFFF  }
0xb6: {  	_ =	strace $0x90000048  }
0xb7: {  	_ =	sfence  }
0xb8: {  	s30 =	sld [smem:$0x0];
	_ =	sdelay $0x2  }
0xb9: {  	s31 =	sshll.u32 s1, $0xD;
	s1 =	sshrl.u32 s1, $0x2  }
0xba: {  	s3 =	sand.u32 $0x4000, s31;
	s1 =	sadd.s32 s1, s30  }
0xbb: {  	s0 =	sor.u32 s3, s0;
	s1 =	sshll.u32 s1, $0x11  }
0xbc: {  	s0 =	sor.u32 s1, s0  }
0xbd: {  	s0 =	sadd.s32 $0x8F2B, s0  }
0xbe: {  	[sflag:s0] =	ssyncadd.remote.s32 $0x1  }
0xbf: {  	_ =	sfence.sel $0xFFFF  }
0xc0: {  	[dreg:$0x0] =	wrdreg $0xFFFFFFFF;
	(pc) =	sbr.abs _section_cstart, $3  }
0xc1: {  	[dreg:$0x1] =	wrdreg $0xFFFFFFFF  }
0xc2: {  	_ =	task.clear_ibuf [dreg:s7], $0x2FFFF;
	_ =	strace $0x9FFFFFFF  }
0xc3: {  	(tm) =	ssettm $0x7FFFFFFF  }
tec
execute0_lowered:
.L_overlay_start_1:
0x0: {  	(tag) =	ssettag $0x1  }
0x1: {  	s0 =	rddreg [dreg:$0x0]  }
0x2: {  	s1 =	rddreg [dreg:$0x1];
	s3 =	srdreg.scid  }
0x3: {  	s2 =	rddreg [dreg:$0x2];
	s16 =	stileid.u32  }
0x4: {  	s28 =	simm.s32 $0x7;
	s4 =	sand.u32 $0x1, s3;
	s10 =	smul.u32 $0x2800, s16  }
0x5: {  	s30 =	simm.s32 $0x1;
	s9 =	sor.u32 $0x10, s16;
	s5 =	smul.u32 $0x271000, s4  }
0x6: {  	s13 =	ssub.s32 $0x2, s4;
	s7 =	sshll.u32 s4, $0x4;
	s4 =	smul.u32 $0x138800, s4  }
0x7: {  	s31 =	simm.s32 $0x5;
	s18 =	sor.u32 $0x30, s16;
	s12 =	smul.u32 $0x2800, s9  }
0x8: {  	s3 =	simm.s32 $0x0;
	s19 =	sor.u32 $0x40, s16;
	s23 =	smul.u32 $0x2800, s18  }
0x9: {  	s11 =	sor.u32 $0x20, s16;
	s20 =	sor.u32 $0x50, s16;
	s25 =	smul.u32 $0x2800, s19  }
0xa: {  	s21 =	sor.u32 $0x60, s16;
	s22 =	sor.u32 $0x70, s16;
	s29 =	smul.u32 $0x2800, s20  }
0xb: {  	[smem:$0x7FF] =	sst s3;
	s9 =	smul.u32 $0xA000, s9;
	p0 =	sgt.u32 s22, $0x7D  }
0xc: {  	p1 =	sgt.u32 s22, $0x7C;
	_ =	strace $0x80000047;
	s8 =	sshrl.u32 s13, $0x1  }
0xd: {  	s7 =	sor.u32 s16, s7;
	s6 =	sadd.s32 s5, s0;
	s0 =	sadd.s32 $0x3400, s0  }
0xe: {  	s8 =	ssub.s32 s13, s8;
	s14 =	sshll.u32 s7, $0xE;
	s10 =	sadd.s32 s4, s10  }
0xf: {  	s13 =	smul.u32 $0x2800, s11;
	s15 =	sadd.s32 s4, s12;
	s26 =	sadd.s32 s4, s23  }
0x10: {  	s12 =	sadd.s32 s4, s25;
	s5 =	sor.u32 $0x80000, s14;
	s10 =	sshrl.u32 s10, $0x3  }
0x11: {  	s14 =	smul.u32 $0x2800, s21;
	s12 =	sshrl.u32 s12, $0x3;
	s8 =	smax.u32 s8, $0x1  }
0x12: {  	s10 =	sadd.s32 s0, s10;
	s17 =	sadd.s32 s4, s13;
	s13 =	sadd.s32 s4, s29  }
0x13: {  	s12 =	sadd.s32 s0, s12;
	s29 =	smul.u32 $0xA000, s16;
	[dreg:$0xe] =	wrdreg s8  }
0x14: {  	[dreg:$0x4] =	wrdreg s10;
	s10 =	sshrl.u32 s15, $0x3;
	s15 =	smul.u32 $0x2800, s22  }
0x15: {  	s25 =	sshrl.u32 s5, $0x3;
	[dreg:$0x8] =	wrdreg s12;
	s12 =	smul.u32 $0xA000, s11  }
0x16: {  	s24 =	sshrl.u32 s17, $0x3;
	s17 =	sshrl.u32 s13, $0x3;
	s13 =	smul.u32 $0xA000, s18  }
0x17: {  	s23 =	sadd.s32 s4, s14;
	s14 =	smul.u32 $0xA000, s19;
	s10 =	sadd.s32 s0, s10  }
0x18: {  	[dreg:$0x5] =	wrdreg s10;
	s10 =	sadd.s32 s0, s24;
	s24 =	smul.u32 $0x27100, s16  }
0x19: {  	s4 =	sadd.s32 s4, s15;
	s15 =	smul.u32 $0xA000, s20;
	s16 =	sshrl.u32 s14, $0x2  }
0x1a: {  	[dreg:$0x6] =	wrdreg s10;
	s10 =	sshrl.u32 s26, $0x3;
	s4 =	sshrl.u32 s4, $0x3  }
0x1b: {  	s26 =	sshll.u32 s7, $0xB;
	s7 =	sshrl.u32 s12, $0x2;
	s10 =	sadd.s32 s0, s10  }
0x1c: {  	s6 =	sadd.s32 s24, s6;
	[dreg:$0x7] =	wrdreg s10;
	s10 =	sadd.s32 s0, s17  }
0x1d: {  	s24 =	smul.u32 $0xA000, s22;
	[dreg:$0x9] =	wrdreg s10;
	s10 =	sshrl.u32 s23, $0x3  }
0x1e: {  	s19 =	sadd.s32 s7, s2;
	s23 =	smul.u32 $0xA000, s21;
	s10 =	sadd.s32 s0, s10  }
0x1f: {  	s21 =	sadd.s32 s16, s2;
	s0 =	sadd.s32 s0, s4;
	[dreg:$0xa] =	wrdreg s10  }
0x20: {  	s4 =	sadd.s32 s26, s1;
	[dreg:$0xb] =	wrdreg s0;
	s0 =	sadd.s32 s1, s25  }
0x21: {  	s10 =	sshrl.u32 s29, $0x2;
	s25 =	sshrl.u32 s15, $0x2;
	s26 =	sshrl.u32 s23, $0x2  }
0x22: {  	s29 =	sshrl.u32 s24, $0x2;
	[dreg:$0xc] =	wrdreg s0;
	s0 =	sadd.s32 $0x10010, s4  }
0x23: {  	s17 =	sadd.s32 s10, s2;
	s4 =	sshrl.u32 s9, $0x2;
	s22 =	sadd.s32 s25, s2  }
0x24: {  	s23 =	sadd.s32 s26, s2;
	s24 =	sadd.s32 s29, s2;
	s25 =	sadd.s32 $0x4E5400, s6  }
0x25: {  	s26 =	simm.s32 $0x100;
	[dreg:$0xd] =	wrdreg s0;
	s0 =	sshrl.u32 s13, $0x2  }
0x26: {  	v0 =	vimm.f32 $0.0e+00;
	s18 =	sadd.s32 s4, s2;
	s20 =	sadd.s32 s0, s2;
	s0 =	simm.s32 $0x0  }
.LBB2_1:
0x27: {  	s4 =	simm.s32 $0x70;
	s6 =	simm.s32 $0x3C0  }
.LBB2_2:
0x28: {  	p2 =	sne.s32 s6, $0x9FC0;
	[tilespmem:s4+$0x100] =	vst v0  }
0x29: {  	[tilespmem:s4+$0x90] =	vst v0  }
0x2a: {  	[tilespmem:s4+$0xA0] =	vst v0  }
.Ltmp0:
0x2b: {  	[tilespmem:s4+$0xB0] =	vst v0;
	(pc) =	sbr.rel @p2 .LBB2_2-.Ltmp0, $4  }
0x2c: {  	[tilespmem:s4+$0xC0] =	vst v0  }
0x2d: {  	[tilespmem:s4+$0xD0] =	vst v0  }
0x2e: {  	[tilespmem:s4+$0xE0] =	vst v0  }
0x2f: {  	[tilespmem:s4+$0xF0] =	vst v0;
	s4 =	sshra.s32 s6, $0x2;
	s6 =	sadd.s32 $0x200, s6  }
0x30: {  	[tilespmem:s4+$0x100] =	vst v0  }
0x31: {  	[tilespmem:s4+$0x90] =	vst v0  }
0x32: {  	[tilespmem:s4+$0xA0] =	vst v0  }
0x33: {  	[tilespmem:s4+$0xB0] =	vst v0  }
0x34: {  	[tilespmem:s4+$0xC0] =	vst v0  }
0x35: {  	[tilespmem:s4+$0xD0] =	vst v0  }
0x36: {  	[tilespmem:s4+$0xE0] =	vst v0  }
0x37: {  	[tilespmem:s4+$0xF0] =	vst v0  }
0x38: {  	[spmem:s17] =	stream.linear.scatter [tilespmem:s26], [sflag:$0x7], $0x2800, $0x38;
	[tilespmem:$0x18C00] =	vst v63  }
0x39: {  	_ =	swait.ge [sflag:s28], $0x2800  }
0x3a: {  	[sflag:s28] =	ssyncset.done $0x0  }
0x3b: {  	[sflag:s28] =	ssyncadd.s32 $0xFFFFD800  }
0x3c: {  	[spmem:s18] =	stream.linear.scatter [tilespmem:s26], [sflag:$0x7], $0x2800, $0x38;
	[tilespmem:$0x18C00] =	vst v63  }
0x3d: {  	_ =	swait.ge [sflag:s28], $0x2800  }
0x3e: {  	[sflag:s28] =	ssyncset.done $0x0  }
0x3f: {  	[sflag:s28] =	ssyncadd.s32 $0xFFFFD800  }
0x40: {  	[spmem:s19] =	stream.linear.scatter [tilespmem:s26], [sflag:$0x7], $0x2800, $0x38;
	[tilespmem:$0x18C00] =	vst v63  }
0x41: {  	_ =	swait.ge [sflag:s28], $0x2800  }
0x42: {  	[sflag:s28] =	ssyncset.done $0x0  }
0x43: {  	[sflag:s28] =	ssyncadd.s32 $0xFFFFD800  }
0x44: {  	[spmem:s20] =	stream.linear.scatter [tilespmem:s26], [sflag:$0x7], $0x2800, $0x38;
	[tilespmem:$0x18C00] =	vst v63  }
0x45: {  	_ =	swait.ge [sflag:s28], $0x2800  }
0x46: {  	[sflag:s28] =	ssyncset.done $0x0  }
0x47: {  	[sflag:s28] =	ssyncadd.s32 $0xFFFFD800  }
0x48: {  	[spmem:s21] =	stream.linear.scatter [tilespmem:s26], [sflag:$0x7], $0x2800, $0x38;
	[tilespmem:$0x18C00] =	vst v63  }
0x49: {  	_ =	swait.ge [sflag:s28], $0x2800  }
0x4a: {  	[sflag:s28] =	ssyncset.done $0x0  }
0x4b: {  	[sflag:s28] =	ssyncadd.s32 $0xFFFFD800  }
0x4c: {  	[spmem:s22] =	stream.linear.scatter [tilespmem:s26], [sflag:$0x7], $0x2800, $0x38;
	[tilespmem:$0x18C00] =	vst v63  }
0x4d: {  	_ =	swait.ge [sflag:s28], $0x2800  }
0x4e: {  	[sflag:s28] =	ssyncset.done $0x0  }
0x4f: {  	[sflag:s28] =	ssyncadd.s32 $0xFFFFD800  }
0x50: {  	[spmem:s23] =	stream.linear.scatter [tilespmem:s26], [sflag:$0x7], $0x2800, $0x38;
	[tilespmem:$0x18C00] =	vst v63  }
0x51: {  	_ =	swait.ge [sflag:s28], $0x2800  }
0x52: {  	[sflag:s28] =	ssyncset.done $0x0  }
0x53: {  	s4 =	simm.s32 @!p0 $0x100;
	[sflag:s28] =	ssyncadd.s32 $0xFFFFD800  }
0x54: {  	[spmem:s24] =	stream.linear.scatter @!p0 [tilespmem:s4], [sflag:$0x7], $0x2800, $0x38;
	[tilespmem:$0x18C00] =	vst v63  }
0x55: {  	s4 =	simm.s32 @!p0 $0x7  }
0x56: {  	_ =	swait.ge @!p0 [sflag:s4], $0x2800  }
0x57: {  	[sflag:s4] =	ssyncset.done @!p0 $0x0  }
0x58: {  	[sflag:s4] =	ssyncadd.s32 @!p0 $0xFFFFD800  }
0x59: {  	[bflag:$0x0] =	sbarrier.arrive $0xFFFF  }
0x5a: {  	s29 =	simm.s32 $0x0;
	s15 =	rddreg [dreg:$0xc]  }
0x5b: {  	[tilespmem:s29], [sflag:$0x1] =	stream.linear.gather [hbm4b:s15+s29], $0x80, $0x38;
	[tilespmem:$0x18C00] =	vst v63  }
0x5c: {  	s6 =	simm.s32 $0x80;
	s16 =	rddreg [dreg:$0xd]  }
0x5d: {  	[tilespmem:s6], [sflag:$0x2] =	stream.linear.gather [hbm4b:s16+s29], $0x80, $0x38;
	[tilespmem:$0x18C00] =	vst v63  }
0x5e: {  	_ =	swait.ge [sflag:s30], $0x80  }
0x5f: {  	p2 =	por $0x0, $0x0;
	[sflag:s30] =	ssyncset.done $0x0  }
0x60: {  	s4 =	simm.s32 @p2 $0x3;
	[sflag:s30] =	ssyncadd.s32 $0xFFFFFF80  }
0x61: {  	[tilespmem:s26], [sflag:$0x3] =	stream.linear.gather [hbm4b:s25+s3], $0x2800, $0x38;
	[tilespmem:$0x18C00] =	vst v63  }
0x62: {  	_ =	swait.ge @p2 [sflag:s4], $0x2800  }
0x63: {  	s7 =	simm.s32 @p2 $0x50;
	s8 =	simm.s32 @!p2 $0x2;
	[sflag:s4] =	ssyncset.done @p2 $0x0  }
0x64: {  	s6 =	simm.s32 @p2 $0x0;
	[sflag:s4] =	ssyncadd.s32 @p2 $0xFFFFD800;
	s4 =	simm.s32 @p2 $0x100  }
0x65: {  	[spmem:s2] =	stream.indirect.scatter.add.f32 @p2 [tilespmem:s4], [sflag:$0x5], $0x80, s6, s7, $0xb8;
	[tilespmem:$0x18C00] =	vst v63  }
0x66: {  	_ =	swait.ge @!p2 [sflag:s8], $0x80  }
0x67: {  	s4 =	sadd.s32 @!p2 $0x500, s25;
	s6 =	simm.s32 @!p2 $0x0;
	[sflag:s8] =	ssyncset.done @!p2 $0x0  }
0x68: {  	s7 =	simm.s32 @!p2 $0x3;
	[sflag:s8] =	ssyncadd.s32 @!p2 $0xFFFFFF80;
	s8 =	simm.s32 @!p2 $0x2900  }
0x69: {  	[tilespmem:s8], [sflag:$0x4] =	stream.linear.gather @!p2 [hbm4b:s4+s6], $0x2800, $0x38;
	[tilespmem:$0x18C00] =	vst v63  }
0x6a: {  	s9 =	simm.s32 $0x180;
	_ =	swait.ge @!p2 [sflag:s7], $0x2800  }
0x6b: {  	p3 =	por @!p2 $0x0, $0x0;
	s10 =	simm.s32 @!p2 $0x50;
	[sflag:s7] =	ssyncset.done @!p2 $0x0  }
0x6c: {  	p3 =	por p3, p2;
	s4 =	simm.s32 @!p2 $0x100;
	[sflag:s7] =	ssyncadd.s32 @!p2 $0xFFFFD800  }
0x6d: {  	[spmem:s2] =	stream.indirect.scatter.add.f32 @!p2 [tilespmem:s4], [sflag:$0x5], $0x80, s6, s10, $0xb8;
	[tilespmem:$0x18C00] =	vst v63  }
0x6e: {  	s7 =	simm.s32 @!p2 $0x4;
	s6 =	sand.u32 @!p3 $0x380, s9;
	s9 =	sand.u32 @!p3 $0x7C00, s9  }
0x6f: {  	p4 =	por $0x0, $0x0;
	_ =	swait.ge @!p2 [sflag:s7], $0x2800;
	s9 =	sadd.s32 @!p3 s5, s9  }
0x70: {  	s11 =	simm.s32 @!p4 $0x100;
	[sflag:s7] =	ssyncset.done @!p2 $0x0;
	s6 =	sor.u32 @!p3 s6, s9  }
0x71: {  	s9 =	sand.u32 @!p4 $0x7C00, s11;
	s11 =	sand.u32 @!p4 $0x300, s11;
	[sflag:s7] =	ssyncadd.s32 @!p2 $0xFFFFD800  }
0x72: {  	s7 =	simm.s32 @!p2 $0x80;
	s9 =	sadd.s32 @!p4 s5, s9;
	s6 =	sshrl.u32 @!p3 s6, $0x3  }
0x73: {  	[spmem:s2] =	stream.indirect.scatter.add.f32 @!p2 [tilespmem:s8], [sflag:$0x6], $0x80, s7, s10, $0xb8;
	[tilespmem:$0x18C00] =	vst v63  }
0x74: {  	s4 =	simm.s32 $0x280;
	s7 =	sor.u32 @!p4 s11, s9;
	s8 =	sadd.s32 @!p3 s1, s6  }
0x75: {  	s9 =	simm.s32 @!p3 $0x0;
	s10 =	simm.s32 @!p3 $0x80;
	_ =	swait.ge [sflag:s31], $0x2800  }
0x76: {  	s11 =	simm.s32 @!p2 $0x6;
	s6 =	sshrl.u32 @!p4 s7, $0x3;
	[sflag:s31] =	ssyncset.done $0x0  }
0x77: {  	s7 =	simm.s32 @!p4 $0x0;
	s6 =	sadd.s32 @!p4 s1, s6;
	[sflag:s31] =	ssyncadd.s32 $0xFFFFD800  }
0x78: {  	[tilespmem:s7], [sflag:$0x1] =	stream.linear.gather @!p4 [hbm4b:s6+s7], $0x80, $0x38;
	[tilespmem:$0x18C00] =	vst v63  }
0x79: {  	s6 =	sadd.s32 $0xA00, s25;
	s7 =	simm.s32 $0x3;
	_ =	swait.ge @!p2 [sflag:s11], $0x2800  }
.LBB2_4:
0x7a: {  	[sflag:s11] =	ssyncset.done @!p2 $0x0  }
0x7b: {  	s29 =	sadd.s32 $0x1, s29;
	s12 =	smov.u32 s4;
	s4 =	sadd.s32 $0x100, s4  }
0x7c: {  	p4 =	sne.s32 s4, $0x4080;
	[sflag:s11] =	ssyncadd.s32 @!p2 $0xFFFFD800  }
0x7d: {  	[tilespmem:s10], [sflag:$0x2] =	stream.linear.gather @!p3 [hbm4b:s8+s9], $0x80, $0x38;
	[tilespmem:$0x18C00] =	vst v63  }
0x7e: {  	p2 =	sgt.u32 s7, $0x7C;
	_ =	swait.ge [sflag:s30], $0x80  }
0x7f: {  	s8 =	simm.s32 @p2 $0x3;
	p3 =	sgt.u32 @!p2 s29, $0x3C;
	[sflag:s30] =	ssyncset.done $0x0  }
0x80: {  	s9 =	simm.s32 @p2 $0x0;
	p3 =	por p3, p2;
	[sflag:s30] =	ssyncadd.s32 $0xFFFFFF80  }
0x81: {  	[tilespmem:s26], [sflag:$0x3] =	stream.linear.gather [hbm4b:s6+s3], $0x2800, $0x38;
	[tilespmem:$0x18C00] =	vst v63  }
0x82: {  	s10 =	simm.s32 @p2 $0x50;
	s11 =	sand.u32 @!p3 $0x380, s12;
	_ =	swait.ge @p2 [sflag:s8], $0x2800  }
0x83: {  	s13 =	simm.s32 @!p2 $0x2;
	s14 =	sand.u32 @!p3 $0x7C00, s12;
	[sflag:s8] =	ssyncset.done @p2 $0x0  }
0x84: {  	s14 =	sadd.s32 @!p3 s5, s14;
	[sflag:s8] =	ssyncadd.s32 @p2 $0xFFFFD800;
	s8 =	simm.s32 @p2 $0x100  }
0x85: {  	[spmem:s2] =	stream.indirect.scatter.add.f32 @p2 [tilespmem:s8], [sflag:$0x5], $0x80, s9, s10, $0xb8;
	[tilespmem:$0x18C00] =	vst v63  }
0x86: {  	s8 =	sadd.s32 @!p2 $0x500, s6;
	s9 =	simm.s32 @!p2 $0x0;
	_ =	swait.ge @!p2 [sflag:s13], $0x80  }
0x87: {  	s11 =	sor.u32 @!p3 s11, s14;
	s10 =	simm.s32 @!p2 $0x3;
	[sflag:s13] =	ssyncset.done @!p2 $0x0  }
0x88: {  	s11 =	sshrl.u32 @!p3 s11, $0x3;
	[sflag:s13] =	ssyncadd.s32 @!p2 $0xFFFFFF80;
	s13 =	simm.s32 @!p2 $0x2900  }
0x89: {  	[tilespmem:s13], [sflag:$0x4] =	stream.linear.gather @!p2 [hbm4b:s8+s9], $0x2800, $0x38;
	[tilespmem:$0x18C00] =	vst v63  }
0x8a: {  	s15 =	simm.s32 @!p2 $0x100;
	s14 =	simm.s32 @!p2 $0x50;
	_ =	swait.ge @!p2 [sflag:s10], $0x2800  }
0x8b: {  	p5 =	seq.s32 s12, $0x3F80;
	s16 =	simm.s32 @!p2 $0x4;
	[sflag:s10] =	ssyncset.done @!p2 $0x0  }
0x8c: {  	s8 =	sadd.s32 @!p3 s1, s11;
	[sflag:s10] =	ssyncadd.s32 @!p2 $0xFFFFD800;
	s10 =	sadd.s32 @!p5 $0xFFFFFF80, s12  }
0x8d: {  	[spmem:s2] =	stream.indirect.scatter.add.f32 @!p2 [tilespmem:s15], [sflag:$0x5], $0x80, s9, s14, $0xb8;
	[tilespmem:$0x18C00] =	vst v63  }
0x8e: {  	s11 =	simm.s32 @!p2 $0x80;
	s9 =	sand.u32 @!p5 $0x7C00, s10;
	_ =	swait.ge @!p2 [sflag:s16], $0x2800  }
0x8f: {  	s10 =	sand.u32 @!p5 $0x300, s10;
	s9 =	sadd.s32 @!p5 s5, s9;
	[sflag:s16] =	ssyncset.done @!p2 $0x0  }
0x90: {  	s10 =	sor.u32 @!p5 s10, s9;
	s9 =	simm.s32 @!p3 $0x0;
	[sflag:s16] =	ssyncadd.s32 @!p2 $0xFFFFD800  }
0x91: {  	[spmem:s2] =	stream.indirect.scatter.add.f32 @!p2 [tilespmem:s13], [sflag:$0x6], $0x80, s11, s14, $0xb8;
	[tilespmem:$0x18C00] =	vst v63  }
.Ltmp1:
0x92: {  	s10 =	sshrl.u32 @!p5 s10, $0x3;
	_ =	swait.ge [sflag:s31], $0x2800;
	(pc) =	sbr.rel @p4 .LBB2_4-.Ltmp1, $4  }
0x93: {  	s12 =	sadd.s32 @!p5 s1, s10;
	s10 =	simm.s32 @!p3 $0x80;
	[sflag:s31] =	ssyncset.done $0x0  }
0x94: {  	s13 =	simm.s32 @!p5 $0x0;
	s11 =	simm.s32 @!p2 $0x6;
	[sflag:s31] =	ssyncadd.s32 $0xFFFFD800  }
0x95: {  	[tilespmem:s13], [sflag:$0x1] =	stream.linear.gather @!p5 [hbm4b:s12+s13], $0x80, $0x38;
	[tilespmem:$0x18C00] =	vst v63  }
0x96: {  	s7 =	sadd.s32 $0x2, s7;
	s6 =	sadd.s32 $0xA00, s6;
	_ =	swait.ge @!p2 [sflag:s11], $0x2800  }
0x97: {  	[sflag:s11] =	ssyncset.done @!p2 $0x0  }
0x98: {  	s4 =	stileid.u32;
	[sflag:s11] =	ssyncadd.s32 @!p2 $0xFFFFD800  }
0x99: {  	[tilespmem:s10], [sflag:$0x2] =	stream.linear.gather @!p3 [hbm4b:s8+s9], $0x80, $0x38;
	[tilespmem:$0x18C00] =	vst v63  }
0x9a: {  	s4 =	sshll.u32 s4, $0x6;
	[bflag:$0x0] =	sbarrier.arrive $0xFFFF  }
0x9b: {  	s6 =	sshrl.u32 s17, $0x3;
	s4 =	sor.u32 $0x1C07, s4;
	s7 =	rddreg [dreg:$0x4]  }
0x9c: {  	[hbm:s7], [sflag:s4] =	dma.local [spmem:s6], $0x500  }
0x9d: {  	_ =	swait.ge [sflag:s28], $0x500  }
0x9e: {  	[sflag:s28] =	ssyncset.done $0x0  }
0x9f: {  	s16 =	sshrl.u32 s18, $0x3;
	s29 =	rddreg [dreg:$0x5];
	[sflag:s28] =	ssyncadd.s32 $0xFFFFFB00  }
0xa0: {  	[hbm:s29], [sflag:s4] =	dma.local [spmem:s16], $0x500  }
0xa1: {  	_ =	swait.ge [sflag:s28], $0x500  }
0xa2: {  	[sflag:s28] =	ssyncset.done $0x0  }
0xa3: {  	s7 =	sshrl.u32 s19, $0x3;
	s8 =	rddreg [dreg:$0x6];
	[sflag:s28] =	ssyncadd.s32 $0xFFFFFB00  }
0xa4: {  	[hbm:s8], [sflag:s4] =	dma.local [spmem:s7], $0x500  }
0xa5: {  	_ =	swait.ge [sflag:s28], $0x500  }
0xa6: {  	[sflag:s28] =	ssyncset.done $0x0  }
0xa7: {  	s9 =	sshrl.u32 s20, $0x3;
	s10 =	rddreg [dreg:$0x7];
	[sflag:s28] =	ssyncadd.s32 $0xFFFFFB00  }
0xa8: {  	[hbm:s10], [sflag:s4] =	dma.local [spmem:s9], $0x500  }
0xa9: {  	_ =	swait.ge [sflag:s28], $0x500  }
0xaa: {  	[sflag:s28] =	ssyncset.done $0x0  }
0xab: {  	s11 =	sshrl.u32 s21, $0x3;
	s12 =	rddreg [dreg:$0x8];
	[sflag:s28] =	ssyncadd.s32 $0xFFFFFB00  }
0xac: {  	[hbm:s12], [sflag:s4] =	dma.local [spmem:s11], $0x500  }
0xad: {  	_ =	swait.ge [sflag:s28], $0x500  }
0xae: {  	[sflag:s28] =	ssyncset.done $0x0  }
0xaf: {  	s13 =	sshrl.u32 s22, $0x3;
	s14 =	rddreg [dreg:$0x9];
	[sflag:s28] =	ssyncadd.s32 $0xFFFFFB00  }
0xb0: {  	[hbm:s14], [sflag:s4] =	dma.local [spmem:s13], $0x500  }
0xb1: {  	_ =	swait.ge [sflag:s28], $0x500  }
0xb2: {  	[sflag:s28] =	ssyncset.done $0x0  }
0xb3: {  	s15 =	sshrl.u32 s23, $0x3;
	s16 =	rddreg [dreg:$0xa];
	[sflag:s28] =	ssyncadd.s32 $0xFFFFFB00  }
0xb4: {  	[hbm:s16], [sflag:s4] =	dma.local [spmem:s15], $0x500  }
0xb5: {  	_ =	swait.ge [sflag:s28], $0x500  }
0xb6: {  	[sflag:s28] =	ssyncset.done $0x0  }
0xb7: {  	s6 =	sshrl.u32 @!p1 s24, $0x3;
	s7 =	rddreg [dreg:$0xb];
	[sflag:s28] =	ssyncadd.s32 $0xFFFFFB00  }
0xb8: {  	[hbm:s7], [sflag:s4] =	dma.local @!p1 [spmem:s6], $0x500  }
0xb9: {  	s4 =	simm.s32 @!p1 $0x7  }
0xba: {  	_ =	swait.ge @!p1 [sflag:s4], $0x500  }
0xbb: {  	s0 =	sadd.s32 $0x1, s0;
	s29 =	rddreg [dreg:$0xe]  }
0xbc: {  	p2 =	sne.s32 s0, s29  }
.Ltmp2:
0xbd: {  	_ = 	snop;
	(pc) =	sbr.rel @p2 .LBB2_1-.Ltmp2, $3  }
0xbe: {  	_ =	sdelay $0x1  }
0xbf: {  	[sflag:s4] =	ssyncset.done @!p1 $0x0  }
0xc0: {  	[sflag:s4] =	ssyncadd.s32 @!p1 $0xFFFFFB00  }
0xc1: {  	_ =	sfence.sel $0x180000  }
0xc2: {  	[bflag:$0x0] =	sbarrier.arrive $0xFFFF  }
0xc3: {  	_ =	strace $0x90000047  }
0xc4: {  	s0 =	stileid.u32;
	[bflag:$0x2] =	sbarrier.arrive $0xFFFF  }
0xc5: {  	p0 =	sne.s32 s0, $0x0;
	s0 =	rddreg [dreg:$0x3]  }
0xc6: {  	s0 =	sadd.s32 @!p0 $0x100000, s0  }
0xc7: {  	[sflag:s0] =	ssyncadd.tile.s32 @!p0 $0x1;
	_ =	shalt  }
.Lfunc_end2:
_tile_overlayer_lowered:
.L_overlay_start_2:
0xc8: {  	(tag) =	ssettag $0x2  }
0xc9: {  	s0 =	rddreg [dreg:$0x0];
	s2 =	stileid.u32  }
0xca: {  	s1 =	rddreg [dreg:$0x1];
	p0 =	sne.s32 s2, $0x0  }
0xcb: {  	s3 =	rddreg [dreg:$0x2];
	[bflag:$0x3] =	sbarrier.arrive $0xFFFF;
	s2 =	simm.s32 @!p0 $0x1C07  }
0xcc: {  	[timem:s3], [sflag:s2] =	dma.local @!p0 [hbm:s0], s1  }
0xcd: {  	s0 =	simm.s32 @!p0 $0x7  }
0xce: {  	_ =	swait.ge @!p0 [sflag:s0], s1  }
0xcf: {  	s1 =	ssub.s32 @!p0 $0x0, s1;
	[sflag:s0] =	ssyncset.done @!p0 $0x0  }
0xd0: {  	[sflag:s0] =	ssyncadd.s32 @!p0 s1  }
0xd1: {  	[bflag:$0x3] =	sbarrier.arrive $0xFFFF  }
0xd2: {  	_ =	shalt  }

// kernel: kernel.13.cloned.1.call-start
scs
__scs_entry_jumppad:
0x0: {  	(pc) =	sbr.rel $0x88, $3  }
0x1: {  	(tag) =	ssettag $0x0;
	lr =	simm.s32 $0x1  }
0x2: {  	[smem:$0x3F96] =	sst lr;
	_ =	strace $0xD0000000  }
0x3: {  	_ = 	snop  }
0x4: {  	_ = 	snop  }
0x5: {  	_ = 	snop  }
0x6: {  	_ = 	snop  }
0x7: {  	_ = 	snop  }
__scs_overlays_trampoline_lowered:
0x8: {  	[smem:$0x3FA5] =	sst s0  }
0x9: {  	[smem:$0x3FA6] =	sst s1  }
0xa: {  	[smem:$0x3FA7] =	sst s2  }
0xb: {  	[smem:$0x3FA8] =	sst s3  }
0xc: {  	[smem:$0x3FA9] =	sst s4  }
0xd: {  	[smem:$0x3FAA] =	sst s5  }
0xe: {  	[smem:$0x3FAB] =	sst s6  }
0xf: {  	[smem:$0x3FAC] =	sst s7  }
0x10: {  	[smem:$0x3FAD] =	sst s8  }
0x11: {  	[smem:$0x3FAE] =	sst s9;
	s0 =	simm.s32 @!p0 $0x0  }
0x12: {  	s1 =	sld [smem:$0x3F94];
	s0 =	simm.s32 @p0 $0x1  }
0x13: {  	[smem:$0x3FAF] =	sst s0;
	s0 =	simm.s32 @!p1 $0x0  }
0x14: {  	s2 =	sld [smem:$0x3F93];
	s0 =	simm.s32 @p1 $0x1  }
0x15: {  	[smem:$0x3FB0] =	sst s0;
	s0 =	simm.s32 @!p2 $0x0  }
0x16: {  	s3 =	sld [smem:$0x3FDB];
	s0 =	simm.s32 @p2 $0x1  }
0x17: {  	s4 =	simm.s32 $0x1BF5;
	[smem:$0x3FB2] =	sst s0  }
0x18: {  	s0 =	sld [smem:$0x3F95];
	_ =	swait.ge [sflag:s4], $0x0  }
0x19: {  	s7 =	sld [smem:$0x3F96]  }
0x1a: {  	s8 =	sadd.s32 $0xFFFFE003, lr  }
0x1b: {  	s9 =	sadd.s32 $0xFFFFFEF7, lr;
	s5 =	simm.s32 $0xFFFFFFFF;
	p2 =	slt.u32 s8, $0xFFFFF086  }
0x1c: {  	p1 =	slt.u32 s9, $0xF7A;
	s5 =	simm.s32 @!p2 $0x0  }
0x1d: {  	s5 =	simm.s32 @p1 $0x1;
	p0 =	seq.s32 s7, s2  }
0x1e: {  	s7 =	smul.u32 @!p0 $0xF7A, s2;
	p2 =	seq.s32 @!p0 s5, $0x0  }
0x1f: {  	s9 =	smul.u32 $0xF7A, s1;
	s8 =	simm.s32 @!p0 $0x1BF5;
	p2 =	por !p2, p0  }
0x20: {  	[sflag:s8] =	ssyncset.s32 @!p0 $0xFFFFF086;
	s6 =	sadd.s32 @!p0 s3, s7;
	s7 =	simm.s32 @!p0 $0x108  }
0x21: {  	s3 =	sadd.s32 s3, s9;
	s6 =	sadd.s32 @!p0 $0x88, s6;
	s7 =	simm.s32 @p2 $0x1082  }
0x22: {  	[simem:s7], [sflag:s8] =	dma.local @!p0 [hbm:s6], $0xF7A  }
0x23: {  	s9 =	sor.u32 $0xD0000000, s2;
	s6 =	simm.s32 $0x108;
	_ =	swait.ge @!p0 [sflag:s8], $0x0  }
0x24: {  	s3 =	sadd.s32 $0x88, s3;
	s6 =	simm.s32 @!p1 $0x1082;
	[sflag:s4] =	ssyncset.s32 $0xFFFFF086  }
0x25: {  	[simem:s6], [sflag:s4] =	dma.local [hbm:s3], $0xF7A  }
0x26: {  	[smem:$0x3F96] =	sst s1;
	(tag) =	ssettag s2;
	_ =	strace s9  }
0x27: {  	s1 =	sld [smem:$0x3FA6]  }
0x28: {  	s2 =	sld [smem:$0x3FA7]  }
0x29: {  	s4 =	sld [smem:$0x3FA9]  }
0x2a: {  	p0 =	seq.s32 s5, $0x0;
	s5 =	sld [smem:$0x3FAA]  }
0x2b: {  	s6 =	sld [smem:$0x3FAB]  }
0x2c: {  	s7 =	sld [smem:$0x3FAC]  }
0x2d: {  	s3 =	simm.s32 $0x108;
	s8 =	sld [smem:$0x3FAD]  }
0x2e: {  	s3 =	simm.s32 @!p0 $0x1082;
	s9 =	sld [smem:$0x3FAE]  }
0x2f: {  	lr =	sadd.s32 s0, s3;
	s0 =	sld [smem:$0x3FA5]  }
0x30: {  	s3 =	sld [smem:$0x3FA8]  }
0x31: {  	[smem:$0x3FB1] =	sst s10  }
0x32: {  	s10 =	sld [smem:$0x3FAF];
	_ =	sdelay $0x3  }
0x33: {  	p0 =	seq.s32 s10, $0x1;
	s10 =	sld [smem:$0x3FB1];
	_ =	sdelay $0x3  }
0x34: {  	[smem:$0x3FB1] =	sst s10  }
0x35: {  	s10 =	sld [smem:$0x3FB0];
	_ =	sdelay $0x3  }
0x36: {  	p1 =	seq.s32 s10, $0x1;
	s10 =	sld [smem:$0x3FB1];
	_ =	sdelay $0x3  }
0x37: {  	[smem:$0x3FB1] =	sst s10  }
0x38: {  	s10 =	sld [smem:$0x3FB2]  }
0x39: {  	_ = 	snop;
	(pc) =	sbr.ind lr, $3  }
0x3a: {  	_ = 	snop  }
0x3b: {  	_ = 	snop  }
0x3c: {  	p2 =	seq.s32 s10, $0x1;
	s10 =	sld [smem:$0x3FB1]  }
0x3d: {  	_ =	shalt  }
0x3e: {  	_ =	shalt  }
0x3f: {  	_ =	shalt  }
0x40: {  	_ =	shalt  }
0x41: {  	_ =	shalt  }
0x42: {  	_ =	shalt  }
0x43: {  	_ =	shalt  }
0x44: {  	_ =	shalt  }
0x45: {  	_ =	shalt  }
0x46: {  	_ =	shalt  }
0x47: {  	_ =	shalt  }
0x48: {  	_ =	shalt  }
0x49: {  	_ =	shalt  }
0x4a: {  	_ =	shalt  }
0x4b: {  	_ =	shalt  }
0x4c: {  	_ =	shalt  }
0x4d: {  	_ =	shalt  }
0x4e: {  	_ =	shalt  }
0x4f: {  	_ =	shalt  }
0x50: {  	_ =	shalt  }
0x51: {  	_ =	shalt  }
0x52: {  	_ =	shalt  }
0x53: {  	_ =	shalt  }
0x54: {  	_ =	shalt  }
0x55: {  	_ =	shalt  }
0x56: {  	_ =	shalt  }
0x57: {  	_ =	shalt  }
0x58: {  	_ =	shalt  }
0x59: {  	_ =	shalt  }
0x5a: {  	_ =	shalt  }
0x5b: {  	_ =	shalt  }
0x5c: {  	_ =	shalt  }
0x5d: {  	_ =	shalt  }
0x5e: {  	_ =	shalt  }
0x5f: {  	_ =	shalt  }
0x60: {  	_ =	shalt  }
0x61: {  	_ =	shalt  }
0x62: {  	_ =	shalt  }
0x63: {  	_ =	shalt  }
0x64: {  	_ =	shalt  }
0x65: {  	_ =	shalt  }
0x66: {  	_ =	shalt  }
0x67: {  	_ =	shalt  }
0x68: {  	_ =	shalt  }
0x69: {  	_ =	shalt  }
0x6a: {  	_ =	shalt  }
0x6b: {  	_ =	shalt  }
0x6c: {  	_ =	shalt  }
0x6d: {  	_ =	shalt  }
0x6e: {  	_ =	shalt  }
0x6f: {  	_ =	shalt  }
0x70: {  	_ =	shalt  }
0x71: {  	_ =	shalt  }
0x72: {  	_ =	shalt  }
0x73: {  	_ =	shalt  }
0x74: {  	_ =	shalt  }
0x75: {  	_ =	shalt  }
0x76: {  	_ =	shalt  }
0x77: {  	_ =	shalt  }
0x78: {  	_ =	shalt  }
0x79: {  	_ =	shalt  }
0x7a: {  	_ =	shalt  }
0x7b: {  	_ =	shalt  }
0x7c: {  	_ =	shalt  }
0x7d: {  	_ =	shalt  }
0x7e: {  	_ =	shalt  }
0x7f: {  	_ =	shalt  }
0x80: {  	_ =	shalt  }
0x81: {  	_ =	shalt  }
0x82: {  	_ =	shalt  }
0x83: {  	_ =	shalt  }
0x84: {  	_ =	shalt  }
0x85: {  	_ =	shalt  }
0x86: {  	_ =	shalt  }
0x87: {  	_ =	shalt  }
.Lfunc_end0:
.L_simem_size_0:
called_computation.2_lowered:
.L_overlay_start_0:
0x88: {  	s2 =	sld [smem:$0x3FD9]  }
0x89: {  	s3 =	sld [smem:$0x3FFE];
	_ =	sdelay $0x1  }
0x8a: {  	s1 =	srdreg.scid  }
0x8b: {  	s0 =	sand.u32 $0x1, s1  }
0x8c: {  	s17 =	sshll.u32 s0, $0xA;
	s2 =	sadd.s32 s3, s2  }
0x8d: {  	s2 =	sadd.s32 s2, s17  }
0x8e: {  	[smem:$0x3FBD] =	sst s2  }
0x8f: {  	_ = 	snop  }
0x90: {  	s2 =	sld [smem:$0x3FD0];
	(tm) =	ssettm $0x1  }
0x91: {  	s18 =	sld [smem:$0x3FFB];
	_ =	sdelay $0x3  }
0x92: {  	_ =	strace s18  }
0x93: {  	s3 =	sld [smem:$0x3FFC];
	_ =	sdelay $0x3  }
0x94: {  	_ =	strace s3  }
0x95: {  	s3 =	sld [smem:$0x3FFD];
	_ =	sdelay $0x3  }
0x96: {  	_ =	strace s3  }
0x97: {  	_ =	strace $0x8FFFFFFF  }
0x98: {  	s19 =	sld [smem:$0x3FDB];
	_ =	sdelay $0x1  }
0x99: {  	s4 =	simm.s32 $_scs_section_size  }
0x9a: {  	s5 =	simm.s32 $_size__tile_overlayer_lowered;
	s6 =	simm.s32 $_tile_overlayer_lowered  }
0x9b: {  	s22 =	simm.s32 $0x1BFF;
	s21 =	sshll.u32 s6, $0x1;
	s3 =	sadd.s32 s4, s19  }
0x9c: {  	s7 =	simm.s32 $0x0;
	s20 =	sshll.u32 s5, $0x1;
	s5 =	sadd.s32 s21, s3  }
0x9d: {  	[timem:s7], [sflag:s22] =	dma.local [hbm:s5], s20  }
0x9e: {  	_ =	swait.ge [sflag:s22], s20  }
0x9f: {  	s4 =	ssub.s32 $0x0, s20;
	[sflag:s22] =	ssyncset.done $0x0  }
0xa0: {  	[sflag:s22] =	ssyncadd.s32 s4;
	_ =	sdelay $0x1  }
0xa1: {  	s23 =	simm.s32 $0x1B8B  }
0xa2: {  	_ =	swait.ge [sflag:s23], $0x1  }
0xa3: {  	[sflag:s23] =	ssyncset.done $0x0  }
0xa4: {  	s25 =	simm.s32 $0x1B8E;
	s24 =	sld [smem:$0x3FFE];
	[sflag:s23] =	ssyncadd.s32 $0xFFFFFFFF  }
0xa5: {  	s26 =	simm.s32 $execute0_lowered;
	[smem:$0x3FD2] =	sst s25  }
0xa6: {  	s5 =	sshll.u32 s26, $0x1;
	_ =	strace $0x8000004C;
	[dreg:$0x1] =	wrdreg $0xFFFFFFFF  }
0xa7: {  	s28 =	simm.s32 $_size_execute0_lowered;
	s3 =	sadd.s32 s3, s5;
	[dreg:$0x0] =	wrdreg $0x0  }
0xa8: {  	s5 =	sshll.u32 s28, $0x1;
	[dreg:$0x2] =	wrdreg s3  }
0xa9: {  	[dreg:$0x3] =	wrdreg s5  }
0xaa: {  	[dreg:$0x4] =	wrdreg $0xC0  }
0xab: {  	_ =	task [dreg:s7], $0x5FFFF  }
0xac: {  	[dreg:$0x1] =	wrdreg $0xFFFFFFFF  }
0xad: {  	[dreg:$0x0] =	wrdreg $0x60  }
0xae: {  	[dreg:$0x2] =	wrdreg s2  }
0xaf: {  	[dreg:$0x3] =	wrdreg s24  }
0xb0: {  	[dreg:$0x4] =	wrdreg $0x82000  }
0xb1: {  	[dreg:$0x5] =	wrdreg $0x9  }
0xb2: {  	_ =	task.clear_ibuf [dreg:s7], $0x6FFFF;
	_ =	strace $0x9000004C  }
0xb3: {  	s29 =	simm.s32 $0x9;
	_ =	strace $0x8000004E  }
0xb4: {  	_ =	swait.ge [sflag:s29], $0x1  }
0xb5: {  	[sflag:s29] =	ssyncadd.s32 $0xFFFFFFFF  }
0xb6: {  	_ =	strace $0x9000004E  }
0xb7: {  	_ =	sfence  }
0xb8: {  	s30 =	sld [smem:$0x0];
	_ =	sdelay $0x2  }
0xb9: {  	s31 =	sshll.u32 s1, $0xD;
	s1 =	sshrl.u32 s1, $0x2  }
0xba: {  	s3 =	sand.u32 $0x4000, s31;
	s1 =	sadd.s32 s1, s30  }
0xbb: {  	s0 =	sor.u32 s3, s0;
	s1 =	sshll.u32 s1, $0x11  }
0xbc: {  	s0 =	sor.u32 s1, s0  }
0xbd: {  	s0 =	sadd.s32 $0x8F2B, s0  }
0xbe: {  	[sflag:s0] =	ssyncadd.remote.s32 $0x1  }
0xbf: {  	_ =	sfence.sel $0xFFFF  }
0xc0: {  	[dreg:$0x0] =	wrdreg $0xFFFFFFFF;
	(pc) =	sbr.abs _section_cstart, $3  }
0xc1: {  	[dreg:$0x1] =	wrdreg $0xFFFFFFFF  }
0xc2: {  	_ =	task.clear_ibuf [dreg:s7], $0x2FFFF;
	_ =	strace $0x9FFFFFFF  }
0xc3: {  	(tm) =	ssettm $0x7FFFFFFF  }
tec
execute0_lowered:
.L_overlay_start_1:
0x0: {  	(tag) =	ssettag $0x1  }
0x1: {  	s24 =	stileid.u32  }
0x2: {  	s0 =	srdreg.scid;
	s9 =	smul.u32 $0x2800, s24  }
0x3: {  	s0 =	sand.u32 $0x1, s0;
	s26 =	smul.u32 $0xA000, s24  }
0x4: {  	s8 =	sor.u32 $0x10, s24;
	s7 =	smul.u32 $0x138800, s0  }
0x5: {  	s10 =	sor.u32 $0x20, s24;
	s11 =	smul.u32 $0x2800, s8  }
0x6: {  	s1 =	rddreg [dreg:$0x0];
	s12 =	sor.u32 $0x30, s24;
	s13 =	smul.u32 $0x2800, s10  }
0x7: {  	s2 =	rddreg [dreg:$0x1];
	s14 =	sor.u32 $0x40, s24;
	s15 =	smul.u32 $0x2800, s12  }
0x8: {  	s3 =	rddreg [dreg:$0x2];
	s17 =	sor.u32 $0x50, s24;
	s18 =	smul.u32 $0x2800, s14  }
0x9: {  	s30 =	simm.s32 $0x200;
	s22 =	sor.u32 $0x70, s24;
	s19 =	smul.u32 $0x2800, s17  }
0xa: {  	s31 =	simm.s32 $0x7;
	s6 =	sadd.s32 $0x51600, s2;
	s23 =	smul.u32 $0x2800, s22  }
0xb: {  	s2 =	sadd.s32 $0x65600, s2;
	s4 =	sshll.u32 s0, $0x4;
	s8 =	smul.u32 $0xA000, s8  }
0xc: {  	s0 =	ssub.s32 $0x2, s0;
	s14 =	smul.u32 $0xA000, s14;
	p0 =	sgt.u32 s22, $0x7D  }
0xd: {  	p1 =	sgt.u32 s22, $0x7C;
	s5 =	sor.u32 s24, s4;
	s4 =	simm.s32 $0x0  }
0xe: {  	s16 =	sshrl.u32 s0, $0x1;
	s5 =	smul.u32 $0x2800, s5;
	[smem:$0x7FF] =	sst s4  }
0xf: {  	s0 =	ssub.s32 s0, s16;
	s16 =	sor.u32 $0x60, s24;
	s9 =	sadd.s32 s7, s9  }
0x10: {  	s11 =	sadd.s32 s7, s11;
	s13 =	sadd.s32 s7, s13;
	s15 =	sadd.s32 s7, s15  }
0x11: {  	s18 =	sadd.s32 s7, s18;
	s19 =	sadd.s32 s7, s19;
	s23 =	sadd.s32 s7, s23  }
0x12: {  	_ =	strace $0x8000004D;
	s21 =	smul.u32 $0x2800, s16;
	s9 =	sshrl.u32 s9, $0x3  }
0x13: {  	s11 =	sshrl.u32 s11, $0x3;
	s19 =	sshrl.u32 s19, $0x3;
	s25 =	sshrl.u32 s23, $0x3  }
0x14: {  	s0 =	smax.u32 s0, $0x1;
	s20 =	sshrl.u32 s5, $0x3;
	s9 =	sadd.s32 s2, s9  }
0x15: {  	s29 =	sadd.s32 s2, s11;
	s11 =	sshrl.u32 s13, $0x3;
	[dreg:$0xe] =	wrdreg s0  }
0x16: {  	s13 =	sshrl.u32 s15, $0x3;
	s15 =	sshrl.u32 s18, $0x3;
	[dreg:$0x4] =	wrdreg s9  }
0x17: {  	s21 =	sadd.s32 s7, s21;
	s7 =	sadd.s32 $0x50000, s5;
	[dreg:$0x5] =	wrdreg s29  }
0x18: {  	s9 =	sadd.s32 s2, s11;
	s18 =	sadd.s32 s2, s15;
	s29 =	smul.u32 $0xA000, s10  }
0x19: {  	s11 =	sadd.s32 s6, s20;
	s10 =	smul.u32 $0xA000, s12;
	s12 =	sshrl.u32 s8, $0x2  }
0x1a: {  	s15 =	smul.u32 $0xA000, s17;
	s17 =	sshrl.u32 s14, $0x2;
	s8 =	simm.s32 $0x1  }
0x1b: {  	s14 =	simm.s32 $0x180;
	[dreg:$0x6] =	wrdreg s9;
	s9 =	sadd.s32 s2, s13  }
0x1c: {  	[dreg:$0x8] =	wrdreg s18;
	s21 =	sshrl.u32 s21, $0x3;
	s28 =	sshrl.u32 s7, $0x3  }
0x1d: {  	s20 =	sadd.s32 s12, s3;
	s18 =	smul.u32 $0xA000, s16;
	s23 =	sadd.s32 s17, s3  }
0x1e: {  	[dreg:$0xc] =	wrdreg s11;
	s12 =	simm.s32 $0x3;
	s17 =	simm.s32 $0x6  }
0x1f: {  	[dreg:$0x7] =	wrdreg s9;
	s9 =	sadd.s32 s2, s19;
	s13 =	sshrl.u32 s29, $0x2  }
0x20: {  	s0 =	sshrl.u32 s10, $0x2;
	s19 =	smul.u32 $0xA000, s22;
	s24 =	sshrl.u32 s15, $0x2  }
0x21: {  	s29 =	sadd.s32 $0xA010, s11;
	s10 =	simm.s32 $0x2;
	s15 =	simm.s32 $0x5  }
0x22: {  	[dreg:$0x9] =	wrdreg s9;
	s9 =	sadd.s32 s2, s21;
	s2 =	sadd.s32 s2, s25  }
0x23: {  	s21 =	sadd.s32 s13, s3;
	s22 =	sadd.s32 s0, s3;
	s24 =	sadd.s32 s24, s3  }
0x24: {  	s25 =	sshrl.u32 s18, $0x2;
	[dreg:$0x11] =	wrdreg s29;
	s0 =	simm.s32 $0x80  }
0x25: {  	s13 =	simm.s32 $0x4;
	s18 =	simm.s32 $0x0;
	[dreg:$0xa] =	wrdreg s9  }
.Ltmp0:
0x26: {  	[dreg:$0xb] =	wrdreg s2;
	s9 =	sadd.s32 s6, s28;
	(pc) =	sbr.rel .LBB2_1-.Ltmp0, $4  }
0x27: {  	s2 =	sshrl.u32 s26, $0x2;
	s26 =	sshrl.u32 s19, $0x2;
	s25 =	sadd.s32 s25, s3  }
0x28: {  	s28 =	sadd.s32 $0x10, s11;
	s11 =	simm.s32 $0x4200;
	[dreg:$0xd] =	wrdreg s9  }
0x29: {  	s2 =	sadd.s32 s2, s3;
	s26 =	sadd.s32 s26, s3;
	[dreg:$0x10] =	wrdreg s28  }
0x2a: {  	v0 =	vimm.f32 $0.0e+00;
	s9 =	simm.s32 $0x7D;
	[dreg:$0xf] =	wrdreg s2;
	s2 =	simm.s32 $0x100  }
.LBB2_6:
0x2b: {  	_ =	swait.ge [sflag:s17], $0x3E80  }
0x2c: {  	[sflag:s17] =	ssyncset.done $0x0  }
0x2d: {  	[sflag:s17] =	ssyncadd.s32 $0xFFFFC180  }
0x2e: {  	s16 =	stileid.u32;
	[bflag:$0x0] =	sbarrier.arrive $0xFFFF  }
0x2f: {  	s16 =	sshll.u32 s16, $0x6;
	s19 =	rddreg [dreg:$0xf]  }
0x30: {  	s16 =	sor.u32 $0x1C07, s16;
	s28 =	rddreg [dreg:$0x4];
	s19 =	sshrl.u32 s19, $0x3  }
0x31: {  	[hbm:s28], [sflag:s16] =	dma.local [spmem:s19], $0x500  }
0x32: {  	_ =	swait.ge [sflag:s31], $0x500  }
0x33: {  	[sflag:s31] =	ssyncset.done $0x0  }
0x34: {  	s19 =	sshrl.u32 s20, $0x3;
	s29 =	rddreg [dreg:$0x5];
	[sflag:s31] =	ssyncadd.s32 $0xFFFFFB00  }
0x35: {  	[hbm:s29], [sflag:s16] =	dma.local [spmem:s19], $0x500  }
0x36: {  	_ =	swait.ge [sflag:s31], $0x500  }
0x37: {  	[sflag:s31] =	ssyncset.done $0x0  }
0x38: {  	s19 =	sshrl.u32 s21, $0x3;
	s29 =	rddreg [dreg:$0x6];
	[sflag:s31] =	ssyncadd.s32 $0xFFFFFB00  }
0x39: {  	[hbm:s29], [sflag:s16] =	dma.local [spmem:s19], $0x500  }
0x3a: {  	_ =	swait.ge [sflag:s31], $0x500  }
0x3b: {  	[sflag:s31] =	ssyncset.done $0x0  }
0x3c: {  	s19 =	sshrl.u32 s22, $0x3;
	s29 =	rddreg [dreg:$0x7];
	[sflag:s31] =	ssyncadd.s32 $0xFFFFFB00  }
0x3d: {  	[hbm:s29], [sflag:s16] =	dma.local [spmem:s19], $0x500  }
0x3e: {  	_ =	swait.ge [sflag:s31], $0x500  }
0x3f: {  	[sflag:s31] =	ssyncset.done $0x0  }
0x40: {  	s19 =	sshrl.u32 s23, $0x3;
	s29 =	rddreg [dreg:$0x8];
	[sflag:s31] =	ssyncadd.s32 $0xFFFFFB00  }
0x41: {  	[hbm:s29], [sflag:s16] =	dma.local [spmem:s19], $0x500  }
0x42: {  	_ =	swait.ge [sflag:s31], $0x500  }
0x43: {  	[sflag:s31] =	ssyncset.done $0x0  }
0x44: {  	s19 =	sshrl.u32 s24, $0x3;
	s29 =	rddreg [dreg:$0x9];
	[sflag:s31] =	ssyncadd.s32 $0xFFFFFB00  }
0x45: {  	[hbm:s29], [sflag:s16] =	dma.local [spmem:s19], $0x500  }
0x46: {  	_ =	swait.ge [sflag:s31], $0x500  }
0x47: {  	[sflag:s31] =	ssyncset.done $0x0  }
0x48: {  	s19 =	sshrl.u32 s25, $0x3;
	s29 =	rddreg [dreg:$0xa];
	[sflag:s31] =	ssyncadd.s32 $0xFFFFFB00  }
0x49: {  	[hbm:s29], [sflag:s16] =	dma.local [spmem:s19], $0x500  }
0x4a: {  	_ =	swait.ge [sflag:s31], $0x500  }
0x4b: {  	[sflag:s31] =	ssyncset.done $0x0  }
0x4c: {  	s19 =	sshrl.u32 @!p1 s26, $0x3;
	s28 =	rddreg [dreg:$0xb];
	[sflag:s31] =	ssyncadd.s32 $0xFFFFFB00  }
0x4d: {  	[hbm:s28], [sflag:s16] =	dma.local @!p1 [spmem:s19], $0x500  }
0x4e: {  	s16 =	simm.s32 @!p1 $0x7  }
0x4f: {  	_ =	swait.ge @!p1 [sflag:s16], $0x500  }
0x50: {  	s18 =	sadd.s32 $0x1, s18;
	s29 =	rddreg [dreg:$0xe]  }
0x51: {  	p2 =	sne.s32 s18, s29  }
.Ltmp1:
0x52: {  	_ = 	snop;
	(pc) =	sbr.rel @!p2 .LBB2_7-.Ltmp1, $3  }
0x53: {  	_ =	sdelay $0x1  }
0x54: {  	[sflag:s16] =	ssyncset.done @!p1 $0x0  }
0x55: {  	[sflag:s16] =	ssyncadd.s32 @!p1 $0xFFFFFB00  }
.LBB2_1:
0x56: {  	s16 =	simm.s32 $0x70;
	s28 =	simm.s32 $0x3C0  }
.LBB2_2:
0x57: {  	p2 =	sne.s32 s28, $0xF9C0;
	[tilespmem:s16+$0x200] =	vst v0  }
0x58: {  	[tilespmem:s16+$0x190] =	vst v0  }
0x59: {  	[tilespmem:s16+$0x1A0] =	vst v0  }
.Ltmp2:
0x5a: {  	[tilespmem:s16+$0x1B0] =	vst v0;
	(pc) =	sbr.rel @p2 .LBB2_2-.Ltmp2, $4  }
0x5b: {  	[tilespmem:s16+$0x1C0] =	vst v0  }
0x5c: {  	[tilespmem:s16+$0x1D0] =	vst v0  }
0x5d: {  	[tilespmem:s16+$0x1E0] =	vst v0  }
0x5e: {  	[tilespmem:s16+$0x1F0] =	vst v0;
	s16 =	sshra.s32 s28, $0x2;
	s28 =	sadd.s32 $0x200, s28  }
0x5f: {  	[tilespmem:s16+$0x200] =	vst v0  }
0x60: {  	[tilespmem:s16+$0x190] =	vst v0  }
0x61: {  	[tilespmem:s16+$0x1A0] =	vst v0  }
0x62: {  	[tilespmem:s16+$0x1B0] =	vst v0  }
0x63: {  	[tilespmem:s16+$0x1C0] =	vst v0  }
0x64: {  	[tilespmem:s16+$0x1D0] =	vst v0  }
0x65: {  	[tilespmem:s16+$0x1E0] =	vst v0  }
0x66: {  	[tilespmem:s16+$0x1F0] =	vst v0;
	s29 =	rddreg [dreg:$0xf]  }
0x67: {  	[spmem:s29] =	stream.linear.scatter [tilespmem:s30], [sflag:$0x7], $0x2800, $0x38;
	[tilespmem:$0x1BD00] =	vst v63  }
0x68: {  	_ =	swait.ge [sflag:s31], $0x2800  }
0x69: {  	[sflag:s31] =	ssyncset.done $0x0  }
0x6a: {  	[sflag:s31] =	ssyncadd.s32 $0xFFFFD800  }
0x6b: {  	[spmem:s20] =	stream.linear.scatter [tilespmem:s30], [sflag:$0x7], $0x2800, $0x38;
	[tilespmem:$0x1BD00] =	vst v63  }
0x6c: {  	_ =	swait.ge [sflag:s31], $0x2800  }
0x6d: {  	[sflag:s31] =	ssyncset.done $0x0  }
0x6e: {  	[sflag:s31] =	ssyncadd.s32 $0xFFFFD800  }
0x6f: {  	[spmem:s21] =	stream.linear.scatter [tilespmem:s30], [sflag:$0x7], $0x2800, $0x38;
	[tilespmem:$0x1BD00] =	vst v63  }
0x70: {  	_ =	swait.ge [sflag:s31], $0x2800  }
0x71: {  	[sflag:s31] =	ssyncset.done $0x0  }
0x72: {  	[sflag:s31] =	ssyncadd.s32 $0xFFFFD800  }
0x73: {  	[spmem:s22] =	stream.linear.scatter [tilespmem:s30], [sflag:$0x7], $0x2800, $0x38;
	[tilespmem:$0x1BD00] =	vst v63  }
0x74: {  	_ =	swait.ge [sflag:s31], $0x2800  }
0x75: {  	[sflag:s31] =	ssyncset.done $0x0  }
0x76: {  	[sflag:s31] =	ssyncadd.s32 $0xFFFFD800  }
0x77: {  	[spmem:s23] =	stream.linear.scatter [tilespmem:s30], [sflag:$0x7], $0x2800, $0x38;
	[tilespmem:$0x1BD00] =	vst v63  }
0x78: {  	_ =	swait.ge [sflag:s31], $0x2800  }
0x79: {  	[sflag:s31] =	ssyncset.done $0x0  }
0x7a: {  	[sflag:s31] =	ssyncadd.s32 $0xFFFFD800  }
0x7b: {  	[spmem:s24] =	stream.linear.scatter [tilespmem:s30], [sflag:$0x7], $0x2800, $0x38;
	[tilespmem:$0x1BD00] =	vst v63  }
0x7c: {  	_ =	swait.ge [sflag:s31], $0x2800  }
0x7d: {  	[sflag:s31] =	ssyncset.done $0x0  }
0x7e: {  	[sflag:s31] =	ssyncadd.s32 $0xFFFFD800  }
0x7f: {  	[spmem:s25] =	stream.linear.scatter [tilespmem:s30], [sflag:$0x7], $0x2800, $0x38;
	[tilespmem:$0x1BD00] =	vst v63  }
0x80: {  	_ =	swait.ge [sflag:s31], $0x2800  }
0x81: {  	[sflag:s31] =	ssyncset.done $0x0  }
0x82: {  	s16 =	simm.s32 @!p0 $0x200;
	[sflag:s31] =	ssyncadd.s32 $0xFFFFD800  }
0x83: {  	[spmem:s26] =	stream.linear.scatter @!p0 [tilespmem:s16], [sflag:$0x7], $0x2800, $0x38;
	[tilespmem:$0x1BD00] =	vst v63  }
0x84: {  	s16 =	simm.s32 @!p0 $0x7  }
0x85: {  	_ =	swait.ge @!p0 [sflag:s16], $0x2800  }
0x86: {  	[sflag:s16] =	ssyncset.done @!p0 $0x0  }
0x87: {  	[sflag:s16] =	ssyncadd.s32 @!p0 $0xFFFFD800  }
0x88: {  	[bflag:$0x0] =	sbarrier.arrive $0xFFFF  }
0x89: {  	s19 =	rddreg [dreg:$0xc]  }
0x8a: {  	[tilespmem:s4], [sflag:$0x1] =	stream.linear.gather [hbm4b:s19+s4], $0x80, $0x38;
	[tilespmem:$0x1BD00] =	vst v63  }
0x8b: {  	s28 =	rddreg [dreg:$0xd]  }
0x8c: {  	[tilespmem:s2], [sflag:$0x1] =	stream.linear.gather [hbm4b:s28+s4], $0x80, $0x38;
	[tilespmem:$0x1BD00] =	vst v63  }
0x8d: {  	s29 =	rddreg [dreg:$0x10]  }
0x8e: {  	[tilespmem:s0], [sflag:$0x2] =	stream.linear.gather [hbm4b:s29+s4], $0x80, $0x38;
	[tilespmem:$0x1BD00] =	vst v63  }
0x8f: {  	s16 =	simm.s32 $0x180;
	s19 =	rddreg [dreg:$0x11]  }
0x90: {  	[tilespmem:s16], [sflag:$0x2] =	stream.linear.gather [hbm4b:s19+s4], $0x80, $0x38;
	[tilespmem:$0x1BD00] =	vst v63  }
.LBB2_4:
0x91: {  	_ =	swait.ge [sflag:s8], $0x80  }
0x92: {  	[sflag:s8] =	ssyncset.done $0x0  }
0x93: {  	[sflag:s8] =	ssyncadd.s32 $0xFFFFFF80  }
0x94: {  	_ =	swait.ge [sflag:s8], $0x80  }
0x95: {  	[sflag:s8] =	ssyncset.done $0x0  }
0x96: {  	[sflag:s8] =	ssyncadd.s32 $0xFFFFFF80  }
0x97: {  	[tilespmem:s30], [sflag:$0x3] =	stream.indirect.gather [hbm4b:s1+s9], $0x80, s4, s9, $0xb8;
	[tilespmem:$0x1BD00] =	vst v63  }
0x98: {  	_ =	swait.ge [sflag:s10], $0x80  }
0x99: {  	[sflag:s10] =	ssyncset.done $0x0  }
0x9a: {  	[sflag:s10] =	ssyncadd.s32 $0xFFFFFF80  }
0x9b: {  	_ =	swait.ge [sflag:s10], $0x80  }
0x9c: {  	[sflag:s10] =	ssyncset.done $0x0  }
0x9d: {  	[sflag:s10] =	ssyncadd.s32 $0xFFFFFF80  }
0x9e: {  	[tilespmem:s11], [sflag:$0x4] =	stream.indirect.gather [hbm4b:s1+s9], $0x80, s0, s9, $0xb8;
	[tilespmem:$0x1BD00] =	vst v63  }
0x9f: {  	_ =	swait.ge [sflag:s12], $0x3E80  }
0xa0: {  	[sflag:s12] =	ssyncset.done $0x0  }
0xa1: {  	[sflag:s12] =	ssyncadd.s32 $0xFFFFC180  }
0xa2: {  	[spmem:s3] =	stream.indirect.scatter.add.f32 [tilespmem:s30], [sflag:$0x5], $0x80, s2, s9, $0xb8;
	[tilespmem:$0x1BD00] =	vst v63  }
0xa3: {  	_ =	swait.ge [sflag:s13], $0x3E80  }
0xa4: {  	p2 =	seq.s32 s16, $0x2880;
	[sflag:s13] =	ssyncset.done $0x0  }
.Ltmp3:
0xa5: {  	[sflag:s13] =	ssyncadd.s32 $0xFFFFC180;
	(pc) =	sbr.rel @p2 .LBB2_6-.Ltmp3, $4  }
0xa6: {  	[spmem:s3] =	stream.indirect.scatter.add.f32 [tilespmem:s11], [sflag:$0x6], $0x80, s14, s9, $0xb8;
	[tilespmem:$0x1BD00] =	vst v63  }
0xa7: {  	_ =	swait.ge [sflag:s15], $0x3E80  }
0xa8: {  	[sflag:s15] =	ssyncset.done $0x0  }
0xa9: {  	[sflag:s15] =	ssyncadd.s32 $0xFFFFC180  }
0xaa: {  	s28 =	sadd.s32 $0xFFFFFF80, s16  }
0xab: {  	s29 =	sand.u32 $0x7C00, s28  }
0xac: {  	s28 =	sand.u32 $0x300, s28;
	s19 =	sadd.s32 s5, s29  }
0xad: {  	s19 =	sor.u32 s28, s19  }
0xae: {  	s19 =	sshrl.u32 s19, $0x3  }
0xaf: {  	s29 =	sadd.s32 s7, s29;
	s19 =	sadd.s32 s6, s19  }
0xb0: {  	[tilespmem:s4], [sflag:$0x1] =	stream.linear.gather [hbm4b:s19+s4], $0x80, $0x38;
	[tilespmem:$0x1BD00] =	vst v63  }
0xb1: {  	s19 =	sor.u32 s28, s29  }
0xb2: {  	s19 =	sshrl.u32 s19, $0x3  }
0xb3: {  	s19 =	sadd.s32 s6, s19  }
0xb4: {  	[tilespmem:s2], [sflag:$0x1] =	stream.linear.gather [hbm4b:s19+s4], $0x80, $0x38;
	[tilespmem:$0x1BD00] =	vst v63  }
0xb5: {  	s19 =	sand.u32 $0x7C00, s16  }
0xb6: {  	s29 =	sand.u32 $0x380, s16;
	s28 =	sadd.s32 s5, s19;
	_ =	swait.ge [sflag:s17], $0x3E80  }
0xb7: {  	s19 =	sadd.s32 s7, s19;
	s28 =	sor.u32 s29, s28;
	[sflag:s17] =	ssyncset.done $0x0  }
.Ltmp4:
0xb8: {  	s19 =	sor.u32 s29, s19;
	s28 =	sshrl.u32 s28, $0x3;
	(pc) =	sbr.rel .LBB2_4-.Ltmp4, $4  }
0xb9: {  	[sflag:s17] =	ssyncadd.s32 $0xFFFFC180;
	s19 =	sshrl.u32 s19, $0x3;
	s28 =	sadd.s32 s6, s28  }
0xba: {  	[tilespmem:s0], [sflag:$0x2] =	stream.linear.gather [hbm4b:s28+s4], $0x80, $0x38;
	[tilespmem:$0x1BD00] =	vst v63  }
0xbb: {  	s16 =	sadd.s32 $0x100, s16;
	s19 =	sadd.s32 s6, s19  }
0xbc: {  	[tilespmem:s14], [sflag:$0x2] =	stream.linear.gather [hbm4b:s19+s4], $0x80, $0x38;
	[tilespmem:$0x1BD00] =	vst v63  }
.LBB2_7:
0xbd: {  	_ =	sfence.sel $0x180000  }
0xbe: {  	[bflag:$0x0] =	sbarrier.arrive $0xFFFF  }
0xbf: {  	_ =	strace $0x9000004D  }
0xc0: {  	s0 =	stileid.u32;
	[bflag:$0x2] =	sbarrier.arrive $0xFFFF  }
0xc1: {  	p0 =	sne.s32 s0, $0x0;
	s0 =	rddreg [dreg:$0x3]  }
0xc2: {  	s0 =	sadd.s32 @!p0 $0x100000, s0  }
0xc3: {  	[sflag:s0] =	ssyncadd.tile.s32 @!p0 $0x1;
	_ =	shalt  }
.Lfunc_end2:
_tile_overlayer_lowered:
.L_overlay_start_2:
0xc4: {  	(tag) =	ssettag $0x2  }
0xc5: {  	s0 =	rddreg [dreg:$0x0];
	s2 =	stileid.u32  }
0xc6: {  	s1 =	rddreg [dreg:$0x1];
	p0 =	sne.s32 s2, $0x0  }
0xc7: {  	s3 =	rddreg [dreg:$0x2];
	[bflag:$0x3] =	sbarrier.arrive $0xFFFF;
	s2 =	simm.s32 @!p0 $0x1C07  }
0xc8: {  	[timem:s3], [sflag:s2] =	dma.local @!p0 [hbm:s0], s1  }
0xc9: {  	s0 =	simm.s32 @!p0 $0x7  }
0xca: {  	_ =	swait.ge @!p0 [sflag:s0], s1  }
0xcb: {  	s1 =	ssub.s32 @!p0 $0x0, s1;
	[sflag:s0] =	ssyncset.done @!p0 $0x0  }
0xcc: {  	[sflag:s0] =	ssyncadd.s32 @!p0 s1  }
0xcd: {  	[bflag:$0x3] =	sbarrier.arrive $0xFFFF  }
0xce: {  	_ =	shalt  }

// kernel: kernel.7.cloned.1.call-start
scs
__scs_entry_jumppad:
0x0: {  	(pc) =	sbr.rel $0x88, $3  }
0x1: {  	(tag) =	ssettag $0x0;
	lr =	simm.s32 $0x1  }
0x2: {  	[smem:$0x3F96] =	sst lr;
	_ =	strace $0xD0000000  }
0x3: {  	_ = 	snop  }
0x4: {  	_ = 	snop  }
0x5: {  	_ = 	snop  }
0x6: {  	_ = 	snop  }
0x7: {  	_ = 	snop  }
__scs_overlays_trampoline_lowered:
0x8: {  	[smem:$0x3FA5] =	sst s0  }
0x9: {  	[smem:$0x3FA6] =	sst s1  }
0xa: {  	[smem:$0x3FA7] =	sst s2  }
0xb: {  	[smem:$0x3FA8] =	sst s3  }
0xc: {  	[smem:$0x3FA9] =	sst s4  }
0xd: {  	[smem:$0x3FAA] =	sst s5  }
0xe: {  	[smem:$0x3FAB] =	sst s6  }
0xf: {  	[smem:$0x3FAC] =	sst s7  }
0x10: {  	[smem:$0x3FAD] =	sst s8  }
0x11: {  	[smem:$0x3FAE] =	sst s9;
	s0 =	simm.s32 @!p0 $0x0  }
0x12: {  	s1 =	sld [smem:$0x3F94];
	s0 =	simm.s32 @p0 $0x1  }
0x13: {  	[smem:$0x3FAF] =	sst s0;
	s0 =	simm.s32 @!p1 $0x0  }
0x14: {  	s2 =	sld [smem:$0x3F93];
	s0 =	simm.s32 @p1 $0x1  }
0x15: {  	[smem:$0x3FB0] =	sst s0;
	s0 =	simm.s32 @!p2 $0x0  }
0x16: {  	s3 =	sld [smem:$0x3FDB];
	s0 =	simm.s32 @p2 $0x1  }
0x17: {  	s4 =	simm.s32 $0x1BF5;
	[smem:$0x3FB2] =	sst s0  }
0x18: {  	s0 =	sld [smem:$0x3F95];
	_ =	swait.ge [sflag:s4], $0x0  }
0x19: {  	s7 =	sld [smem:$0x3F96]  }
0x1a: {  	s8 =	sadd.s32 $0xFFFFE003, lr  }
0x1b: {  	s9 =	sadd.s32 $0xFFFFFEF7, lr;
	s5 =	simm.s32 $0xFFFFFFFF;
	p2 =	slt.u32 s8, $0xFFFFF086  }
0x1c: {  	p1 =	slt.u32 s9, $0xF7A;
	s5 =	simm.s32 @!p2 $0x0  }
0x1d: {  	s5 =	simm.s32 @p1 $0x1;
	p0 =	seq.s32 s7, s2  }
0x1e: {  	s7 =	smul.u32 @!p0 $0xF7A, s2;
	p2 =	seq.s32 @!p0 s5, $0x0  }
0x1f: {  	s9 =	smul.u32 $0xF7A, s1;
	s8 =	simm.s32 @!p0 $0x1BF5;
	p2 =	por !p2, p0  }
0x20: {  	[sflag:s8] =	ssyncset.s32 @!p0 $0xFFFFF086;
	s6 =	sadd.s32 @!p0 s3, s7;
	s7 =	simm.s32 @!p0 $0x108  }
0x21: {  	s3 =	sadd.s32 s3, s9;
	s6 =	sadd.s32 @!p0 $0x88, s6;
	s7 =	simm.s32 @p2 $0x1082  }
0x22: {  	[simem:s7], [sflag:s8] =	dma.local @!p0 [hbm:s6], $0xF7A  }
0x23: {  	s9 =	sor.u32 $0xD0000000, s2;
	s6 =	simm.s32 $0x108;
	_ =	swait.ge @!p0 [sflag:s8], $0x0  }
0x24: {  	s3 =	sadd.s32 $0x88, s3;
	s6 =	simm.s32 @!p1 $0x1082;
	[sflag:s4] =	ssyncset.s32 $0xFFFFF086  }
0x25: {  	[simem:s6], [sflag:s4] =	dma.local [hbm:s3], $0xF7A  }
0x26: {  	[smem:$0x3F96] =	sst s1;
	(tag) =	ssettag s2;
	_ =	strace s9  }
0x27: {  	s1 =	sld [smem:$0x3FA6]  }
0x28: {  	s2 =	sld [smem:$0x3FA7]  }
0x29: {  	s4 =	sld [smem:$0x3FA9]  }
0x2a: {  	p0 =	seq.s32 s5, $0x0;
	s5 =	sld [smem:$0x3FAA]  }
0x2b: {  	s6 =	sld [smem:$0x3FAB]  }
0x2c: {  	s7 =	sld [smem:$0x3FAC]  }
0x2d: {  	s3 =	simm.s32 $0x108;
	s8 =	sld [smem:$0x3FAD]  }
0x2e: {  	s3 =	simm.s32 @!p0 $0x1082;
	s9 =	sld [smem:$0x3FAE]  }
0x2f: {  	lr =	sadd.s32 s0, s3;
	s0 =	sld [smem:$0x3FA5]  }
0x30: {  	s3 =	sld [smem:$0x3FA8]  }
0x31: {  	[smem:$0x3FB1] =	sst s10  }
0x32: {  	s10 =	sld [smem:$0x3FAF];
	_ =	sdelay $0x3  }
0x33: {  	p0 =	seq.s32 s10, $0x1;
	s10 =	sld [smem:$0x3FB1];
	_ =	sdelay $0x3  }
0x34: {  	[smem:$0x3FB1] =	sst s10  }
0x35: {  	s10 =	sld [smem:$0x3FB0];
	_ =	sdelay $0x3  }
0x36: {  	p1 =	seq.s32 s10, $0x1;
	s10 =	sld [smem:$0x3FB1];
	_ =	sdelay $0x3  }
0x37: {  	[smem:$0x3FB1] =	sst s10  }
0x38: {  	s10 =	sld [smem:$0x3FB2]  }
0x39: {  	_ = 	snop;
	(pc) =	sbr.ind lr, $3  }
0x3a: {  	_ = 	snop  }
0x3b: {  	_ = 	snop  }
0x3c: {  	p2 =	seq.s32 s10, $0x1;
	s10 =	sld [smem:$0x3FB1]  }
0x3d: {  	_ =	shalt  }
0x3e: {  	_ =	shalt  }
0x3f: {  	_ =	shalt  }
0x40: {  	_ =	shalt  }
0x41: {  	_ =	shalt  }
0x42: {  	_ =	shalt  }
0x43: {  	_ =	shalt  }
0x44: {  	_ =	shalt  }
0x45: {  	_ =	shalt  }
0x46: {  	_ =	shalt  }
0x47: {  	_ =	shalt  }
0x48: {  	_ =	shalt  }
0x49: {  	_ =	shalt  }
0x4a: {  	_ =	shalt  }
0x4b: {  	_ =	shalt  }
0x4c: {  	_ =	shalt  }
0x4d: {  	_ =	shalt  }
0x4e: {  	_ =	shalt  }
0x4f: {  	_ =	shalt  }
0x50: {  	_ =	shalt  }
0x51: {  	_ =	shalt  }
0x52: {  	_ =	shalt  }
0x53: {  	_ =	shalt  }
0x54: {  	_ =	shalt  }
0x55: {  	_ =	shalt  }
0x56: {  	_ =	shalt  }
0x57: {  	_ =	shalt  }
0x58: {  	_ =	shalt  }
0x59: {  	_ =	shalt  }
0x5a: {  	_ =	shalt  }
0x5b: {  	_ =	shalt  }
0x5c: {  	_ =	shalt  }
0x5d: {  	_ =	shalt  }
0x5e: {  	_ =	shalt  }
0x5f: {  	_ =	shalt  }
0x60: {  	_ =	shalt  }
0x61: {  	_ =	shalt  }
0x62: {  	_ =	shalt  }
0x63: {  	_ =	shalt  }
0x64: {  	_ =	shalt  }
0x65: {  	_ =	shalt  }
0x66: {  	_ =	shalt  }
0x67: {  	_ =	shalt  }
0x68: {  	_ =	shalt  }
0x69: {  	_ =	shalt  }
0x6a: {  	_ =	shalt  }
0x6b: {  	_ =	shalt  }
0x6c: {  	_ =	shalt  }
0x6d: {  	_ =	shalt  }
0x6e: {  	_ =	shalt  }
0x6f: {  	_ =	shalt  }
0x70: {  	_ =	shalt  }
0x71: {  	_ =	shalt  }
0x72: {  	_ =	shalt  }
0x73: {  	_ =	shalt  }
0x74: {  	_ =	shalt  }
0x75: {  	_ =	shalt  }
0x76: {  	_ =	shalt  }
0x77: {  	_ =	shalt  }
0x78: {  	_ =	shalt  }
0x79: {  	_ =	shalt  }
0x7a: {  	_ =	shalt  }
0x7b: {  	_ =	shalt  }
0x7c: {  	_ =	shalt  }
0x7d: {  	_ =	shalt  }
0x7e: {  	_ =	shalt  }
0x7f: {  	_ =	shalt  }
0x80: {  	_ =	shalt  }
0x81: {  	_ =	shalt  }
0x82: {  	_ =	shalt  }
0x83: {  	_ =	shalt  }
0x84: {  	_ =	shalt  }
0x85: {  	_ =	shalt  }
0x86: {  	_ =	shalt  }
0x87: {  	_ =	shalt  }
.Lfunc_end0:
.L_simem_size_0:
called_computation_lowered:
.L_overlay_start_0:
0x88: {  	s2 =	sld [smem:$0x3FD9]  }
0x89: {  	s3 =	sld [smem:$0x3FFE];
	_ =	sdelay $0x1  }
0x8a: {  	s1 =	srdreg.scid  }
0x8b: {  	s0 =	sand.u32 $0x1, s1  }
0x8c: {  	s17 =	sshll.u32 s0, $0xA;
	s2 =	sadd.s32 s3, s2  }
0x8d: {  	s2 =	sadd.s32 s2, s17  }
0x8e: {  	[smem:$0x3FBD] =	sst s2  }
0x8f: {  	_ = 	snop  }
0x90: {  	s18 =	sld [smem:$0x3FC9];
	(tm) =	ssettm $0x1  }
0x91: {  	s19 =	sld [smem:$0x3FFB];
	_ =	sdelay $0x3  }
0x92: {  	_ =	strace s19  }
0x93: {  	s2 =	sld [smem:$0x3FFC];
	_ =	sdelay $0x3  }
0x94: {  	_ =	strace s2  }
0x95: {  	s2 =	sld [smem:$0x3FFD];
	_ =	sdelay $0x3  }
0x96: {  	_ =	strace s2  }
0x97: {  	_ =	strace $0x8FFFFFFF  }
0x98: {  	s20 =	sld [smem:$0x3FDB];
	_ =	sdelay $0x1  }
0x99: {  	s4 =	simm.s32 $_scs_section_size  }
0x9a: {  	s5 =	simm.s32 $_size__tile_overlayer_lowered;
	s6 =	simm.s32 $_tile_overlayer_lowered  }
0x9b: {  	s7 =	simm.s32 $0x1BFF;
	s21 =	sshll.u32 s6, $0x1;
	s4 =	sadd.s32 s4, s20  }
0x9c: {  	s22 =	simm.s32 $0x0;
	s5 =	sshll.u32 s5, $0x1;
	s6 =	sadd.s32 s21, s4  }
0x9d: {  	[timem:s22], [sflag:s7] =	dma.local [hbm:s6], s5  }
0x9e: {  	_ =	swait.ge [sflag:s7], s5  }
0x9f: {  	s5 =	ssub.s32 $0x0, s5;
	[sflag:s7] =	ssyncset.done $0x0  }
0xa0: {  	[sflag:s7] =	ssyncadd.s32 s5;
	_ =	sdelay $0x1  }
0xa1: {  	s23 =	simm.s32 $0x1B8B  }
0xa2: {  	_ =	swait.ge [sflag:s23], $0x1  }
0xa3: {  	[sflag:s23] =	ssyncset.done $0x0  }
0xa4: {  	[sflag:s23] =	ssyncadd.s32 $0xFFFFFFFF  }
0xa5: {  	s5 =	sld [smem:$0x0]  }
0xa6: {  	s6 =	sand.u32 $0xFFFFFFFE, s1  }
0xa7: {  	p0 =	sne.s32 s1, s6  }
0xa8: {  	s6 =	sshll.u32 @p0 s6, $0xE  }
0xa9: {  	s6 =	sadd.s32 @p0 $0x11B8D, s6;
	s7 =	sshll.u32 @p0 s5, $0x11  }
0xaa: {  	s6 =	sor.u32 @p0 s7, s6  }
0xab: {  	[sflag:s6] =	ssyncadd.remote.s32 @p0 $0x1;
	_ =	sdelay $0x1  }
0xac: {  	s6 =	simm.s32 @p0 $0x1B8D  }
0xad: {  	_ =	swait.eq @p0 [sflag:s6], $0x1  }
0xae: {  	[sflag:s6] =	ssyncadd.s32 @p0 $0xFFFFFFFF  }
0xaf: {  	s7 =	sshll.u32 @!p0 s1, $0xE  }
0xb0: {  	s7 =	sor.u32 @!p0 $0x4000, s7;
	s6 =	simm.s32 @!p0 $0x1B8D  }
0xb1: {  	s5 =	sshll.u32 @!p0 s5, $0x11;
	s7 =	sadd.s32 @!p0 $0x11B8D, s7;
	_ =	swait.eq @!p0 [sflag:s6], $0x1  }
0xb2: {  	s5 =	sor.u32 @!p0 s5, s7;
	[sflag:s6] =	ssyncadd.s32 @!p0 $0xFFFFFFFF  }
0xb3: {  	s25 =	simm.s32 $0x1B8E;
	s24 =	sld [smem:$0x3FFE];
	[sflag:s5] =	ssyncadd.remote.s32 @!p0 $0x1  }
0xb4: {  	s26 =	simm.s32 $execute0_lowered;
	[smem:$0x3FD2] =	sst s25  }
0xb5: {  	s6 =	sshll.u32 s26, $0x1;
	_ =	strace $0x80000049;
	[dreg:$0x1] =	wrdreg $0xFFFFFFFF  }
0xb6: {  	s28 =	simm.s32 $_size_execute0_lowered;
	s4 =	sadd.s32 s4, s6;
	[dreg:$0x0] =	wrdreg $0x0  }
0xb7: {  	s6 =	sshll.u32 s28, $0x1;
	[dreg:$0x2] =	wrdreg s4  }
0xb8: {  	[dreg:$0x3] =	wrdreg s6  }
0xb9: {  	[dreg:$0x4] =	wrdreg $0xC0  }
0xba: {  	_ =	task [dreg:s22], $0x5FFFF  }
0xbb: {  	[dreg:$0x1] =	wrdreg $0xFFFFFFFF  }
0xbc: {  	[dreg:$0x0] =	wrdreg $0x60  }
0xbd: {  	[dreg:$0x2] =	wrdreg s18  }
0xbe: {  	[dreg:$0x3] =	wrdreg s24  }
0xbf: {  	[dreg:$0x4] =	wrdreg $0x82000  }
0xc0: {  	[dreg:$0x5] =	wrdreg $0x9  }
0xc1: {  	_ =	task.clear_ibuf [dreg:s22], $0x6FFFF;
	_ =	strace $0x90000049  }
0xc2: {  	s29 =	simm.s32 $0x9;
	_ =	strace $0x8000004B  }
0xc3: {  	_ =	swait.ge [sflag:s29], $0x1  }
0xc4: {  	[sflag:s29] =	ssyncadd.s32 $0xFFFFFFFF  }
0xc5: {  	_ =	strace $0x9000004B  }
0xc6: {  	_ =	sfence  }
0xc7: {  	s30 =	sld [smem:$0x0];
	_ =	sdelay $0x2  }
0xc8: {  	s31 =	sshll.u32 s1, $0xD;
	s1 =	sshrl.u32 s1, $0x2  }
0xc9: {  	s4 =	sand.u32 $0x4000, s31;
	s1 =	sadd.s32 s1, s30  }
0xca: {  	s0 =	sor.u32 s4, s0;
	s1 =	sshll.u32 s1, $0x11  }
0xcb: {  	s0 =	sor.u32 s1, s0  }
0xcc: {  	s0 =	sadd.s32 $0x8F2B, s0  }
0xcd: {  	[sflag:s0] =	ssyncadd.remote.s32 $0x1  }
0xce: {  	_ =	sfence.sel $0xFFFF  }
0xcf: {  	[dreg:$0x0] =	wrdreg $0xFFFFFFFF;
	(pc) =	sbr.abs _section_cstart, $3  }
0xd0: {  	[dreg:$0x1] =	wrdreg $0xFFFFFFFF  }
0xd1: {  	_ =	task.clear_ibuf [dreg:s22], $0x2FFFF;
	_ =	strace $0x9FFFFFFF  }
0xd2: {  	(tm) =	ssettm $0x7FFFFFFF  }
0xd3: {  	_ =	shalt  }
tec
execute0_lowered:
.L_overlay_start_1:
0x0: {  	(tag) =	ssettag $0x1  }
0x1: {  	s24 =	stileid.u32  }
0x2: {  	s0 =	srdreg.scid;
	s9 =	smul.u32 $0x2800, s24  }
0x3: {  	s0 =	sand.u32 $0x1, s0;
	s26 =	smul.u32 $0xA000, s24  }
0x4: {  	s8 =	sor.u32 $0x10, s24;
	s7 =	smul.u32 $0x138800, s0  }
0x5: {  	s10 =	sor.u32 $0x20, s24;
	s11 =	smul.u32 $0x2800, s8  }
0x6: {  	s1 =	rddreg [dreg:$0x0];
	s12 =	sor.u32 $0x30, s24;
	s13 =	smul.u32 $0x2800, s10  }
0x7: {  	s2 =	rddreg [dreg:$0x1];
	s14 =	sor.u32 $0x40, s24;
	s15 =	smul.u32 $0x2800, s12  }
0x8: {  	s3 =	rddreg [dreg:$0x2];
	s17 =	sor.u32 $0x50, s24;
	s18 =	smul.u32 $0x2800, s14  }
0x9: {  	s30 =	simm.s32 $0x200;
	s22 =	sor.u32 $0x70, s24;
	s19 =	smul.u32 $0x2800, s17  }
0xa: {  	s31 =	simm.s32 $0x7;
	s6 =	sadd.s32 $0x51600, s2;
	s23 =	smul.u32 $0x2800, s22  }
0xb: {  	s2 =	sadd.s32 $0x65600, s2;
	s4 =	sshll.u32 s0, $0x4;
	s8 =	smul.u32 $0xA000, s8  }
0xc: {  	s0 =	ssub.s32 $0x2, s0;
	s14 =	smul.u32 $0xA000, s14;
	p0 =	sgt.u32 s22, $0x7D  }
0xd: {  	p1 =	sgt.u32 s22, $0x7C;
	s5 =	sor.u32 s24, s4;
	s4 =	simm.s32 $0x0  }
0xe: {  	s16 =	sshrl.u32 s0, $0x1;
	s5 =	smul.u32 $0x2800, s5;
	[smem:$0x7FF] =	sst s4  }
0xf: {  	s0 =	ssub.s32 s0, s16;
	s16 =	sor.u32 $0x60, s24;
	s9 =	sadd.s32 s7, s9  }
0x10: {  	s11 =	sadd.s32 s7, s11;
	s13 =	sadd.s32 s7, s13;
	s15 =	sadd.s32 s7, s15  }
0x11: {  	s18 =	sadd.s32 s7, s18;
	s19 =	sadd.s32 s7, s19;
	s23 =	sadd.s32 s7, s23  }
0x12: {  	_ =	strace $0x8000004A;
	s21 =	smul.u32 $0x2800, s16;
	s9 =	sshrl.u32 s9, $0x3  }
0x13: {  	s11 =	sshrl.u32 s11, $0x3;
	s19 =	sshrl.u32 s19, $0x3;
	s25 =	sshrl.u32 s23, $0x3  }
0x14: {  	s0 =	smax.u32 s0, $0x1;
	s20 =	sshrl.u32 s5, $0x3;
	s9 =	sadd.s32 s2, s9  }
0x15: {  	s29 =	sadd.s32 s2, s11;
	s11 =	sshrl.u32 s13, $0x3;
	[dreg:$0xe] =	wrdreg s0  }
0x16: {  	s13 =	sshrl.u32 s15, $0x3;
	s15 =	sshrl.u32 s18, $0x3;
	[dreg:$0x4] =	wrdreg s9  }
0x17: {  	s21 =	sadd.s32 s7, s21;
	s7 =	sadd.s32 $0x50000, s5;
	[dreg:$0x5] =	wrdreg s29  }
0x18: {  	s9 =	sadd.s32 s2, s11;
	s18 =	sadd.s32 s2, s15;
	s29 =	smul.u32 $0xA000, s10  }
0x19: {  	s11 =	sadd.s32 s6, s20;
	s10 =	smul.u32 $0xA000, s12;
	s12 =	sshrl.u32 s8, $0x2  }
0x1a: {  	s15 =	smul.u32 $0xA000, s17;
	s17 =	sshrl.u32 s14, $0x2;
	s8 =	simm.s32 $0x1  }
0x1b: {  	s14 =	simm.s32 $0x180;
	[dreg:$0x6] =	wrdreg s9;
	s9 =	sadd.s32 s2, s13  }
0x1c: {  	[dreg:$0x8] =	wrdreg s18;
	s21 =	sshrl.u32 s21, $0x3;
	s28 =	sshrl.u32 s7, $0x3  }
0x1d: {  	s20 =	sadd.s32 s12, s3;
	s18 =	smul.u32 $0xA000, s16;
	s23 =	sadd.s32 s17, s3  }
0x1e: {  	[dreg:$0xc] =	wrdreg s11;
	s12 =	simm.s32 $0x3;
	s17 =	simm.s32 $0x6  }
0x1f: {  	[dreg:$0x7] =	wrdreg s9;
	s9 =	sadd.s32 s2, s19;
	s13 =	sshrl.u32 s29, $0x2  }
0x20: {  	s0 =	sshrl.u32 s10, $0x2;
	s19 =	smul.u32 $0xA000, s22;
	s24 =	sshrl.u32 s15, $0x2  }
0x21: {  	s29 =	sadd.s32 $0xA010, s11;
	s10 =	simm.s32 $0x2;
	s15 =	simm.s32 $0x5  }
0x22: {  	[dreg:$0x9] =	wrdreg s9;
	s9 =	sadd.s32 s2, s21;
	s2 =	sadd.s32 s2, s25  }
0x23: {  	s21 =	sadd.s32 s13, s3;
	s22 =	sadd.s32 s0, s3;
	s24 =	sadd.s32 s24, s3  }
0x24: {  	s25 =	sshrl.u32 s18, $0x2;
	[dreg:$0x11] =	wrdreg s29;
	s0 =	simm.s32 $0x80  }
0x25: {  	s13 =	simm.s32 $0x4;
	s18 =	simm.s32 $0x0;
	[dreg:$0xa] =	wrdreg s9  }
.Ltmp0:
0x26: {  	[dreg:$0xb] =	wrdreg s2;
	s9 =	sadd.s32 s6, s28;
	(pc) =	sbr.rel .LBB2_1-.Ltmp0, $4  }
0x27: {  	s2 =	sshrl.u32 s26, $0x2;
	s26 =	sshrl.u32 s19, $0x2;
	s25 =	sadd.s32 s25, s3  }
0x28: {  	s28 =	sadd.s32 $0x10, s11;
	s11 =	simm.s32 $0x4200;
	[dreg:$0xd] =	wrdreg s9  }
0x29: {  	s2 =	sadd.s32 s2, s3;
	s26 =	sadd.s32 s26, s3;
	[dreg:$0x10] =	wrdreg s28  }
0x2a: {  	v0 =	vimm.f32 $0.0e+00;
	s9 =	simm.s32 $0x7D;
	[dreg:$0xf] =	wrdreg s2;
	s2 =	simm.s32 $0x100  }
.LBB2_6:
0x2b: {  	_ =	swait.ge [sflag:s17], $0x3E80  }
0x2c: {  	[sflag:s17] =	ssyncset.done $0x0  }
0x2d: {  	[sflag:s17] =	ssyncadd.s32 $0xFFFFC180  }
0x2e: {  	s16 =	stileid.u32;
	[bflag:$0x0] =	sbarrier.arrive $0xFFFF  }
0x2f: {  	s16 =	sshll.u32 s16, $0x6;
	s19 =	rddreg [dreg:$0xf]  }
0x30: {  	s16 =	sor.u32 $0x1C07, s16;
	s28 =	rddreg [dreg:$0x4];
	s19 =	sshrl.u32 s19, $0x3  }
0x31: {  	[hbm:s28], [sflag:s16] =	dma.local [spmem:s19], $0x500  }
0x32: {  	_ =	swait.ge [sflag:s31], $0x500  }
0x33: {  	[sflag:s31] =	ssyncset.done $0x0  }
0x34: {  	s19 =	sshrl.u32 s20, $0x3;
	s29 =	rddreg [dreg:$0x5];
	[sflag:s31] =	ssyncadd.s32 $0xFFFFFB00  }
0x35: {  	[hbm:s29], [sflag:s16] =	dma.local [spmem:s19], $0x500  }
0x36: {  	_ =	swait.ge [sflag:s31], $0x500  }
0x37: {  	[sflag:s31] =	ssyncset.done $0x0  }
0x38: {  	s19 =	sshrl.u32 s21, $0x3;
	s29 =	rddreg [dreg:$0x6];
	[sflag:s31] =	ssyncadd.s32 $0xFFFFFB00  }
0x39: {  	[hbm:s29], [sflag:s16] =	dma.local [spmem:s19], $0x500  }
0x3a: {  	_ =	swait.ge [sflag:s31], $0x500  }
0x3b: {  	[sflag:s31] =	ssyncset.done $0x0  }
0x3c: {  	s19 =	sshrl.u32 s22, $0x3;
	s29 =	rddreg [dreg:$0x7];
	[sflag:s31] =	ssyncadd.s32 $0xFFFFFB00  }
0x3d: {  	[hbm:s29], [sflag:s16] =	dma.local [spmem:s19], $0x500  }
0x3e: {  	_ =	swait.ge [sflag:s31], $0x500  }
0x3f: {  	[sflag:s31] =	ssyncset.done $0x0  }
0x40: {  	s19 =	sshrl.u32 s23, $0x3;
	s29 =	rddreg [dreg:$0x8];
	[sflag:s31] =	ssyncadd.s32 $0xFFFFFB00  }
0x41: {  	[hbm:s29], [sflag:s16] =	dma.local [spmem:s19], $0x500  }
0x42: {  	_ =	swait.ge [sflag:s31], $0x500  }
0x43: {  	[sflag:s31] =	ssyncset.done $0x0  }
0x44: {  	s19 =	sshrl.u32 s24, $0x3;
	s29 =	rddreg [dreg:$0x9];
	[sflag:s31] =	ssyncadd.s32 $0xFFFFFB00  }
0x45: {  	[hbm:s29], [sflag:s16] =	dma.local [spmem:s19], $0x500  }
0x46: {  	_ =	swait.ge [sflag:s31], $0x500  }
0x47: {  	[sflag:s31] =	ssyncset.done $0x0  }
0x48: {  	s19 =	sshrl.u32 s25, $0x3;
	s29 =	rddreg [dreg:$0xa];
	[sflag:s31] =	ssyncadd.s32 $0xFFFFFB00  }
0x49: {  	[hbm:s29], [sflag:s16] =	dma.local [spmem:s19], $0x500  }
0x4a: {  	_ =	swait.ge [sflag:s31], $0x500  }
0x4b: {  	[sflag:s31] =	ssyncset.done $0x0  }
0x4c: {  	s19 =	sshrl.u32 @!p1 s26, $0x3;
	s28 =	rddreg [dreg:$0xb];
	[sflag:s31] =	ssyncadd.s32 $0xFFFFFB00  }
0x4d: {  	[hbm:s28], [sflag:s16] =	dma.local @!p1 [spmem:s19], $0x500  }
0x4e: {  	s16 =	simm.s32 @!p1 $0x7  }
0x4f: {  	_ =	swait.ge @!p1 [sflag:s16], $0x500  }
0x50: {  	s18 =	sadd.s32 $0x1, s18;
	s29 =	rddreg [dreg:$0xe]  }
0x51: {  	p2 =	sne.s32 s18, s29  }
.Ltmp1:
0x52: {  	_ = 	snop;
	(pc) =	sbr.rel @!p2 .LBB2_7-.Ltmp1, $3  }
0x53: {  	_ =	sdelay $0x1  }
0x54: {  	[sflag:s16] =	ssyncset.done @!p1 $0x0  }
0x55: {  	[sflag:s16] =	ssyncadd.s32 @!p1 $0xFFFFFB00  }
.LBB2_1:
0x56: {  	s16 =	simm.s32 $0x70;
	s28 =	simm.s32 $0x3C0  }
.LBB2_2:
0x57: {  	p2 =	sne.s32 s28, $0xF9C0;
	[tilespmem:s16+$0x200] =	vst v0  }
0x58: {  	[tilespmem:s16+$0x190] =	vst v0  }
0x59: {  	[tilespmem:s16+$0x1A0] =	vst v0  }
.Ltmp2:
0x5a: {  	[tilespmem:s16+$0x1B0] =	vst v0;
	(pc) =	sbr.rel @p2 .LBB2_2-.Ltmp2, $4  }
0x5b: {  	[tilespmem:s16+$0x1C0] =	vst v0  }
0x5c: {  	[tilespmem:s16+$0x1D0] =	vst v0  }
0x5d: {  	[tilespmem:s16+$0x1E0] =	vst v0  }
0x5e: {  	[tilespmem:s16+$0x1F0] =	vst v0;
	s16 =	sshra.s32 s28, $0x2;
	s28 =	sadd.s32 $0x200, s28  }
0x5f: {  	[tilespmem:s16+$0x200] =	vst v0  }
0x60: {  	[tilespmem:s16+$0x190] =	vst v0  }
0x61: {  	[tilespmem:s16+$0x1A0] =	vst v0  }
0x62: {  	[tilespmem:s16+$0x1B0] =	vst v0  }
0x63: {  	[tilespmem:s16+$0x1C0] =	vst v0  }
0x64: {  	[tilespmem:s16+$0x1D0] =	vst v0  }
0x65: {  	[tilespmem:s16+$0x1E0] =	vst v0  }
0x66: {  	[tilespmem:s16+$0x1F0] =	vst v0;
	s29 =	rddreg [dreg:$0xf]  }
0x67: {  	[spmem:s29] =	stream.linear.scatter [tilespmem:s30], [sflag:$0x7], $0x2800, $0x38;
	[tilespmem:$0x1BD00] =	vst v63  }
0x68: {  	_ =	swait.ge [sflag:s31], $0x2800  }
0x69: {  	[sflag:s31] =	ssyncset.done $0x0  }
0x6a: {  	[sflag:s31] =	ssyncadd.s32 $0xFFFFD800  }
0x6b: {  	[spmem:s20] =	stream.linear.scatter [tilespmem:s30], [sflag:$0x7], $0x2800, $0x38;
	[tilespmem:$0x1BD00] =	vst v63  }
0x6c: {  	_ =	swait.ge [sflag:s31], $0x2800  }
0x6d: {  	[sflag:s31] =	ssyncset.done $0x0  }
0x6e: {  	[sflag:s31] =	ssyncadd.s32 $0xFFFFD800  }
0x6f: {  	[spmem:s21] =	stream.linear.scatter [tilespmem:s30], [sflag:$0x7], $0x2800, $0x38;
	[tilespmem:$0x1BD00] =	vst v63  }
0x70: {  	_ =	swait.ge [sflag:s31], $0x2800  }
0x71: {  	[sflag:s31] =	ssyncset.done $0x0  }
0x72: {  	[sflag:s31] =	ssyncadd.s32 $0xFFFFD800  }
0x73: {  	[spmem:s22] =	stream.linear.scatter [tilespmem:s30], [sflag:$0x7], $0x2800, $0x38;
	[tilespmem:$0x1BD00] =	vst v63  }
0x74: {  	_ =	swait.ge [sflag:s31], $0x2800  }
0x75: {  	[sflag:s31] =	ssyncset.done $0x0  }
0x76: {  	[sflag:s31] =	ssyncadd.s32 $0xFFFFD800  }
0x77: {  	[spmem:s23] =	stream.linear.scatter [tilespmem:s30], [sflag:$0x7], $0x2800, $0x38;
	[tilespmem:$0x1BD00] =	vst v63  }
0x78: {  	_ =	swait.ge [sflag:s31], $0x2800  }
0x79: {  	[sflag:s31] =	ssyncset.done $0x0  }
0x7a: {  	[sflag:s31] =	ssyncadd.s32 $0xFFFFD800  }
0x7b: {  	[spmem:s24] =	stream.linear.scatter [tilespmem:s30], [sflag:$0x7], $0x2800, $0x38;
	[tilespmem:$0x1BD00] =	vst v63  }
0x7c: {  	_ =	swait.ge [sflag:s31], $0x2800  }
0x7d: {  	[sflag:s31] =	ssyncset.done $0x0  }
0x7e: {  	[sflag:s31] =	ssyncadd.s32 $0xFFFFD800  }
0x7f: {  	[spmem:s25] =	stream.linear.scatter [tilespmem:s30], [sflag:$0x7], $0x2800, $0x38;
	[tilespmem:$0x1BD00] =	vst v63  }
0x80: {  	_ =	swait.ge [sflag:s31], $0x2800  }
0x81: {  	[sflag:s31] =	ssyncset.done $0x0  }
0x82: {  	s16 =	simm.s32 @!p0 $0x200;
	[sflag:s31] =	ssyncadd.s32 $0xFFFFD800  }
0x83: {  	[spmem:s26] =	stream.linear.scatter @!p0 [tilespmem:s16], [sflag:$0x7], $0x2800, $0x38;
	[tilespmem:$0x1BD00] =	vst v63  }
0x84: {  	s16 =	simm.s32 @!p0 $0x7  }
0x85: {  	_ =	swait.ge @!p0 [sflag:s16], $0x2800  }
0x86: {  	[sflag:s16] =	ssyncset.done @!p0 $0x0  }
0x87: {  	[sflag:s16] =	ssyncadd.s32 @!p0 $0xFFFFD800  }
0x88: {  	[bflag:$0x0] =	sbarrier.arrive $0xFFFF  }
0x89: {  	s19 =	rddreg [dreg:$0xc]  }
0x8a: {  	[tilespmem:s4], [sflag:$0x1] =	stream.linear.gather [hbm4b:s19+s4], $0x80, $0x38;
	[tilespmem:$0x1BD00] =	vst v63  }
0x8b: {  	s28 =	rddreg [dreg:$0xd]  }
0x8c: {  	[tilespmem:s2], [sflag:$0x1] =	stream.linear.gather [hbm4b:s28+s4], $0x80, $0x38;
	[tilespmem:$0x1BD00] =	vst v63  }
0x8d: {  	s29 =	rddreg [dreg:$0x10]  }
0x8e: {  	[tilespmem:s0], [sflag:$0x2] =	stream.linear.gather [hbm4b:s29+s4], $0x80, $0x38;
	[tilespmem:$0x1BD00] =	vst v63  }
0x8f: {  	s16 =	simm.s32 $0x180;
	s19 =	rddreg [dreg:$0x11]  }
0x90: {  	[tilespmem:s16], [sflag:$0x2] =	stream.linear.gather [hbm4b:s19+s4], $0x80, $0x38;
	[tilespmem:$0x1BD00] =	vst v63  }
.LBB2_4:
0x91: {  	_ =	swait.ge [sflag:s8], $0x80  }
0x92: {  	[sflag:s8] =	ssyncset.done $0x0  }
0x93: {  	[sflag:s8] =	ssyncadd.s32 $0xFFFFFF80  }
0x94: {  	_ =	swait.ge [sflag:s8], $0x80  }
0x95: {  	[sflag:s8] =	ssyncset.done $0x0  }
0x96: {  	[sflag:s8] =	ssyncadd.s32 $0xFFFFFF80  }
0x97: {  	[tilespmem:s30], [sflag:$0x3] =	stream.indirect.gather [hbm4b:s1+s9], $0x80, s4, s9, $0xb8;
	[tilespmem:$0x1BD00] =	vst v63  }
0x98: {  	_ =	swait.ge [sflag:s10], $0x80  }
0x99: {  	[sflag:s10] =	ssyncset.done $0x0  }
0x9a: {  	[sflag:s10] =	ssyncadd.s32 $0xFFFFFF80  }
0x9b: {  	_ =	swait.ge [sflag:s10], $0x80  }
0x9c: {  	[sflag:s10] =	ssyncset.done $0x0  }
0x9d: {  	[sflag:s10] =	ssyncadd.s32 $0xFFFFFF80  }
0x9e: {  	[tilespmem:s11], [sflag:$0x4] =	stream.indirect.gather [hbm4b:s1+s9], $0x80, s0, s9, $0xb8;
	[tilespmem:$0x1BD00] =	vst v63  }
0x9f: {  	_ =	swait.ge [sflag:s12], $0x3E80  }
0xa0: {  	[sflag:s12] =	ssyncset.done $0x0  }
0xa1: {  	[sflag:s12] =	ssyncadd.s32 $0xFFFFC180  }
0xa2: {  	[spmem:s3] =	stream.indirect.scatter.add.f32 [tilespmem:s30], [sflag:$0x5], $0x80, s2, s9, $0xb8;
	[tilespmem:$0x1BD00] =	vst v63  }
0xa3: {  	_ =	swait.ge [sflag:s13], $0x3E80  }
0xa4: {  	p2 =	seq.s32 s16, $0x2880;
	[sflag:s13] =	ssyncset.done $0x0  }
.Ltmp3:
0xa5: {  	[sflag:s13] =	ssyncadd.s32 $0xFFFFC180;
	(pc) =	sbr.rel @p2 .LBB2_6-.Ltmp3, $4  }
0xa6: {  	[spmem:s3] =	stream.indirect.scatter.add.f32 [tilespmem:s11], [sflag:$0x6], $0x80, s14, s9, $0xb8;
	[tilespmem:$0x1BD00] =	vst v63  }
0xa7: {  	_ =	swait.ge [sflag:s15], $0x3E80  }
0xa8: {  	[sflag:s15] =	ssyncset.done $0x0  }
0xa9: {  	[sflag:s15] =	ssyncadd.s32 $0xFFFFC180  }
0xaa: {  	s28 =	sadd.s32 $0xFFFFFF80, s16  }
0xab: {  	s29 =	sand.u32 $0x7C00, s28  }
0xac: {  	s28 =	sand.u32 $0x300, s28;
	s19 =	sadd.s32 s5, s29  }
0xad: {  	s19 =	sor.u32 s28, s19  }
0xae: {  	s19 =	sshrl.u32 s19, $0x3  }
0xaf: {  	s29 =	sadd.s32 s7, s29;
	s19 =	sadd.s32 s6, s19  }
0xb0: {  	[tilespmem:s4], [sflag:$0x1] =	stream.linear.gather [hbm4b:s19+s4], $0x80, $0x38;
	[tilespmem:$0x1BD00] =	vst v63  }
0xb1: {  	s19 =	sor.u32 s28, s29  }
0xb2: {  	s19 =	sshrl.u32 s19, $0x3  }
0xb3: {  	s19 =	sadd.s32 s6, s19  }
0xb4: {  	[tilespmem:s2], [sflag:$0x1] =	stream.linear.gather [hbm4b:s19+s4], $0x80, $0x38;
	[tilespmem:$0x1BD00] =	vst v63  }
0xb5: {  	s19 =	sand.u32 $0x7C00, s16  }
0xb6: {  	s29 =	sand.u32 $0x380, s16;
	s28 =	sadd.s32 s5, s19;
	_ =	swait.ge [sflag:s17], $0x3E80  }
0xb7: {  	s19 =	sadd.s32 s7, s19;
	s28 =	sor.u32 s29, s28;
	[sflag:s17] =	ssyncset.done $0x0  }
.Ltmp4:
0xb8: {  	s19 =	sor.u32 s29, s19;
	s28 =	sshrl.u32 s28, $0x3;
	(pc) =	sbr.rel .LBB2_4-.Ltmp4, $4  }
0xb9: {  	[sflag:s17] =	ssyncadd.s32 $0xFFFFC180;
	s19 =	sshrl.u32 s19, $0x3;
	s28 =	sadd.s32 s6, s28  }
0xba: {  	[tilespmem:s0], [sflag:$0x2] =	stream.linear.gather [hbm4b:s28+s4], $0x80, $0x38;
	[tilespmem:$0x1BD00] =	vst v63  }
0xbb: {  	s16 =	sadd.s32 $0x100, s16;
	s19 =	sadd.s32 s6, s19  }
0xbc: {  	[tilespmem:s14], [sflag:$0x2] =	stream.linear.gather [hbm4b:s19+s4], $0x80, $0x38;
	[tilespmem:$0x1BD00] =	vst v63  }
.LBB2_7:
0xbd: {  	_ =	sfence.sel $0x180000  }
0xbe: {  	[bflag:$0x0] =	sbarrier.arrive $0xFFFF  }
0xbf: {  	_ =	strace $0x9000004A  }
0xc0: {  	s0 =	stileid.u32;
	[bflag:$0x2] =	sbarrier.arrive $0xFFFF  }
0xc1: {  	p0 =	sne.s32 s0, $0x0;
	s0 =	rddreg [dreg:$0x3]  }
0xc2: {  	s0 =	sadd.s32 @!p0 $0x100000, s0  }
0xc3: {  	[sflag:s0] =	ssyncadd.tile.s32 @!p0 $0x1;
	_ =	shalt  }
.Lfunc_end2:
_tile_overlayer_lowered:
.L_overlay_start_2:
0xc4: {  	(tag) =	ssettag $0x2  }
0xc5: {  	s0 =	rddreg [dreg:$0x0];
	s2 =	stileid.u32  }
0xc6: {  	s1 =	rddreg [dreg:$0x1];
	p0 =	sne.s32 s2, $0x0  }
0xc7: {  	s3 =	rddreg [dreg:$0x2];
	[bflag:$0x3] =	sbarrier.arrive $0xFFFF;
	s2 =	simm.s32 @!p0 $0x1C07  }
0xc8: {  	[timem:s3], [sflag:s2] =	dma.local @!p0 [hbm:s0], s1  }
0xc9: {  	s0 =	simm.s32 @!p0 $0x7  }
0xca: {  	_ =	swait.ge @!p0 [sflag:s0], s1  }
0xcb: {  	s1 =	ssub.s32 @!p0 $0x0, s1;
	[sflag:s0] =	ssyncset.done @!p0 $0x0  }
0xcc: {  	[sflag:s0] =	ssyncadd.s32 @!p0 s1  }
0xcd: {  	[bflag:$0x3] =	sbarrier.arrive $0xFFFF  }
0xce: {  	_ =	shalt  }

</sc_bundles>
